<compile_context>
chip_gen: v7x
topology: tpu7x:2x2x1
jax: 0.10.2.dev20260603
libtpu: 0.0.44.dev20260713+nightly
codegen_flags: <defaults>
</compile_context>

<pallas_src>
import functools
import numpy as np
import jax
import jax.numpy as jnp
from jax.experimental import pallas as pl

_RATIOS = (0.5, 1.0, 2.0)
_SCALES = (8, 16, 32)
_FEAT_STRIDE = 16
_BASE_SIZE = 16
_N_PRE = 12000
_N_POST = 2000
_NMS_TH = 0.7
_MIN_SIZE = 16.0

_HH = 50
_WW = 50
_HP = _HH + 2
_NQ = _HP * _HP
_NQV = _HH * _HP
_NSORT = 12288
_NT = _NSORT // 128


def _anchors_np(hh, ww):
    py = px = _BASE_SIZE / 2.0
    ab = np.zeros((9, 4), dtype=np.float32)
    for i, r in enumerate(_RATIOS):
        for j, s in enumerate(_SCALES):
            h = _BASE_SIZE * s * np.sqrt(r)
            w = _BASE_SIZE * s * np.sqrt(1.0 / r)
            ab[i * 3 + j] = [py - h / 2, px - w / 2, py + h / 2, px + w / 2]
    sy = np.arange(0, hh * _FEAT_STRIDE, _FEAT_STRIDE)
    sx = np.arange(0, ww * _FEAT_STRIDE, _FEAT_STRIDE)
    sx, sy = np.meshgrid(sx, sy)
    shift = np.stack((sy.ravel(), sx.ravel(), sy.ravel(), sx.ravel()), axis=1)
    anchor = ab.reshape((1, 9, 4)) + shift.reshape((-1, 1, 4))
    return anchor.reshape((-1, 4)).astype(np.float32)


def _anchor_planes_np(hh, ww):
    a = _anchors_np(hh, ww).reshape(hh, ww, 9, 4)
    planes = []
    for comp in range(4):
        p = np.ones((hh, _HP, 16), dtype=np.float32)
        p[:, :ww, :9] = a[:, :, :, comp]
        planes.append(p.reshape(_NQV, 16))
    ay1, ax1, ay2, ax2 = planes
    src_h = ay2 - ay1
    src_w = ax2 - ax1
    src_cy = ay1 + 0.5 * src_h
    src_cx = ax1 + 0.5 * src_w
    return src_h, src_w, src_cy, src_cx


def _conv_body(xf_ref, w1_ref, acc_ref):
    for k in range(9):
        off = (k // 3) * _HP + (k % 3)
        t = jnp.dot(xf_ref[off:off + _NQV, :].astype(jnp.bfloat16),
                    w1_ref[k].astype(jnp.bfloat16),
                    preferred_element_type=jnp.float32)
        if k == 0:
            acc_ref[...] = t
        else:
            acc_ref[...] += t


def _head_body(accr, b1, wh, bh, sh, sw, scy, scx, ihw,
               dy_o, dx_o, dh_o, dw_o, s0_o, s1_o, sc_o,
               y1_o, x1_o, y2_o, x2_o):
    h = jnp.maximum(accr[...] + b1[0:1, :], 0.0)
    hd = jnp.dot(h.astype(jnp.bfloat16), wh[...].astype(jnp.bfloat16),
                 preferred_element_type=jnp.float32) + bh[0:1, :]
    dy = hd[:, 0:16]
    dx = hd[:, 16:32]
    dh = hd[:, 32:48]
    dw = hd[:, 48:64]
    s0 = hd[:, 64:80]
    s1 = hd[:, 80:96]
    src_h = sh[...]
    src_w = sw[...]
    cy = dy * src_h + scy[...]
    cx = dx * src_w + scx[...]
    bhh = jnp.exp(dh) * src_h
    bww = jnp.exp(dw) * src_w
    img_h = ihw[0, 0]
    img_w = ihw[0, 1]
    y1 = jnp.clip(cy - 0.5 * bhh, 0.0, img_h)
    x1 = jnp.clip(cx - 0.5 * bww, 0.0, img_w)
    y2 = jnp.clip(cy + 0.5 * bhh, 0.0, img_h)
    x2 = jnp.clip(cx + 0.5 * bww, 0.0, img_w)
    m = jnp.maximum(s0, s1)
    e0 = jnp.exp(s0 - m)
    e1 = jnp.exp(s1 - m)
    fg = e1 / (e0 + e1)
    valid = ((y2 - y1) >= _MIN_SIZE) & ((x2 - x1) >= _MIN_SIZE)
    sc = jnp.where(valid, fg, -jnp.inf)
    dy_o[...] = dy
    dx_o[...] = dx
    dh_o[...] = dh
    dw_o[...] = dw
    s0_o[...] = s0
    s1_o[...] = s1
    sc_o[...] = sc
    y1_o[...] = y1
    x1_o[...] = x1
    y2_o[...] = y2
    x2_o[...] = x2


def _run_head(x, W1, b1, Wloc, bloc, Wscore, bscore, img_size):
    xh = jnp.transpose(x[0], (1, 2, 0))
    xp = jnp.pad(xh, ((1, 1), (1, 1), (0, 0)))
    xf = jnp.concatenate(
        [xp.reshape(_NQ, 512), jnp.zeros((8, 512), jnp.float32)], axis=0)
    w1 = jnp.transpose(W1, (2, 3, 1, 0)).reshape(9, 512, 512)
    Wl = Wloc[:, :, 0, 0]
    Ws = Wscore[:, :, 0, 0]
    cols = []
    bcols = []
    for g in range(4):
        cols.append(Wl[g::4].T)
        bcols.append(bloc[g::4])
    for g in range(2):
        cols.append(Ws[g::2].T)
        bcols.append(bscore[g::2])
    pad9 = lambda a: jnp.pad(a, ((0, 0), (0, 7)))
    wh = jnp.pad(jnp.concatenate([pad9(c) for c in cols], axis=1),
                 ((0, 0), (0, 32)))
    bh = jnp.pad(jnp.concatenate(
        [jnp.pad(b, (0, 7)) for b in bcols]), (0, 32)).reshape(1, 128)
    sh, sw, scy, scx = (jnp.asarray(p) for p in _anchor_planes_np(_HH, _WW))
    ihw = img_size.astype(jnp.float32).reshape(1, 2)
    po = jax.ShapeDtypeStruct((_NQV, 16), jnp.float32)
    from jax.experimental.pallas import tpu as pltpu
    acc = pl.pallas_call(
        _conv_body,
        out_shape=jax.ShapeDtypeStruct((_NQV, 512), jnp.float32),
    )(xf, w1)
    outs = pl.pallas_call(
        _head_body,
        out_shape=(po,) * 11,
    )(acc, b1.reshape(1, 512), wh, bh, sh, sw, scy, scx, ihw)
    return outs


def _outer_col(row):
    return jnp.transpose(row)


def _nms_body(y1r, x1r, y2r, x2r, vr, keep_o, keep_s, cnt_s):
    keep_s[...] = vr[...]
    cnt_s[0] = 0.0
    lane = jax.lax.broadcasted_iota(jnp.int32, (128, 128), 1)
    sub = jax.lax.broadcasted_iota(jnp.int32, (128, 128), 0)
    upper = lane > sub

    def load_rows(refs, t):
        return tuple(r[pl.ds(t, 1), :] for r in refs)

    refs = (y1r, x1r, y2r, x2r)

    def iou_mat(cols, rows):
        (y1c, x1c, y2c, x2c, ac) = cols
        y1u, x1u, y2u, x2u = rows
        au = (y2u - y1u) * (x2u - x1u)
        yy1 = jnp.maximum(y1c, y1u)
        xx1 = jnp.maximum(x1c, x1u)
        yy2 = jnp.minimum(y2c, y2u)
        xx2 = jnp.minimum(x2c, x2u)
        inter = jnp.maximum(yy2 - yy1, 0.0) * jnp.maximum(xx2 - xx1, 0.0)
        return inter / (ac + au - inter + 1e-12)

    def outer(t, _):
        do = cnt_s[0] < float(_N_POST)

        @pl.when(do)
        def _process():
            rows_t = load_rows(refs, t)
            (y1t, x1t, y2t, x2t) = rows_t
            at = (y2t - y1t) * (x2t - x1t)
            cols = tuple(_outer_col(r) for r in (y1t, x1t, y2t, x2t, at))
            smat = jnp.where((iou_mat(cols, rows_t) > _NMS_TH) & upper,
                             1.0, 0.0)
            v = keep_s[pl.ds(t, 1), :]

            def fix_cond(c):
                alive, dk = c
                return jnp.sum(alive - dk) > 0.0

            def fix_body(c):
                alive, dk = c
                dk2 = v * jnp.where(
                    jnp.dot(alive, smat,
                            preferred_element_type=jnp.float32) > 0.0,
                    0.0, 1.0)
                alive2 = alive * jnp.where(
                    jnp.dot(dk2, smat,
                            preferred_element_type=jnp.float32) > 0.0,
                    0.0, 1.0)
                return alive2, dk2

            alive, _dk = jax.lax.while_loop(
                fix_cond, fix_body, (v, jnp.zeros_like(v)))
            keep_s[pl.ds(t, 1), :] = alive
            cnt_s[0] = cnt_s[0] + jnp.sum(alive)

            def inner(u, carry):
                rows_u = load_rows(refs, u)
                sx = jnp.where(iou_mat(cols, rows_u) > _NMS_TH, 1.0, 0.0)
                press = jnp.dot(alive, sx,
                                preferred_element_type=jnp.float32)
                ku = keep_s[pl.ds(u, 1), :]
                keep_s[pl.ds(u, 1), :] = ku * jnp.where(press > 0.0, 0.0, 1.0)
                return carry

            jax.lax.fori_loop(t + 1, _NT, inner, 0)

        @pl.when(jnp.logical_not(do))
        def _skip():
            keep_s[pl.ds(t, 1), :] = jnp.zeros((1, 128), jnp.float32)

        return _

    jax.lax.fori_loop(0, _NT, outer, 0)
    keep_o[...] = keep_s[...]


def _run_nms(y1o, x1o, y2o, x2o, valid_o):
    from jax.experimental.pallas import tpu as pltpu
    po = jax.ShapeDtypeStruct((_NT, 128), jnp.float32)
    return pl.pallas_call(
        _nms_body,
        out_shape=po,
        scratch_shapes=[pltpu.VMEM((_NT, 128), jnp.float32),
                        pltpu.SMEM((1,), jnp.float32)],
    )(y1o.reshape(_NT, 128), x1o.reshape(_NT, 128),
      y2o.reshape(_NT, 128), x2o.reshape(_NT, 128),
      valid_o.reshape(_NT, 128))


def _flat(p):
    return p.reshape(_HH, _HP, 16)[:, :_WW, :9].reshape(-1)


def kernel(x, img_size, W1, b1, Wloc, bloc, Wscore, bscore):
    n, _, hh, ww = x.shape
    anchor = jnp.asarray(_anchors_np(hh, ww))
    (dy, dx, dh, dw, s0, s1, sc, y1, x1, y2, x2) = _run_head(
        x, W1, b1, Wloc, bloc, Wscore, bscore, img_size)
    rpn_locs = jnp.stack(
        [_flat(dy), _flat(dx), _flat(dh), _flat(dw)], axis=1).reshape(1, -1, 4)
    rpn_scores = jnp.stack([_flat(s0), _flat(s1)], axis=1).reshape(1, -1, 2)
    scf = _flat(sc)
    vals, order = jax.lax.top_k(scf, _N_PRE)
    pad = jnp.zeros((_NSORT - _N_PRE,), jnp.float32)
    padi = jnp.zeros((_NSORT - _N_PRE,), jnp.int32)
    orderp = jnp.concatenate([order, padi])
    y1o = jnp.concatenate([_flat(y1)[order], pad])
    x1o = jnp.concatenate([_flat(x1)[order], pad])
    y2o = jnp.concatenate([_flat(y2)[order], pad])
    x2o = jnp.concatenate([_flat(x2)[order], pad])
    valid_o = jnp.concatenate(
        [jnp.isfinite(vals).astype(jnp.float32), pad])
    del orderp
    keep = _run_nms(y1o, x1o, y2o, x2o, valid_o).reshape(-1)
    idx = jnp.nonzero(keep > 0.0, size=_N_POST, fill_value=0)[0]
    rois = jnp.stack([y1o[idx], x1o[idx], y2o[idx], x2o[idx]], axis=1)
    roi_indices = jnp.zeros((_N_POST,), dtype=jnp.int32)
    return (rpn_locs, rpn_scores, rois, roi_indices, anchor)

# --- scband reference (transcript-rebuilt; emitter-appended) ---
"""Pipeline reference for scband-region-proposal-network-7808250544639 (READ-ONLY COPY).

The authoritative reference and input builder live on the scoring server;
editing this copy changes nothing except your own understanding.
"""

import jax, jax.numpy as jnp
import numpy as np

RATIOS = (0.5, 1.0, 2.0)
SCALES = (8, 16, 32)
FEAT_STRIDE = 16
BASE_SIZE = 16
N_PRE_NMS = 12000
N_POST_NMS = 2000
NMS_THRESH = 0.7
MIN_SIZE = 16.0


def generate_anchor_base():
    py = BASE_SIZE / 2.0
    px = BASE_SIZE / 2.0
    ab = np.zeros((len(RATIOS) * len(SCALES), 4), dtype=np.float32)
    for i, r in enumerate(RATIOS):
        for j, s in enumerate(SCALES):
            h = BASE_SIZE * s * np.sqrt(r)
            w = BASE_SIZE * s * np.sqrt(1.0 / r)
            k = i * len(SCALES) + j
            ab[k, 0] = py - h / 2.0
            ab[k, 1] = px - w / 2.0
            ab[k, 2] = py + h / 2.0
            ab[k, 3] = px + w / 2.0
    return ab


def enumerate_shifted_anchor(anchor_base, feat_stride, height, width):
    shift_y = np.arange(0, height * feat_stride, feat_stride)
    shift_x = np.arange(0, width * feat_stride, feat_stride)
    shift_x, shift_y = np.meshgrid(shift_x, shift_y)
    shift = np.stack((shift_y.ravel(), shift_x.ravel(), shift_y.ravel(), shift_x.ravel()), axis=1)
    A = anchor_base.shape[0]
    K = shift.shape[0]
    anchor = anchor_base.reshape((1, A, 4)) + shift.reshape((1, K, 4)).transpose((1, 0, 2))
    return anchor.reshape((K * A, 4)).astype(np.float32)


def conv2d(x, W, b, pad):
    y = jax.lax.conv_general_dilated(x, W, (1, 1), [(pad, pad), (pad, pad)],
                                     dimension_numbers=("NCHW", "OIHW", "NCHW"))
    return y + b[None, :, None, None]


def loc2bbox(anchor, loc):
    src_h = anchor[:, 2] - anchor[:, 0]
    src_w = anchor[:, 3] - anchor[:, 1]
    src_cy = anchor[:, 0] + 0.5 * src_h
    src_cx = anchor[:, 1] + 0.5 * src_w
    dy, dx, dh, dw = loc[:, 0], loc[:, 1], loc[:, 2], loc[:, 3]
    cy = dy * src_h + src_cy
    cx = dx * src_w + src_cx
    h = jnp.exp(dh) * src_h
    w = jnp.exp(dw) * src_w
    return jnp.stack([cy - 0.5 * h, cx - 0.5 * w, cy + 0.5 * h, cx + 0.5 * w], axis=1)


def nms_keep(boxes, valid, thresh):
    n = boxes.shape[0]
    areas = (boxes[:, 2] - boxes[:, 0]) * (boxes[:, 3] - boxes[:, 1])
    idxs = jnp.arange(n)

    def body(i, keep):
        yy1 = jnp.maximum(boxes[i, 0], boxes[:, 0])
        xx1 = jnp.maximum(boxes[i, 1], boxes[:, 1])
        yy2 = jnp.minimum(boxes[i, 2], boxes[:, 2])
        xx2 = jnp.minimum(boxes[i, 3], boxes[:, 3])
        inter = jnp.clip(yy2 - yy1, 0.0) * jnp.clip(xx2 - xx1, 0.0)
        iou = inter / (areas[i] + areas - inter + 1e-12)
        suppress = (iou > thresh) & (idxs > i) & keep[i]
        return keep & (~suppress)

    return jax.lax.fori_loop(0, n, body, valid)


def proposal_creator(loc, score, anchor, img_h, img_w, scale=1.0):
    roi = loc2bbox(anchor, loc)
    y1 = jnp.clip(roi[:, 0], 0.0, img_h)
    x1 = jnp.clip(roi[:, 1], 0.0, img_w)
    y2 = jnp.clip(roi[:, 2], 0.0, img_h)
    x2 = jnp.clip(roi[:, 3], 0.0, img_w)
    roi = jnp.stack([y1, x1, y2, x2], axis=1)
    hs = y2 - y1
    ws = x2 - x1
    valid = (hs >= MIN_SIZE * scale) & (ws >= MIN_SIZE * scale)
    sc = jnp.where(valid, score, -jnp.inf)
    order = jnp.argsort(-sc)[:N_PRE_NMS]
    roi_o = roi[order]
    valid_o = jnp.isfinite(sc[order])
    keep = nms_keep(roi_o, valid_o, NMS_THRESH)
    idx = jnp.nonzero(keep, size=N_POST_NMS, fill_value=0)[0]
    return roi_o[idx]


def setup_inputs(seed: int = 0) -> dict:
    key = jax.random.key(seed)
    ks = [jax.random.fold_in(key, i) for i in range(4)]
    x = jax.random.normal(ks[0], (1, 512, 50, 50), dtype=jnp.float32)
    img_size = jnp.array([800, 800], dtype=jnp.int32)
    W1 = 0.01 * jax.random.normal(ks[1], (512, 512, 3, 3), dtype=jnp.float32)
    b1 = jnp.zeros((512,), dtype=jnp.float32)
    Wloc = 0.01 * jax.random.normal(ks[2], (36, 512, 1, 1), dtype=jnp.float32)
    bloc = jnp.zeros((36,), dtype=jnp.float32)
    Wscore = 0.01 * jax.random.normal(ks[3], (18, 512, 1, 1), dtype=jnp.float32)
    bscore = jnp.zeros((18,), dtype=jnp.float32)
    return {"x": x, "img_size": img_size, "W1": W1, "b1": b1,
            "Wloc": Wloc, "bloc": bloc, "Wscore": Wscore, "bscore": bscore}


def reference(x, img_size, W1, b1, Wloc, bloc, Wscore, bscore):
    n, _, hh, ww = x.shape
    anchor_np = enumerate_shifted_anchor(generate_anchor_base(), FEAT_STRIDE, hh, ww)
    n_anchor = anchor_np.shape[0] // (hh * ww)
    anchor = jnp.asarray(anchor_np)
    h = jax.nn.relu(conv2d(x, W1, b1, 1))
    rpn_locs = conv2d(h, Wloc, bloc, 0)
    rpn_locs = jnp.transpose(rpn_locs, (0, 2, 3, 1)).reshape(n, -1, 4)
    rpn_scores = jnp.transpose(conv2d(h, Wscore, bscore, 0), (0, 2, 3, 1))
    sm = jax.nn.softmax(rpn_scores.reshape(n, hh, ww, n_anchor, 2), axis=4)
    fg = sm[:, :, :, :, 1].reshape(n, -1)
    rpn_scores = rpn_scores.reshape(n, -1, 2)
    img_h = img_size[0].astype(jnp.float32)
    img_w = img_size[1].astype(jnp.float32)
    rois_list = []
    idx_list = []
    for i in range(n):
        roi = proposal_creator(rpn_locs[i], fg[i], anchor, img_h, img_w)
        rois_list.append(roi)
        idx_list.append(jnp.full((roi.shape[0],), i, dtype=jnp.int32))
    rois = jnp.concatenate(rois_list, axis=0)
    roi_indices = jnp.concatenate(idx_list, axis=0)
    return (rpn_locs, rpn_scores, rois, roi_indices, anchor)

if __name__ == "__main__":
    import jax
    _d = setup_inputs()
    print(jax.jit(kernel)(*tuple(_d.values())))

</pallas_src>

<mosaic_0001>
module attributes {stable_mosaic.version = 14 : i64} {
  func.func @_conv_body(%arg0: memref<2712x512xf32, #tpu.memory_space<vmem>>, %arg1: memref<9x512x512xf32, #tpu.memory_space<vmem>>, %arg2: memref<2600x512xf32, #tpu.memory_space<vmem>>) attributes {dimension_semantics = [], scalar_prefetch = 0 : i64, scratch_operands = 0 : i64, tpu.core_type = #tpu.core_type<tc>} {
    %get3A = arith.constant 0 : index
    %get3A_0 = arith.constant 0 : index
    %get3A_1 = vector.load %arg0[%get3A, %get3A_0] : memref<2712x512xf32, #tpu.memory_space<vmem>>, vector<2600x512xf32>
    %convert_element_type3A = arith.truncf %get3A_1 : vector<2600x512xf32> to vector<2600x512xbf16>
    %get3A_2 = arith.constant 0 : index
    %get3A_3 = arith.constant 0 : index
    %get3A_4 = arith.constant 0 : index
    %get3A_5 = vector.load %arg1[%get3A_2, %get3A_3, %get3A_4] : memref<9x512x512xf32, #tpu.memory_space<vmem>>, vector<1x512x512xf32>
    %get3A_6 = vector.shape_cast %get3A_5 : vector<1x512x512xf32> to vector<512x512xf32>
    %convert_element_type3A_7 = arith.truncf %get3A_6 : vector<512x512xf32> to vector<512x512xbf16>
    %dot_general3A = arith.constant dense<0.000000e+00> : vector<2600x512xf32>
    %dot_general3A_8 = tpu.matmul %convert_element_type3A, %convert_element_type3A_7, %dot_general3A {dimension_numbers = #tpu.dot_dimension_numbers<[1], [0], [0], [1], [0, 0, 1, 1], [], []>, transpose_lhs_hint = false} : vector<2600x512xbf16>, vector<512x512xbf16>, vector<2600x512xf32> -> vector<2600x512xf32>
    %swap3A = arith.constant 0 : index
    %swap3A_9 = arith.constant 0 : index
    %swap3A_10 = vector.load %arg2[%swap3A, %swap3A_9] : memref<2600x512xf32, #tpu.memory_space<vmem>>, vector<2600x512xf32>
    tpu.vector_store %arg2[%swap3A, %swap3A_9], %dot_general3A_8 {strides = array<i32>} : memref<2600x512xf32, #tpu.memory_space<vmem>>, vector<2600x512xf32>,
    %get3A_11 = arith.constant 1 : index
    %get3A_12 = arith.constant 0 : index
    %get3A_13 = vector.load %arg0[%get3A_11, %get3A_12] : memref<2712x512xf32, #tpu.memory_space<vmem>>, vector<2600x512xf32>
    %convert_element_type3A_14 = arith.truncf %get3A_13 : vector<2600x512xf32> to vector<2600x512xbf16>
    %get3A_15 = arith.constant 1 : index
    %get3A_16 = arith.constant 0 : index
    %get3A_17 = arith.constant 0 : index
    %get3A_18 = vector.load %arg1[%get3A_15, %get3A_16, %get3A_17] : memref<9x512x512xf32, #tpu.memory_space<vmem>>, vector<1x512x512xf32>
    %get3A_19 = vector.shape_cast %get3A_18 : vector<1x512x512xf32> to vector<512x512xf32>
    %convert_element_type3A_20 = arith.truncf %get3A_19 : vector<512x512xf32> to vector<512x512xbf16>
    %dot_general3A_21 = arith.constant dense<0.000000e+00> : vector<2600x512xf32>
    %dot_general3A_22 = tpu.matmul %convert_element_type3A_14, %convert_element_type3A_20, %dot_general3A_21 {dimension_numbers = #tpu.dot_dimension_numbers<[1], [0], [0], [1], [0, 0, 1, 1], [], []>, transpose_lhs_hint = false} : vector<2600x512xbf16>, vector<512x512xbf16>, vector<2600x512xf32> -> vector<2600x512xf32>
    %get3A_23 = arith.constant 0 : index
    %get3A_24 = arith.constant 0 : index
    %get3A_25 = vector.load %arg2[%get3A_23, %get3A_24] : memref<2600x512xf32, #tpu.memory_space<vmem>>, vector<2600x512xf32>
    %add3A = arith.addf %get3A_25, %dot_general3A_22 : vector<2600x512xf32>
    %swap3A_26 = arith.constant 0 : index
    %swap3A_27 = arith.constant 0 : index
    %swap3A_28 = vector.load %arg2[%swap3A_26, %swap3A_27] : memref<2600x512xf32, #tpu.memory_space<vmem>>, vector<2600x512xf32>
    tpu.vector_store %arg2[%swap3A_26, %swap3A_27], %add3A {strides = array<i32>} : memref<2600x512xf32, #tpu.memory_space<vmem>>, vector<2600x512xf32>,
    %get3A_29 = arith.constant 2 : index
    %get3A_30 = arith.constant 0 : index
    %get3A_31 = vector.load %arg0[%get3A_29, %get3A_30] : memref<2712x512xf32, #tpu.memory_space<vmem>>, vector<2600x512xf32>
    %convert_element_type3A_32 = arith.truncf %get3A_31 : vector<2600x512xf32> to vector<2600x512xbf16>
    %get3A_33 = arith.constant 2 : index
    %get3A_34 = arith.constant 0 : index
    %get3A_35 = arith.constant 0 : index
    %get3A_36 = vector.load %arg1[%get3A_33, %get3A_34, %get3A_35] : memref<9x512x512xf32, #tpu.memory_space<vmem>>, vector<1x512x512xf32>
    %get3A_37 = vector.shape_cast %get3A_36 : vector<1x512x512xf32> to vector<512x512xf32>
    %convert_element_type3A_38 = arith.truncf %get3A_37 : vector<512x512xf32> to vector<512x512xbf16>
    %dot_general3A_39 = arith.constant dense<0.000000e+00> : vector<2600x512xf32>
    %dot_general3A_40 = tpu.matmul %convert_element_type3A_32, %convert_element_type3A_38, %dot_general3A_39 {dimension_numbers = #tpu.dot_dimension_numbers<[1], [0], [0], [1], [0, 0, 1, 1], [], []>, transpose_lhs_hint = false} : vector<2600x512xbf16>, vector<512x512xbf16>, vector<2600x512xf32> -> vector<2600x512xf32>
    %get3A_41 = arith.constant 0 : index
    %get3A_42 = arith.constant 0 : index
    %get3A_43 = vector.load %arg2[%get3A_41, %get3A_42] : memref<2600x512xf32, #tpu.memory_space<vmem>>, vector<2600x512xf32>
    %add3A_44 = arith.addf %get3A_43, %dot_general3A_40 : vector<2600x512xf32>
    %swap3A_45 = arith.constant 0 : index
    %swap3A_46 = arith.constant 0 : index
    %swap3A_47 = vector.load %arg2[%swap3A_45, %swap3A_46] : memref<2600x512xf32, #tpu.memory_space<vmem>>, vector<2600x512xf32>
    tpu.vector_store %arg2[%swap3A_45, %swap3A_46], %add3A_44 {strides = array<i32>} : memref<2600x512xf32, #tpu.memory_space<vmem>>, vector<2600x512xf32>,
    %get3A_48 = arith.constant 52 : index
    %get3A_49 = arith.constant 0 : index
    %get3A_50 = vector.load %arg0[%get3A_48, %get3A_49] : memref<2712x512xf32, #tpu.memory_space<vmem>>, vector<2600x512xf32>
    %convert_element_type3A_51 = arith.truncf %get3A_50 : vector<2600x512xf32> to vector<2600x512xbf16>
    %get3A_52 = arith.constant 3 : index
    %get3A_53 = arith.constant 0 : index
    %get3A_54 = arith.constant 0 : index
    %get3A_55 = vector.load %arg1[%get3A_52, %get3A_53, %get3A_54] : memref<9x512x512xf32, #tpu.memory_space<vmem>>, vector<1x512x512xf32>
    %get3A_56 = vector.shape_cast %get3A_55 : vector<1x512x512xf32> to vector<512x512xf32>
    %convert_element_type3A_57 = arith.truncf %get3A_56 : vector<512x512xf32> to vector<512x512xbf16>
    %dot_general3A_58 = arith.constant dense<0.000000e+00> : vector<2600x512xf32>
    %dot_general3A_59 = tpu.matmul %convert_element_type3A_51, %convert_element_type3A_57, %dot_general3A_58 {dimension_numbers = #tpu.dot_dimension_numbers<[1], [0], [0], [1], [0, 0, 1, 1], [], []>, transpose_lhs_hint = false} : vector<2600x512xbf16>, vector<512x512xbf16>, vector<2600x512xf32> -> vector<2600x512xf32>
    %get3A_60 = arith.constant 0 : index
    %get3A_61 = arith.constant 0 : index
    %get3A_62 = vector.load %arg2[%get3A_60, %get3A_61] : memref<2600x512xf32, #tpu.memory_space<vmem>>, vector<2600x512xf32>
    %add3A_63 = arith.addf %get3A_62, %dot_general3A_59 : vector<2600x512xf32>
    %swap3A_64 = arith.constant 0 : index
    %swap3A_65 = arith.constant 0 : index
    %swap3A_66 = vector.load %arg2[%swap3A_64, %swap3A_65] : memref<2600x512xf32, #tpu.memory_space<vmem>>, vector<2600x512xf32>
    tpu.vector_store %arg2[%swap3A_64, %swap3A_65], %add3A_63 {strides = array<i32>} : memref<2600x512xf32, #tpu.memory_space<vmem>>, vector<2600x512xf32>,
    %get3A_67 = arith.constant 53 : index
    %get3A_68 = arith.constant 0 : index
    %get3A_69 = vector.load %arg0[%get3A_67, %get3A_68] : memref<2712x512xf32, #tpu.memory_space<vmem>>, vector<2600x512xf32>
    %convert_element_type3A_70 = arith.truncf %get3A_69 : vector<2600x512xf32> to vector<2600x512xbf16>
    %get3A_71 = arith.constant 4 : index
    %get3A_72 = arith.constant 0 : index
    %get3A_73 = arith.constant 0 : index
    %get3A_74 = vector.load %arg1[%get3A_71, %get3A_72, %get3A_73] : memref<9x512x512xf32, #tpu.memory_space<vmem>>, vector<1x512x512xf32>
    %get3A_75 = vector.shape_cast %get3A_74 : vector<1x512x512xf32> to vector<512x512xf32>
    %convert_element_type3A_76 = arith.truncf %get3A_75 : vector<512x512xf32> to vector<512x512xbf16>
    %dot_general3A_77 = arith.constant dense<0.000000e+00> : vector<2600x512xf32>
    %dot_general3A_78 = tpu.matmul %convert_element_type3A_70, %convert_element_type3A_76, %dot_general3A_77 {dimension_numbers = #tpu.dot_dimension_numbers<[1], [0], [0], [1], [0, 0, 1, 1], [], []>, transpose_lhs_hint = false} : vector<2600x512xbf16>, vector<512x512xbf16>, vector<2600x512xf32> -> vector<2600x512xf32>
    %get3A_79 = arith.constant 0 : index
    %get3A_80 = arith.constant 0 : index
    %get3A_81 = vector.load %arg2[%get3A_79, %get3A_80] : memref<2600x512xf32, #tpu.memory_space<vmem>>, vector<2600x512xf32>
    %add3A_82 = arith.addf %get3A_81, %dot_general3A_78 : vector<2600x512xf32>
    %swap3A_83 = arith.constant 0 : index
    %swap3A_84 = arith.constant 0 : index
    %swap3A_85 = vector.load %arg2[%swap3A_83, %swap3A_84] : memref<2600x512xf32, #tpu.memory_space<vmem>>, vector<2600x512xf32>
    tpu.vector_store %arg2[%swap3A_83, %swap3A_84], %add3A_82 {strides = array<i32>} : memref<2600x512xf32, #tpu.memory_space<vmem>>, vector<2600x512xf32>,
    %get3A_86 = arith.constant 54 : index
    %get3A_87 = arith.constant 0 : index
    %get3A_88 = vector.load %arg0[%get3A_86, %get3A_87] : memref<2712x512xf32, #tpu.memory_space<vmem>>, vector<2600x512xf32>
    %convert_element_type3A_89 = arith.truncf %get3A_88 : vector<2600x512xf32> to vector<2600x512xbf16>
    %get3A_90 = arith.constant 5 : index
    %get3A_91 = arith.constant 0 : index
    %get3A_92 = arith.constant 0 : index
    %get3A_93 = vector.load %arg1[%get3A_90, %get3A_91, %get3A_92] : memref<9x512x512xf32, #tpu.memory_space<vmem>>, vector<1x512x512xf32>
    %get3A_94 = vector.shape_cast %get3A_93 : vector<1x512x512xf32> to vector<512x512xf32>
    %convert_element_type3A_95 = arith.truncf %get3A_94 : vector<512x512xf32> to vector<512x512xbf16>
    %dot_general3A_96 = arith.constant dense<0.000000e+00> : vector<2600x512xf32>
    %dot_general3A_97 = tpu.matmul %convert_element_type3A_89, %convert_element_type3A_95, %dot_general3A_96 {dimension_numbers = #tpu.dot_dimension_numbers<[1], [0], [0], [1], [0, 0, 1, 1], [], []>, transpose_lhs_hint = false} : vector<2600x512xbf16>, vector<512x512xbf16>, vector<2600x512xf32> -> vector<2600x512xf32>
    %get3A_98 = arith.constant 0 : index
    %get3A_99 = arith.constant 0 : index
    %get3A_100 = vector.load %arg2[%get3A_98, %get3A_99] : memref<2600x512xf32, #tpu.memory_space<vmem>>, vector<2600x512xf32>
    %add3A_101 = arith.addf %get3A_100, %dot_general3A_97 : vector<2600x512xf32>
    %swap3A_102 = arith.constant 0 : index
    %swap3A_103 = arith.constant 0 : index
    %swap3A_104 = vector.load %arg2[%swap3A_102, %swap3A_103] : memref<2600x512xf32, #tpu.memory_space<vmem>>, vector<2600x512xf32>
    tpu.vector_store %arg2[%swap3A_102, %swap3A_103], %add3A_101 {strides = array<i32>} : memref<2600x512xf32, #tpu.memory_space<vmem>>, vector<2600x512xf32>,
    %get3A_105 = arith.constant 104 : index
    %get3A_106 = arith.constant 0 : index
    %get3A_107 = vector.load %arg0[%get3A_105, %get3A_106] : memref<2712x512xf32, #tpu.memory_space<vmem>>, vector<2600x512xf32>
    %convert_element_type3A_108 = arith.truncf %get3A_107 : vector<2600x512xf32> to vector<2600x512xbf16>
    %get3A_109 = arith.constant 6 : index
    %get3A_110 = arith.constant 0 : index
    %get3A_111 = arith.constant 0 : index
    %get3A_112 = vector.load %arg1[%get3A_109, %get3A_110, %get3A_111] : memref<9x512x512xf32, #tpu.memory_space<vmem>>, vector<1x512x512xf32>
    %get3A_113 = vector.shape_cast %get3A_112 : vector<1x512x512xf32> to vector<512x512xf32>
    %convert_element_type3A_114 = arith.truncf %get3A_113 : vector<512x512xf32> to vector<512x512xbf16>
    %dot_general3A_115 = arith.constant dense<0.000000e+00> : vector<2600x512xf32>
    %dot_general3A_116 = tpu.matmul %convert_element_type3A_108, %convert_element_type3A_114, %dot_general3A_115 {dimension_numbers = #tpu.dot_dimension_numbers<[1], [0], [0], [1], [0, 0, 1, 1], [], []>, transpose_lhs_hint = false} : vector<2600x512xbf16>, vector<512x512xbf16>, vector<2600x512xf32> -> vector<2600x512xf32>
    %get3A_117 = arith.constant 0 : index
    %get3A_118 = arith.constant 0 : index
    %get3A_119 = vector.load %arg2[%get3A_117, %get3A_118] : memref<2600x512xf32, #tpu.memory_space<vmem>>, vector<2600x512xf32>
    %add3A_120 = arith.addf %get3A_119, %dot_general3A_116 : vector<2600x512xf32>
    %swap3A_121 = arith.constant 0 : index
    %swap3A_122 = arith.constant 0 : index
    %swap3A_123 = vector.load %arg2[%swap3A_121, %swap3A_122] : memref<2600x512xf32, #tpu.memory_space<vmem>>, vector<2600x512xf32>
    tpu.vector_store %arg2[%swap3A_121, %swap3A_122], %add3A_120 {strides = array<i32>} : memref<2600x512xf32, #tpu.memory_space<vmem>>, vector<2600x512xf32>,
    %get3A_124 = arith.constant 105 : index
    %get3A_125 = arith.constant 0 : index
    %get3A_126 = vector.load %arg0[%get3A_124, %get3A_125] : memref<2712x512xf32, #tpu.memory_space<vmem>>, vector<2600x512xf32>
    %convert_element_type3A_127 = arith.truncf %get3A_126 : vector<2600x512xf32> to vector<2600x512xbf16>
    %get3A_128 = arith.constant 7 : index
    %get3A_129 = arith.constant 0 : index
    %get3A_130 = arith.constant 0 : index
    %get3A_131 = vector.load %arg1[%get3A_128, %get3A_129, %get3A_130] : memref<9x512x512xf32, #tpu.memory_space<vmem>>, vector<1x512x512xf32>
    %get3A_132 = vector.shape_cast %get3A_131 : vector<1x512x512xf32> to vector<512x512xf32>
    %convert_element_type3A_133 = arith.truncf %get3A_132 : vector<512x512xf32> to vector<512x512xbf16>
    %dot_general3A_134 = arith.constant dense<0.000000e+00> : vector<2600x512xf32>
    %dot_general3A_135 = tpu.matmul %convert_element_type3A_127, %convert_element_type3A_133, %dot_general3A_134 {dimension_numbers = #tpu.dot_dimension_numbers<[1], [0], [0], [1], [0, 0, 1, 1], [], []>, transpose_lhs_hint = false} : vector<2600x512xbf16>, vector<512x512xbf16>, vector<2600x512xf32> -> vector<2600x512xf32>
    %get3A_136 = arith.constant 0 : index
    %get3A_137 = arith.constant 0 : index
    %get3A_138 = vector.load %arg2[%get3A_136, %get3A_137] : memref<2600x512xf32, #tpu.memory_space<vmem>>, vector<2600x512xf32>
    %add3A_139 = arith.addf %get3A_138, %dot_general3A_135 : vector<2600x512xf32>
    %swap3A_140 = arith.constant 0 : index
    %swap3A_141 = arith.constant 0 : index
    %swap3A_142 = vector.load %arg2[%swap3A_140, %swap3A_141] : memref<2600x512xf32, #tpu.memory_space<vmem>>, vector<2600x512xf32>
    tpu.vector_store %arg2[%swap3A_140, %swap3A_141], %add3A_139 {strides = array<i32>} : memref<2600x512xf32, #tpu.memory_space<vmem>>, vector<2600x512xf32>,
    %get3A_143 = arith.constant 106 : index
    %get3A_144 = arith.constant 0 : index
    %get3A_145 = vector.load %arg0[%get3A_143, %get3A_144] : memref<2712x512xf32, #tpu.memory_space<vmem>>, vector<2600x512xf32>
    %convert_element_type3A_146 = arith.truncf %get3A_145 : vector<2600x512xf32> to vector<2600x512xbf16>
    %get3A_147 = arith.constant 8 : index
    %get3A_148 = arith.constant 0 : index
    %get3A_149 = arith.constant 0 : index
    %get3A_150 = vector.load %arg1[%get3A_147, %get3A_148, %get3A_149] : memref<9x512x512xf32, #tpu.memory_space<vmem>>, vector<1x512x512xf32>
    %get3A_151 = vector.shape_cast %get3A_150 : vector<1x512x512xf32> to vector<512x512xf32>
    %convert_element_type3A_152 = arith.truncf %get3A_151 : vector<512x512xf32> to vector<512x512xbf16>
    %dot_general3A_153 = arith.constant dense<0.000000e+00> : vector<2600x512xf32>
    %dot_general3A_154 = tpu.matmul %convert_element_type3A_146, %convert_element_type3A_152, %dot_general3A_153 {dimension_numbers = #tpu.dot_dimension_numbers<[1], [0], [0], [1], [0, 0, 1, 1], [], []>, transpose_lhs_hint = false} : vector<2600x512xbf16>, vector<512x512xbf16>, vector<2600x512xf32> -> vector<2600x512xf32>
    %get3A_155 = arith.constant 0 : index
    %get3A_156 = arith.constant 0 : index
    %get3A_157 = vector.load %arg2[%get3A_155, %get3A_156] : memref<2600x512xf32, #tpu.memory_space<vmem>>, vector<2600x512xf32>
    %add3A_158 = arith.addf %get3A_157, %dot_general3A_154 : vector<2600x512xf32>
    %swap3A_159 = arith.constant 0 : index
    %swap3A_160 = arith.constant 0 : index
    %swap3A_161 = vector.load %arg2[%swap3A_159, %swap3A_160] : memref<2600x512xf32, #tpu.memory_space<vmem>>, vector<2600x512xf32>
    tpu.vector_store %arg2[%swap3A_159, %swap3A_160], %add3A_158 {strides = array<i32>} : memref<2600x512xf32, #tpu.memory_space<vmem>>, vector<2600x512xf32>,
    return
  }
}

module attributes {stable_mosaic.version = 14 : i64} {
  func.func @_head_body(%arg0: memref<2600x512xf32, #tpu.memory_space<vmem>>, %arg1: memref<1x512xf32, #tpu.memory_space<vmem>>, %arg2: memref<512x128xf32, #tpu.memory_space<vmem>>, %arg3: memref<1x128xf32, #tpu.memory_space<vmem>>, %arg4: memref<2600x16xf32, #tpu.memory_space<vmem>>, %arg5: memref<2600x16xf32, #tpu.memory_space<vmem>>, %arg6: memref<2600x16xf32, #tpu.memory_space<vmem>>, %arg7: memref<2600x16xf32, #tpu.memory_space<vmem>>, %arg8: memref<1x2xf32, #tpu.memory_space<vmem>>, %arg9: memref<2600x16xf32, #tpu.memory_space<vmem>>, %arg10: memref<2600x16xf32, #tpu.memory_space<vmem>>, %arg11: memref<2600x16xf32, #tpu.memory_space<vmem>>, %arg12: memref<2600x16xf32, #tpu.memory_space<vmem>>, %arg13: memref<2600x16xf32, #tpu.memory_space<vmem>>, %arg14: memref<2600x16xf32, #tpu.memory_space<vmem>>, %arg15: memref<2600x16xf32, #tpu.memory_space<vmem>>, %arg16: memref<2600x16xf32, #tpu.memory_space<vmem>>, %arg17: memref<2600x16xf32, #tpu.memory_space<vmem>>, %arg18: memref<2600x16xf32, #tpu.memory_space<vmem>>, %arg19: memref<2600x16xf32, #tpu.memory_space<vmem>>) attributes {dimension_semantics = [], scalar_prefetch = 0 : i64, scratch_operands = 0 : i64, tpu.core_type = #tpu.core_type<tc>} {
    %get3A = arith.constant 0 : index
    %get3A_0 = arith.constant 0 : index
    %get3A_1 = vector.load %arg0[%get3A, %get3A_0] : memref<2600x512xf32, #tpu.memory_space<vmem>>, vector<2600x512xf32>
    %get3A_2 = arith.constant 0 : index
    %get3A_3 = arith.constant 0 : index
    %get3A_4 = vector.load %arg1[%get3A_2, %get3A_3] : memref<1x512xf32, #tpu.memory_space<vmem>>, vector<1x512xf32>
    %add3A = vector.broadcast %get3A_4 : vector<1x512xf32> to vector<2600x512xf32>
    %add3A_5 = arith.addf %get3A_1, %add3A : vector<2600x512xf32>
    %max3A = arith.constant 0.000000e+00 : f32
    %max3A_6 = vector.broadcast %max3A : f32 to vector<2600x512xf32>
    %max3A_7 = arith.maximumf %add3A_5, %max3A_6 : vector<2600x512xf32>
    %convert_element_type3A = arith.truncf %max3A_7 : vector<2600x512xf32> to vector<2600x512xbf16>
    %get3A_8 = arith.constant 0 : index
    %get3A_9 = arith.constant 0 : index
    %get3A_10 = vector.load %arg2[%get3A_8, %get3A_9] : memref<512x128xf32, #tpu.memory_space<vmem>>, vector<512x128xf32>
    %convert_element_type3A_11 = arith.truncf %get3A_10 : vector<512x128xf32> to vector<512x128xbf16>
    %dot_general3A = arith.constant dense<0.000000e+00> : vector<2600x128xf32>
    %dot_general3A_12 = tpu.matmul %convert_element_type3A, %convert_element_type3A_11, %dot_general3A {dimension_numbers = #tpu.dot_dimension_numbers<[1], [0], [0], [1], [0, 0, 1, 1], [], []>, transpose_lhs_hint = false} : vector<2600x512xbf16>, vector<512x128xbf16>, vector<2600x128xf32> -> vector<2600x128xf32>
    %get3A_13 = arith.constant 0 : index
    %get3A_14 = arith.constant 0 : index
    %get3A_15 = vector.load %arg3[%get3A_13, %get3A_14] : memref<1x128xf32, #tpu.memory_space<vmem>>, vector<1x128xf32>
    %add3A_16 = vector.broadcast %get3A_15 : vector<1x128xf32> to vector<2600x128xf32>
    %add3A_17 = arith.addf %dot_general3A_12, %add3A_16 : vector<2600x128xf32>
    %slice3A = vector.extract_strided_slice %add3A_17 {offsets = [0, 0], sizes = [2600, 16], strides = [1, 1]} : vector<2600x128xf32> to vector<2600x16xf32>
    %slice3A_18 = vector.extract_strided_slice %add3A_17 {offsets = [0, 16], sizes = [2600, 16], strides = [1, 1]} : vector<2600x128xf32> to vector<2600x16xf32>
    %slice3A_19 = vector.extract_strided_slice %add3A_17 {offsets = [0, 32], sizes = [2600, 16], strides = [1, 1]} : vector<2600x128xf32> to vector<2600x16xf32>
    %slice3A_20 = vector.extract_strided_slice %add3A_17 {offsets = [0, 48], sizes = [2600, 16], strides = [1, 1]} : vector<2600x128xf32> to vector<2600x16xf32>
    %slice3A_21 = vector.extract_strided_slice %add3A_17 {offsets = [0, 64], sizes = [2600, 16], strides = [1, 1]} : vector<2600x128xf32> to vector<2600x16xf32>
    %slice3A_22 = vector.extract_strided_slice %add3A_17 {offsets = [0, 80], sizes = [2600, 16], strides = [1, 1]} : vector<2600x128xf32> to vector<2600x16xf32>
    %get3A_23 = arith.constant 0 : index
    %get3A_24 = arith.constant 0 : index
    %get3A_25 = vector.load %arg4[%get3A_23, %get3A_24] : memref<2600x16xf32, #tpu.memory_space<vmem>>, vector<2600x16xf32>
    %get3A_26 = arith.constant 0 : index
    %get3A_27 = arith.constant 0 : index
    %get3A_28 = vector.load %arg5[%get3A_26, %get3A_27] : memref<2600x16xf32, #tpu.memory_space<vmem>>, vector<2600x16xf32>
    %mul3A = arith.mulf %slice3A, %get3A_25 : vector<2600x16xf32>
    %get3A_29 = arith.constant 0 : index
    %get3A_30 = arith.constant 0 : index
    %get3A_31 = vector.load %arg6[%get3A_29, %get3A_30] : memref<2600x16xf32, #tpu.memory_space<vmem>>, vector<2600x16xf32>
    %add3A_32 = arith.addf %mul3A, %get3A_31 : vector<2600x16xf32>
    %mul3A_33 = arith.mulf %slice3A_18, %get3A_28 : vector<2600x16xf32>
    %get3A_34 = arith.constant 0 : index
    %get3A_35 = arith.constant 0 : index
    %get3A_36 = vector.load %arg7[%get3A_34, %get3A_35] : memref<2600x16xf32, #tpu.memory_space<vmem>>, vector<2600x16xf32>
    %add3A_37 = arith.addf %mul3A_33, %get3A_36 : vector<2600x16xf32>
    %exp3A = math.exp %slice3A_19 : vector<2600x16xf32>
    %mul3A_38 = arith.mulf %exp3A, %get3A_25 : vector<2600x16xf32>
    %exp3A_39 = math.exp %slice3A_20 : vector<2600x16xf32>
    %mul3A_40 = arith.mulf %exp3A_39, %get3A_28 : vector<2600x16xf32>
    %get3A_41 = arith.constant 0 : index
    %get3A_42 = arith.constant 0 : index
    %get3A_43 = vector.load %arg8[%get3A_41, %get3A_42] : memref<1x2xf32, #tpu.memory_space<vmem>>, vector<1x1xf32>
    %get3A_44 = vector.extract %get3A_43[0, 0] : f32 from vector<1x1xf32>
    %get3A_45 = arith.constant 0 : index
    %get3A_46 = arith.constant 1 : index
    %get3A_47 = vector.load %arg8[%get3A_45, %get3A_46] : memref<1x2xf32, #tpu.memory_space<vmem>>, vector<1x1xf32>
    %get3A_48 = vector.extract %get3A_47[0, 0] : f32 from vector<1x1xf32>
    %mul3A_49 = arith.constant 5.000000e-01 : f32
    %mul3A_50 = vector.broadcast %mul3A_49 : f32 to vector<2600x16xf32>
    %mul3A_51 = arith.mulf %mul3A_50, %mul3A_38 : vector<2600x16xf32>
    %sub3A = arith.subf %add3A_32, %mul3A_51 : vector<2600x16xf32>
    %jit3A = arith.constant 0.000000e+00 : f32
    %max3A_52 = vector.broadcast %jit3A : f32 to vector<2600x16xf32>
    %max3A_53 = arith.maximumf %max3A_52, %sub3A : vector<2600x16xf32>
    %min3A = vector.broadcast %get3A_44 : f32 to vector<2600x16xf32>
    %min3A_54 = arith.minimumf %min3A, %max3A_53 : vector<2600x16xf32>
    %mul3A_55 = arith.constant 5.000000e-01 : f32
    %mul3A_56 = vector.broadcast %mul3A_55 : f32 to vector<2600x16xf32>
    %mul3A_57 = arith.mulf %mul3A_56, %mul3A_40 : vector<2600x16xf32>
    %sub3A_58 = arith.subf %add3A_37, %mul3A_57 : vector<2600x16xf32>
    %jit3A_59 = arith.constant 0.000000e+00 : f32
    %max3A_60 = vector.broadcast %jit3A_59 : f32 to vector<2600x16xf32>
    %max3A_61 = arith.maximumf %max3A_60, %sub3A_58 : vector<2600x16xf32>
    %min3A_62 = vector.broadcast %get3A_48 : f32 to vector<2600x16xf32>
    %min3A_63 = arith.minimumf %min3A_62, %max3A_61 : vector<2600x16xf32>
    %mul3A_64 = arith.constant 5.000000e-01 : f32
    %mul3A_65 = vector.broadcast %mul3A_64 : f32 to vector<2600x16xf32>
    %mul3A_66 = arith.mulf %mul3A_65, %mul3A_38 : vector<2600x16xf32>
    %add3A_67 = arith.addf %add3A_32, %mul3A_66 : vector<2600x16xf32>
    %jit3A_68 = arith.constant 0.000000e+00 : f32
    %max3A_69 = vector.broadcast %jit3A_68 : f32 to vector<2600x16xf32>
    %max3A_70 = arith.maximumf %max3A_69, %add3A_67 : vector<2600x16xf32>
    %min3A_71 = vector.broadcast %get3A_44 : f32 to vector<2600x16xf32>
    %min3A_72 = arith.minimumf %min3A_71, %max3A_70 : vector<2600x16xf32>
    %mul3A_73 = arith.constant 5.000000e-01 : f32
    %mul3A_74 = vector.broadcast %mul3A_73 : f32 to vector<2600x16xf32>
    %mul3A_75 = arith.mulf %mul3A_74, %mul3A_40 : vector<2600x16xf32>
    %add3A_76 = arith.addf %add3A_37, %mul3A_75 : vector<2600x16xf32>
    %jit3A_77 = arith.constant 0.000000e+00 : f32
    %max3A_78 = vector.broadcast %jit3A_77 : f32 to vector<2600x16xf32>
    %max3A_79 = arith.maximumf %max3A_78, %add3A_76 : vector<2600x16xf32>
    %min3A_80 = vector.broadcast %get3A_48 : f32 to vector<2600x16xf32>
    %min3A_81 = arith.minimumf %min3A_80, %max3A_79 : vector<2600x16xf32>
    %max3A_82 = arith.maximumf %slice3A_21, %slice3A_22 : vector<2600x16xf32>
    %sub3A_83 = arith.subf %slice3A_21, %max3A_82 : vector<2600x16xf32>
    %exp3A_84 = math.exp %sub3A_83 : vector<2600x16xf32>
    %sub3A_85 = arith.subf %slice3A_22, %max3A_82 : vector<2600x16xf32>
    %exp3A_86 = math.exp %sub3A_85 : vector<2600x16xf32>
    %add3A_87 = arith.addf %exp3A_84, %exp3A_86 : vector<2600x16xf32>
    %div3A = arith.divf %exp3A_86, %add3A_87 : vector<2600x16xf32>
    %sub3A_88 = arith.subf %min3A_72, %min3A_54 : vector<2600x16xf32>
    %ge3A = arith.constant 1.600000e+01 : f32
    %ge3A_89 = vector.broadcast %ge3A : f32 to vector<2600x16xf32>
    %ge3A_90 = arith.cmpf oge, %sub3A_88, %ge3A_89 : vector<2600x16xf32>
    %sub3A_91 = arith.subf %min3A_81, %min3A_63 : vector<2600x16xf32>
    %ge3A_92 = arith.constant 1.600000e+01 : f32
    %ge3A_93 = vector.broadcast %ge3A_92 : f32 to vector<2600x16xf32>
    %ge3A_94 = arith.cmpf oge, %sub3A_91, %ge3A_93 : vector<2600x16xf32>
    %and3A = arith.andi %ge3A_90, %ge3A_94 : vector<2600x16xi1>
    %jit3A_95 = arith.constant 0xFF800000 : f32
    %broadcast_in_dim3A = vector.broadcast %jit3A_95 : f32 to vector<2600x16xf32>
    %select_n3A = arith.select %and3A, %div3A, %broadcast_in_dim3A : vector<2600x16xi1>, vector<2600x16xf32>
    %swap3A = arith.constant 0 : index
    %swap3A_96 = arith.constant 0 : index
    %swap3A_97 = vector.load %arg9[%swap3A, %swap3A_96] : memref<2600x16xf32, #tpu.memory_space<vmem>>, vector<2600x16xf32>
    tpu.vector_store %arg9[%swap3A, %swap3A_96], %slice3A {strides = array<i32>} : memref<2600x16xf32, #tpu.memory_space<vmem>>, vector<2600x16xf32>,
    %swap3A_98 = arith.constant 0 : index
    %swap3A_99 = arith.constant 0 : index
    %swap3A_100 = vector.load %arg10[%swap3A_98, %swap3A_99] : memref<2600x16xf32, #tpu.memory_space<vmem>>, vector<2600x16xf32>
    tpu.vector_store %arg10[%swap3A_98, %swap3A_99], %slice3A_18 {strides = array<i32>} : memref<2600x16xf32, #tpu.memory_space<vmem>>, vector<2600x16xf32>,
    %swap3A_101 = arith.constant 0 : index
    %swap3A_102 = arith.constant 0 : index
    %swap3A_103 = vector.load %arg11[%swap3A_101, %swap3A_102] : memref<2600x16xf32, #tpu.memory_space<vmem>>, vector<2600x16xf32>
    tpu.vector_store %arg11[%swap3A_101, %swap3A_102], %slice3A_19 {strides = array<i32>} : memref<2600x16xf32, #tpu.memory_space<vmem>>, vector<2600x16xf32>,
    %swap3A_104 = arith.constant 0 : index
    %swap3A_105 = arith.constant 0 : index
    %swap3A_106 = vector.load %arg12[%swap3A_104, %swap3A_105] : memref<2600x16xf32, #tpu.memory_space<vmem>>, vector<2600x16xf32>
    tpu.vector_store %arg12[%swap3A_104, %swap3A_105], %slice3A_20 {strides = array<i32>} : memref<2600x16xf32, #tpu.memory_space<vmem>>, vector<2600x16xf32>,
    %swap3A_107 = arith.constant 0 : index
    %swap3A_108 = arith.constant 0 : index
    %swap3A_109 = vector.load %arg13[%swap3A_107, %swap3A_108] : memref<2600x16xf32, #tpu.memory_space<vmem>>, vector<2600x16xf32>
    tpu.vector_store %arg13[%swap3A_107, %swap3A_108], %slice3A_21 {strides = array<i32>} : memref<2600x16xf32, #tpu.memory_space<vmem>>, vector<2600x16xf32>,
    %swap3A_110 = arith.constant 0 : index
    %swap3A_111 = arith.constant 0 : index
    %swap3A_112 = vector.load %arg14[%swap3A_110, %swap3A_111] : memref<2600x16xf32, #tpu.memory_space<vmem>>, vector<2600x16xf32>
    tpu.vector_store %arg14[%swap3A_110, %swap3A_111], %slice3A_22 {strides = array<i32>} : memref<2600x16xf32, #tpu.memory_space<vmem>>, vector<2600x16xf32>,
    %swap3A_113 = arith.constant 0 : index
    %swap3A_114 = arith.constant 0 : index
    %swap3A_115 = vector.load %arg15[%swap3A_113, %swap3A_114] : memref<2600x16xf32, #tpu.memory_space<vmem>>, vector<2600x16xf32>
    tpu.vector_store %arg15[%swap3A_113, %swap3A_114], %select_n3A {strides = array<i32>} : memref<2600x16xf32, #tpu.memory_space<vmem>>, vector<2600x16xf32>,
    %swap3A_116 = arith.constant 0 : index
    %swap3A_117 = arith.constant 0 : index
    %swap3A_118 = vector.load %arg16[%swap3A_116, %swap3A_117] : memref<2600x16xf32, #tpu.memory_space<vmem>>, vector<2600x16xf32>
    tpu.vector_store %arg16[%swap3A_116, %swap3A_117], %min3A_54 {strides = array<i32>} : memref<2600x16xf32, #tpu.memory_space<vmem>>, vector<2600x16xf32>,
    %swap3A_119 = arith.constant 0 : index
    %swap3A_120 = arith.constant 0 : index
    %swap3A_121 = vector.load %arg17[%swap3A_119, %swap3A_120] : memref<2600x16xf32, #tpu.memory_space<vmem>>, vector<2600x16xf32>
    tpu.vector_store %arg17[%swap3A_119, %swap3A_120], %min3A_63 {strides = array<i32>} : memref<2600x16xf32, #tpu.memory_space<vmem>>, vector<2600x16xf32>,
    %swap3A_122 = arith.constant 0 : index
    %swap3A_123 = arith.constant 0 : index
    %swap3A_124 = vector.load %arg18[%swap3A_122, %swap3A_123] : memref<2600x16xf32, #tpu.memory_space<vmem>>, vector<2600x16xf32>
    tpu.vector_store %arg18[%swap3A_122, %swap3A_123], %min3A_72 {strides = array<i32>} : memref<2600x16xf32, #tpu.memory_space<vmem>>, vector<2600x16xf32>,
    %swap3A_125 = arith.constant 0 : index
    %swap3A_126 = arith.constant 0 : index
    %swap3A_127 = vector.load %arg19[%swap3A_125, %swap3A_126] : memref<2600x16xf32, #tpu.memory_space<vmem>>, vector<2600x16xf32>
    tpu.vector_store %arg19[%swap3A_125, %swap3A_126], %min3A_81 {strides = array<i32>} : memref<2600x16xf32, #tpu.memory_space<vmem>>, vector<2600x16xf32>,
    return
  }
}

module attributes {stable_mosaic.version = 14 : i64} {
  func.func @_nms_body(%arg0: memref<96x128xf32, #tpu.memory_space<vmem>>, %arg1: memref<96x128xf32, #tpu.memory_space<vmem>>, %arg2: memref<96x128xf32, #tpu.memory_space<vmem>>, %arg3: memref<96x128xf32, #tpu.memory_space<vmem>>, %arg4: memref<96x128xf32, #tpu.memory_space<vmem>>, %arg5: memref<96x128xf32, #tpu.memory_space<vmem>>, %arg6: memref<96x128xf32, #tpu.memory_space<vmem>>, %arg7: memref<1xf32, #tpu.memory_space<smem>>) attributes {dimension_semantics = [], scalar_prefetch = 0 : i64, scratch_operands = 2 : i64, tpu.core_type = #tpu.core_type<tc>} {
    %get3A = arith.constant 0 : index
    %get3A_0 = arith.constant 0 : index
    %get3A_1 = vector.load %arg4[%get3A, %get3A_0] : memref<96x128xf32, #tpu.memory_space<vmem>>, vector<96x128xf32>
    %swap3A = arith.constant 0 : index
    %swap3A_2 = arith.constant 0 : index
    %swap3A_3 = vector.load %arg6[%swap3A, %swap3A_2] : memref<96x128xf32, #tpu.memory_space<vmem>>, vector<96x128xf32>
    tpu.vector_store %arg6[%swap3A, %swap3A_2], %get3A_1 {strides = array<i32>} : memref<96x128xf32, #tpu.memory_space<vmem>>, vector<96x128xf32>,
    %swap3A_4 = arith.constant 0.000000e+00 : f32
    %swap3A_5 = arith.constant 0 : index
    %swap3A_6 = memref.load %arg7[%swap3A_5] : memref<1xf32, #tpu.memory_space<smem>>
    memref.store %swap3A_4, %arg7[%swap3A_5] : memref<1xf32, #tpu.memory_space<smem>>
    %iota3A = tpu.iota {dimensions = array<i32: 1>} : vector<128x128xi32>
    %iota3A_7 = tpu.iota {dimensions = array<i32: 0>} : vector<128x128xi32>
    %gt3A = arith.cmpi sgt, %iota3A, %iota3A_7 : vector<128x128xi32>
    %scan3A = arith.constant 0 : i32
    %scan3A_8 = arith.constant 96 : i32
    %scan3A_9 = arith.addi %scan3A, %scan3A_8 : i32
    %scan3A_10 = arith.constant 1 : i32
    scf.for %scan3A_18 = %scan3A to %scan3A_9 step %scan3A_10  : i32 {
      %get3A_19 = arith.constant 0 : index
      %get3A_20 = memref.load %arg7[%get3A_19] : memref<1xf32, #tpu.memory_space<smem>>
      %lt3A = arith.constant 2.000000e+03 : f32
      %lt3A_21 = arith.cmpf olt, %get3A_20, %lt3A : f32
      %convert_element_type3A = arith.extui %lt3A_21 : i1 to i32
      %cond3A = arith.constant 0 : i32
      %cond3A_22 = arith.cmpi ne, %convert_element_type3A, %cond3A : i32
      scf.if %cond3A_22 {
        %get3A_27 = arith.index_cast %scan3A_18 : i32 to index
        %get3A_28 = arith.constant 0 : index
        %get3A_29 = vector.load %arg0[%get3A_27, %get3A_28] : memref<96x128xf32, #tpu.memory_space<vmem>>, vector<1x128xf32>
        %get3A_30 = arith.index_cast %scan3A_18 : i32 to index
        %get3A_31 = arith.constant 0 : index
        %get3A_32 = vector.load %arg1[%get3A_30, %get3A_31] : memref<96x128xf32, #tpu.memory_space<vmem>>, vector<1x128xf32>
        %get3A_33 = arith.index_cast %scan3A_18 : i32 to index
        %get3A_34 = arith.constant 0 : index
        %get3A_35 = vector.load %arg2[%get3A_33, %get3A_34] : memref<96x128xf32, #tpu.memory_space<vmem>>, vector<1x128xf32>
        %get3A_36 = arith.index_cast %scan3A_18 : i32 to index
        %get3A_37 = arith.constant 0 : index
        %get3A_38 = vector.load %arg3[%get3A_36, %get3A_37] : memref<96x128xf32, #tpu.memory_space<vmem>>, vector<1x128xf32>
        %sub3A = arith.subf %get3A_35, %get3A_29 : vector<1x128xf32>
        %sub3A_39 = arith.subf %get3A_38, %get3A_32 : vector<1x128xf32>
        %mul3A = arith.mulf %sub3A, %sub3A_39 : vector<1x128xf32>
        %transpose3A = tpu.transpose %get3A_29, [1, 0] : vector<1x128xf32> -> vector<128x1xf32>
        %transpose3A_40 = tpu.transpose %get3A_32, [1, 0] : vector<1x128xf32> -> vector<128x1xf32>
        %transpose3A_41 = tpu.transpose %get3A_35, [1, 0] : vector<1x128xf32> -> vector<128x1xf32>
        %transpose3A_42 = tpu.transpose %get3A_38, [1, 0] : vector<1x128xf32> -> vector<128x1xf32>
        %transpose3A_43 = tpu.transpose %mul3A, [1, 0] : vector<1x128xf32> -> vector<128x1xf32>
        %sub3A_44 = arith.subf %get3A_35, %get3A_29 : vector<1x128xf32>
        %sub3A_45 = arith.subf %get3A_38, %get3A_32 : vector<1x128xf32>
        %mul3A_46 = arith.mulf %sub3A_44, %sub3A_45 : vector<1x128xf32>
        %max3A = vector.broadcast %transpose3A : vector<128x1xf32> to vector<128x128xf32>
        %max3A_47 = vector.broadcast %get3A_29 : vector<1x128xf32> to vector<128x128xf32>
        %max3A_48 = arith.maximumf %max3A, %max3A_47 : vector<128x128xf32>
        %max3A_49 = vector.broadcast %transpose3A_40 : vector<128x1xf32> to vector<128x128xf32>
        %max3A_50 = vector.broadcast %get3A_32 : vector<1x128xf32> to vector<128x128xf32>
        %max3A_51 = arith.maximumf %max3A_49, %max3A_50 : vector<128x128xf32>
        %min3A = vector.broadcast %transpose3A_41 : vector<128x1xf32> to vector<128x128xf32>
        %min3A_52 = vector.broadcast %get3A_35 : vector<1x128xf32> to vector<128x128xf32>
        %min3A_53 = arith.minimumf %min3A, %min3A_52 : vector<128x128xf32>
        %min3A_54 = vector.broadcast %transpose3A_42 : vector<128x1xf32> to vector<128x128xf32>
        %min3A_55 = vector.broadcast %get3A_38 : vector<1x128xf32> to vector<128x128xf32>
        %min3A_56 = arith.minimumf %min3A_54, %min3A_55 : vector<128x128xf32>
        %sub3A_57 = arith.subf %min3A_53, %max3A_48 : vector<128x128xf32>
        %max3A_58 = arith.constant 0.000000e+00 : f32
        %max3A_59 = vector.broadcast %max3A_58 : f32 to vector<128x128xf32>
        %max3A_60 = arith.maximumf %sub3A_57, %max3A_59 : vector<128x128xf32>
        %sub3A_61 = arith.subf %min3A_56, %max3A_51 : vector<128x128xf32>
        %max3A_62 = arith.constant 0.000000e+00 : f32
        %max3A_63 = vector.broadcast %max3A_62 : f32 to vector<128x128xf32>
        %max3A_64 = arith.maximumf %sub3A_61, %max3A_63 : vector<128x128xf32>
        %mul3A_65 = arith.mulf %max3A_60, %max3A_64 : vector<128x128xf32>
        %add3A = vector.broadcast %transpose3A_43 : vector<128x1xf32> to vector<128x128xf32>
        %add3A_66 = vector.broadcast %mul3A_46 : vector<1x128xf32> to vector<128x128xf32>
        %add3A_67 = arith.addf %add3A, %add3A_66 : vector<128x128xf32>
        %sub3A_68 = arith.subf %add3A_67, %mul3A_65 : vector<128x128xf32>
        %add3A_69 = arith.constant 9.99999996E-13 : f32
        %add3A_70 = vector.broadcast %add3A_69 : f32 to vector<128x128xf32>
        %add3A_71 = arith.addf %sub3A_68, %add3A_70 : vector<128x128xf32>
        %div3A = arith.divf %mul3A_65, %add3A_71 : vector<128x128xf32>
        %gt3A_72 = arith.constant 0.699999988 : f32
        %gt3A_73 = vector.broadcast %gt3A_72 : f32 to vector<128x128xf32>
        %gt3A_74 = arith.cmpf ogt, %div3A, %gt3A_73 : vector<128x128xf32>
        %and3A = arith.andi %gt3A_74, %gt3A : vector<128x128xi1>
        %jit3A = arith.constant 1.000000e+00 : f32
        %jit3A_75 = arith.constant 0.000000e+00 : f32
        %broadcast_in_dim3A = vector.broadcast %jit3A : f32 to vector<128x128xf32>
        %broadcast_in_dim3A_76 = vector.broadcast %jit3A_75 : f32 to vector<128x128xf32>
        %select_n3A = arith.select %and3A, %broadcast_in_dim3A, %broadcast_in_dim3A_76 : vector<128x128xi1>, vector<128x128xf32>
        %get3A_77 = arith.index_cast %scan3A_18 : i32 to index
        %get3A_78 = arith.constant 0 : index
        %get3A_79 = vector.load %arg6[%get3A_77, %get3A_78] : memref<96x128xf32, #tpu.memory_space<vmem>>, vector<1x128xf32>
        %broadcast_in_dim3A_80 = arith.constant 0.000000e+00 : f32
        %broadcast_in_dim3A_81 = vector.broadcast %broadcast_in_dim3A_80 : f32 to vector<1x128xf32>
        %while3A:2 = scf.while (%while3A_106 = %get3A_79, %while3A_107 = %broadcast_in_dim3A_81) : (vector<1x128xf32>, vector<1x128xf32>) -> (vector<1x128xf32>, vector<1x128xf32>) {
          %sub3A_108 = arith.subf %while3A_106, %while3A_107 : vector<1x128xf32>
          %reduce_sum3A_109 = vector.shape_cast %sub3A_108 : vector<1x128xf32> to vector<1x1x128xf32>
          %reduce_sum3A_110 = arith.constant dense<0.000000e+00> : vector<1xf32>
          %reduce_sum3A_111 = vector.multi_reduction <add>, %reduce_sum3A_109, %reduce_sum3A_110 [1, 2] : vector<1x1x128xf32> to vector<1xf32>
          %reduce_sum3A_112 = vector.shape_cast %reduce_sum3A_111 : vector<1xf32> to vector<1x1x1xf32>
          %reduce_sum3A_113 = vector.extract %reduce_sum3A_112[0, 0, 0] : f32 from vector<1x1x1xf32>
          %gt3A_114 = arith.constant 0.000000e+00 : f32
          %gt3A_115 = arith.cmpf ogt, %reduce_sum3A_113, %gt3A_114 : f32
          scf.condition(%gt3A_115) %while3A_106, %while3A_107 : vector<1x128xf32>, vector<1x128xf32>
        } do {
        ^bb0(%while3A_106: vector<1x128xf32>, %while3A_107: vector<1x128xf32>):
          %dot_general3A = arith.constant dense<0.000000e+00> : vector<1x128xf32>
          %dot_general3A_108 = tpu.matmul %while3A_106, %select_n3A, %dot_general3A {dimension_numbers = #tpu.dot_dimension_numbers<[1], [0], [0], [1], [0, 0, 1, 1], [], []>, transpose_lhs_hint = false} : vector<1x128xf32>, vector<128x128xf32>, vector<1x128xf32> -> vector<1x128xf32>
          %gt3A_109 = arith.constant 0.000000e+00 : f32
          %gt3A_110 = vector.broadcast %gt3A_109 : f32 to vector<1x128xf32>
          %gt3A_111 = arith.cmpf ogt, %dot_general3A_108, %gt3A_110 : vector<1x128xf32>
          %jit3A_112 = arith.constant 0.000000e+00 : f32
          %jit3A_113 = arith.constant 1.000000e+00 : f32
          %broadcast_in_dim3A_114 = vector.broadcast %jit3A_112 : f32 to vector<1x128xf32>
          %broadcast_in_dim3A_115 = vector.broadcast %jit3A_113 : f32 to vector<1x128xf32>
          %select_n3A_116 = arith.select %gt3A_111, %broadcast_in_dim3A_114, %broadcast_in_dim3A_115 : vector<1x128xi1>, vector<1x128xf32>
          %mul3A_117 = arith.mulf %get3A_79, %select_n3A_116 : vector<1x128xf32>
          %dot_general3A_118 = arith.constant dense<0.000000e+00> : vector<1x128xf32>
          %dot_general3A_119 = tpu.matmul %mul3A_117, %select_n3A, %dot_general3A_118 {dimension_numbers = #tpu.dot_dimension_numbers<[1], [0], [0], [1], [0, 0, 1, 1], [], []>, transpose_lhs_hint = false} : vector<1x128xf32>, vector<128x128xf32>, vector<1x128xf32> -> vector<1x128xf32>
          %gt3A_120 = arith.constant 0.000000e+00 : f32
          %gt3A_121 = vector.broadcast %gt3A_120 : f32 to vector<1x128xf32>
          %gt3A_122 = arith.cmpf ogt, %dot_general3A_119, %gt3A_121 : vector<1x128xf32>
          %jit3A_123 = arith.constant 0.000000e+00 : f32
          %jit3A_124 = arith.constant 1.000000e+00 : f32
          %broadcast_in_dim3A_125 = vector.broadcast %jit3A_123 : f32 to vector<1x128xf32>
          %broadcast_in_dim3A_126 = vector.broadcast %jit3A_124 : f32 to vector<1x128xf32>
          %select_n3A_127 = arith.select %gt3A_122, %broadcast_in_dim3A_125, %broadcast_in_dim3A_126 : vector<1x128xi1>, vector<1x128xf32>
          %mul3A_128 = arith.mulf %while3A_106, %select_n3A_127 : vector<1x128xf32>
          scf.yield %mul3A_128, %mul3A_117 : vector<1x128xf32>, vector<1x128xf32>
        }
        %swap3A_82 = arith.index_cast %scan3A_18 : i32 to index
        %swap3A_83 = arith.constant 0 : index
        %swap3A_84 = vector.load %arg6[%swap3A_82, %swap3A_83] : memref<96x128xf32, #tpu.memory_space<vmem>>, vector<1x128xf32>
        tpu.vector_store %arg6[%swap3A_82, %swap3A_83], %while3A#0 {strides = array<i32>} : memref<96x128xf32, #tpu.memory_space<vmem>>, vector<1x128xf32>,
        %get3A_85 = arith.constant 0 : index
        %get3A_86 = memref.load %arg7[%get3A_85] : memref<1xf32, #tpu.memory_space<smem>>
        %reduce_sum3A = vector.shape_cast %while3A#0 : vector<1x128xf32> to vector<1x1x128xf32>
        %reduce_sum3A_87 = arith.constant dense<0.000000e+00> : vector<1xf32>
        %reduce_sum3A_88 = vector.multi_reduction <add>, %reduce_sum3A, %reduce_sum3A_87 [1, 2] : vector<1x1x128xf32> to vector<1xf32>
        %reduce_sum3A_89 = vector.shape_cast %reduce_sum3A_88 : vector<1xf32> to vector<1x1x1xf32>
        %reduce_sum3A_90 = vector.extract %reduce_sum3A_89[0, 0, 0] : f32 from vector<1x1x1xf32>
        %add3A_91 = arith.addf %get3A_86, %reduce_sum3A_90 : f32
        %swap3A_92 = arith.constant 0 : index
        %swap3A_93 = memref.load %arg7[%swap3A_92] : memref<1xf32, #tpu.memory_space<smem>>
        memref.store %add3A_91, %arg7[%swap3A_92] : memref<1xf32, #tpu.memory_space<smem>>
        %add3A_94 = arith.constant 1 : i32
        %add3A_95 = arith.addi %scan3A_18, %add3A_94 : i32
        %while3A_96 = arith.constant 0 : i32
        %while3A_97 = arith.constant 96 : i32
        %while3A_98 = arith.subi %while3A_97, %add3A_95 : i32
        %while3A_99 = arith.addi %add3A_95, %while3A_98 : i32
        %while3A_100 = arith.constant 1 : i32
        %while3A_101 = arith.divsi %while3A_98, %while3A_100 : i32
        %while3A_102 = arith.muli %while3A_101, %while3A_100 : i32
        %while3A_103 = arith.addi %add3A_95, %while3A_102 : i32
        %while3A_104 = arith.constant 1 : i32
        scf.for %while3A_106 = %add3A_95 to %while3A_103 step %while3A_104  : i32 {
          %get3A_107 = arith.index_cast %while3A_106 : i32 to index
          %get3A_108 = arith.constant 0 : index
          %get3A_109 = vector.load %arg0[%get3A_107, %get3A_108] : memref<96x128xf32, #tpu.memory_space<vmem>>, vector<1x128xf32>
          %get3A_110 = arith.index_cast %while3A_106 : i32 to index
          %get3A_111 = arith.constant 0 : index
          %get3A_112 = vector.load %arg1[%get3A_110, %get3A_111] : memref<96x128xf32, #tpu.memory_space<vmem>>, vector<1x128xf32>
          %get3A_113 = arith.index_cast %while3A_106 : i32 to index
          %get3A_114 = arith.constant 0 : index
          %get3A_115 = vector.load %arg2[%get3A_113, %get3A_114] : memref<96x128xf32, #tpu.memory_space<vmem>>, vector<1x128xf32>
          %get3A_116 = arith.index_cast %while3A_106 : i32 to index
          %get3A_117 = arith.constant 0 : index
          %get3A_118 = vector.load %arg3[%get3A_116, %get3A_117] : memref<96x128xf32, #tpu.memory_space<vmem>>, vector<1x128xf32>
          %sub3A_119 = arith.subf %get3A_115, %get3A_109 : vector<1x128xf32>
          %sub3A_120 = arith.subf %get3A_118, %get3A_112 : vector<1x128xf32>
          %mul3A_121 = arith.mulf %sub3A_119, %sub3A_120 : vector<1x128xf32>
          %max3A_122 = vector.broadcast %transpose3A : vector<128x1xf32> to vector<128x128xf32>
          %max3A_123 = vector.broadcast %get3A_109 : vector<1x128xf32> to vector<128x128xf32>
          %max3A_124 = arith.maximumf %max3A_122, %max3A_123 : vector<128x128xf32>
          %max3A_125 = vector.broadcast %transpose3A_40 : vector<128x1xf32> to vector<128x128xf32>
          %max3A_126 = vector.broadcast %get3A_112 : vector<1x128xf32> to vector<128x128xf32>
          %max3A_127 = arith.maximumf %max3A_125, %max3A_126 : vector<128x128xf32>
          %min3A_128 = vector.broadcast %transpose3A_41 : vector<128x1xf32> to vector<128x128xf32>
          %min3A_129 = vector.broadcast %get3A_115 : vector<1x128xf32> to vector<128x128xf32>
          %min3A_130 = arith.minimumf %min3A_128, %min3A_129 : vector<128x128xf32>
          %min3A_131 = vector.broadcast %transpose3A_42 : vector<128x1xf32> to vector<128x128xf32>
          %min3A_132 = vector.broadcast %get3A_118 : vector<1x128xf32> to vector<128x128xf32>
          %min3A_133 = arith.minimumf %min3A_131, %min3A_132 : vector<128x128xf32>
          %sub3A_134 = arith.subf %min3A_130, %max3A_124 : vector<128x128xf32>
          %max3A_135 = arith.constant 0.000000e+00 : f32
          %max3A_136 = vector.broadcast %max3A_135 : f32 to vector<128x128xf32>
          %max3A_137 = arith.maximumf %sub3A_134, %max3A_136 : vector<128x128xf32>
          %sub3A_138 = arith.subf %min3A_133, %max3A_127 : vector<128x128xf32>
          %max3A_139 = arith.constant 0.000000e+00 : f32
          %max3A_140 = vector.broadcast %max3A_139 : f32 to vector<128x128xf32>
          %max3A_141 = arith.maximumf %sub3A_138, %max3A_140 : vector<128x128xf32>
          %mul3A_142 = arith.mulf %max3A_137, %max3A_141 : vector<128x128xf32>
          %add3A_143 = vector.broadcast %transpose3A_43 : vector<128x1xf32> to vector<128x128xf32>
          %add3A_144 = vector.broadcast %mul3A_121 : vector<1x128xf32> to vector<128x128xf32>
          %add3A_145 = arith.addf %add3A_143, %add3A_144 : vector<128x128xf32>
          %sub3A_146 = arith.subf %add3A_145, %mul3A_142 : vector<128x128xf32>
          %add3A_147 = arith.constant 9.99999996E-13 : f32
          %add3A_148 = vector.broadcast %add3A_147 : f32 to vector<128x128xf32>
          %add3A_149 = arith.addf %sub3A_146, %add3A_148 : vector<128x128xf32>
          %div3A_150 = arith.divf %mul3A_142, %add3A_149 : vector<128x128xf32>
          %gt3A_151 = arith.constant 0.699999988 : f32
          %gt3A_152 = vector.broadcast %gt3A_151 : f32 to vector<128x128xf32>
          %gt3A_153 = arith.cmpf ogt, %div3A_150, %gt3A_152 : vector<128x128xf32>
          %jit3A_154 = arith.constant 1.000000e+00 : f32
          %jit3A_155 = arith.constant 0.000000e+00 : f32
          %broadcast_in_dim3A_156 = vector.broadcast %jit3A_154 : f32 to vector<128x128xf32>
          %broadcast_in_dim3A_157 = vector.broadcast %jit3A_155 : f32 to vector<128x128xf32>
          %select_n3A_158 = arith.select %gt3A_153, %broadcast_in_dim3A_156, %broadcast_in_dim3A_157 : vector<128x128xi1>, vector<128x128xf32>
          %dot_general3A = arith.constant dense<0.000000e+00> : vector<1x128xf32>
          %dot_general3A_159 = tpu.matmul %while3A#0, %select_n3A_158, %dot_general3A {dimension_numbers = #tpu.dot_dimension_numbers<[1], [0], [0], [1], [0, 0, 1, 1], [], []>, transpose_lhs_hint = false} : vector<1x128xf32>, vector<128x128xf32>, vector<1x128xf32> -> vector<1x128xf32>
          %get3A_160 = arith.index_cast %while3A_106 : i32 to index
          %get3A_161 = arith.constant 0 : index
          %get3A_162 = vector.load %arg6[%get3A_160, %get3A_161] : memref<96x128xf32, #tpu.memory_space<vmem>>, vector<1x128xf32>
          %gt3A_163 = arith.constant 0.000000e+00 : f32
          %gt3A_164 = vector.broadcast %gt3A_163 : f32 to vector<1x128xf32>
          %gt3A_165 = arith.cmpf ogt, %dot_general3A_159, %gt3A_164 : vector<1x128xf32>
          %jit3A_166 = arith.constant 0.000000e+00 : f32
          %jit3A_167 = arith.constant 1.000000e+00 : f32
          %broadcast_in_dim3A_168 = vector.broadcast %jit3A_166 : f32 to vector<1x128xf32>
          %broadcast_in_dim3A_169 = vector.broadcast %jit3A_167 : f32 to vector<1x128xf32>
          %select_n3A_170 = arith.select %gt3A_165, %broadcast_in_dim3A_168, %broadcast_in_dim3A_169 : vector<1x128xi1>, vector<1x128xf32>
          %mul3A_171 = arith.mulf %get3A_162, %select_n3A_170 : vector<1x128xf32>
          %swap3A_172 = arith.index_cast %while3A_106 : i32 to index
          %swap3A_173 = arith.constant 0 : index
          %swap3A_174 = vector.load %arg6[%swap3A_172, %swap3A_173] : memref<96x128xf32, #tpu.memory_space<vmem>>, vector<1x128xf32>
          tpu.vector_store %arg6[%swap3A_172, %swap3A_173], %mul3A_171 {strides = array<i32>} : memref<96x128xf32, #tpu.memory_space<vmem>>, vector<1x128xf32>,
        }
        %while3A_105 = arith.constant 1 : i32
        scf.for %while3A_106 = %while3A_103 to %while3A_99 step %while3A_105  : i32 {
          %get3A_107 = arith.index_cast %while3A_106 : i32 to index
          %get3A_108 = arith.constant 0 : index
          %get3A_109 = vector.load %arg0[%get3A_107, %get3A_108] : memref<96x128xf32, #tpu.memory_space<vmem>>, vector<1x128xf32>
          %get3A_110 = arith.index_cast %while3A_106 : i32 to index
          %get3A_111 = arith.constant 0 : index
          %get3A_112 = vector.load %arg1[%get3A_110, %get3A_111] : memref<96x128xf32, #tpu.memory_space<vmem>>, vector<1x128xf32>
          %get3A_113 = arith.index_cast %while3A_106 : i32 to index
          %get3A_114 = arith.constant 0 : index
          %get3A_115 = vector.load %arg2[%get3A_113, %get3A_114] : memref<96x128xf32, #tpu.memory_space<vmem>>, vector<1x128xf32>
          %get3A_116 = arith.index_cast %while3A_106 : i32 to index
          %get3A_117 = arith.constant 0 : index
          %get3A_118 = vector.load %arg3[%get3A_116, %get3A_117] : memref<96x128xf32, #tpu.memory_space<vmem>>, vector<1x128xf32>
          %sub3A_119 = arith.subf %get3A_115, %get3A_109 : vector<1x128xf32>
          %sub3A_120 = arith.subf %get3A_118, %get3A_112 : vector<1x128xf32>
          %mul3A_121 = arith.mulf %sub3A_119, %sub3A_120 : vector<1x128xf32>
          %max3A_122 = vector.broadcast %transpose3A : vector<128x1xf32> to vector<128x128xf32>
          %max3A_123 = vector.broadcast %get3A_109 : vector<1x128xf32> to vector<128x128xf32>
          %max3A_124 = arith.maximumf %max3A_122, %max3A_123 : vector<128x128xf32>
          %max3A_125 = vector.broadcast %transpose3A_40 : vector<128x1xf32> to vector<128x128xf32>
          %max3A_126 = vector.broadcast %get3A_112 : vector<1x128xf32> to vector<128x128xf32>
          %max3A_127 = arith.maximumf %max3A_125, %max3A_126 : vector<128x128xf32>
          %min3A_128 = vector.broadcast %transpose3A_41 : vector<128x1xf32> to vector<128x128xf32>
          %min3A_129 = vector.broadcast %get3A_115 : vector<1x128xf32> to vector<128x128xf32>
          %min3A_130 = arith.minimumf %min3A_128, %min3A_129 : vector<128x128xf32>
          %min3A_131 = vector.broadcast %transpose3A_42 : vector<128x1xf32> to vector<128x128xf32>
          %min3A_132 = vector.broadcast %get3A_118 : vector<1x128xf32> to vector<128x128xf32>
          %min3A_133 = arith.minimumf %min3A_131, %min3A_132 : vector<128x128xf32>
          %sub3A_134 = arith.subf %min3A_130, %max3A_124 : vector<128x128xf32>
          %max3A_135 = arith.constant 0.000000e+00 : f32
          %max3A_136 = vector.broadcast %max3A_135 : f32 to vector<128x128xf32>
          %max3A_137 = arith.maximumf %sub3A_134, %max3A_136 : vector<128x128xf32>
          %sub3A_138 = arith.subf %min3A_133, %max3A_127 : vector<128x128xf32>
          %max3A_139 = arith.constant 0.000000e+00 : f32
          %max3A_140 = vector.broadcast %max3A_139 : f32 to vector<128x128xf32>
          %max3A_141 = arith.maximumf %sub3A_138, %max3A_140 : vector<128x128xf32>
          %mul3A_142 = arith.mulf %max3A_137, %max3A_141 : vector<128x128xf32>
          %add3A_143 = vector.broadcast %transpose3A_43 : vector<128x1xf32> to vector<128x128xf32>
          %add3A_144 = vector.broadcast %mul3A_121 : vector<1x128xf32> to vector<128x128xf32>
          %add3A_145 = arith.addf %add3A_143, %add3A_144 : vector<128x128xf32>
          %sub3A_146 = arith.subf %add3A_145, %mul3A_142 : vector<128x128xf32>
          %add3A_147 = arith.constant 9.99999996E-13 : f32
          %add3A_148 = vector.broadcast %add3A_147 : f32 to vector<128x128xf32>
          %add3A_149 = arith.addf %sub3A_146, %add3A_148 : vector<128x128xf32>
          %div3A_150 = arith.divf %mul3A_142, %add3A_149 : vector<128x128xf32>
          %gt3A_151 = arith.constant 0.699999988 : f32
          %gt3A_152 = vector.broadcast %gt3A_151 : f32 to vector<128x128xf32>
          %gt3A_153 = arith.cmpf ogt, %div3A_150, %gt3A_152 : vector<128x128xf32>
          %jit3A_154 = arith.constant 1.000000e+00 : f32
          %jit3A_155 = arith.constant 0.000000e+00 : f32
          %broadcast_in_dim3A_156 = vector.broadcast %jit3A_154 : f32 to vector<128x128xf32>
          %broadcast_in_dim3A_157 = vector.broadcast %jit3A_155 : f32 to vector<128x128xf32>
          %select_n3A_158 = arith.select %gt3A_153, %broadcast_in_dim3A_156, %broadcast_in_dim3A_157 : vector<128x128xi1>, vector<128x128xf32>
          %dot_general3A = arith.constant dense<0.000000e+00> : vector<1x128xf32>
          %dot_general3A_159 = tpu.matmul %while3A#0, %select_n3A_158, %dot_general3A {dimension_numbers = #tpu.dot_dimension_numbers<[1], [0], [0], [1], [0, 0, 1, 1], [], []>, transpose_lhs_hint = false} : vector<1x128xf32>, vector<128x128xf32>, vector<1x128xf32> -> vector<1x128xf32>
          %get3A_160 = arith.index_cast %while3A_106 : i32 to index
          %get3A_161 = arith.constant 0 : index
          %get3A_162 = vector.load %arg6[%get3A_160, %get3A_161] : memref<96x128xf32, #tpu.memory_space<vmem>>, vector<1x128xf32>
          %gt3A_163 = arith.constant 0.000000e+00 : f32
          %gt3A_164 = vector.broadcast %gt3A_163 : f32 to vector<1x128xf32>
          %gt3A_165 = arith.cmpf ogt, %dot_general3A_159, %gt3A_164 : vector<1x128xf32>
          %jit3A_166 = arith.constant 0.000000e+00 : f32
          %jit3A_167 = arith.constant 1.000000e+00 : f32
          %broadcast_in_dim3A_168 = vector.broadcast %jit3A_166 : f32 to vector<1x128xf32>
          %broadcast_in_dim3A_169 = vector.broadcast %jit3A_167 : f32 to vector<1x128xf32>
          %select_n3A_170 = arith.select %gt3A_165, %broadcast_in_dim3A_168, %broadcast_in_dim3A_169 : vector<1x128xi1>, vector<1x128xf32>
          %mul3A_171 = arith.mulf %get3A_162, %select_n3A_170 : vector<1x128xf32>
          %swap3A_172 = arith.index_cast %while3A_106 : i32 to index
          %swap3A_173 = arith.constant 0 : index
          %swap3A_174 = vector.load %arg6[%swap3A_172, %swap3A_173] : memref<96x128xf32, #tpu.memory_space<vmem>>, vector<1x128xf32>
          tpu.vector_store %arg6[%swap3A_172, %swap3A_173], %mul3A_171 {strides = array<i32>} : memref<96x128xf32, #tpu.memory_space<vmem>>, vector<1x128xf32>,
        }
      } else {
      }
      %not3A = arith.constant true
      %not3A_23 = arith.xori %lt3A_21, %not3A : i1
      %convert_element_type3A_24 = arith.extui %not3A_23 : i1 to i32
      %cond3A_25 = arith.constant 0 : i32
      %cond3A_26 = arith.cmpi ne, %convert_element_type3A_24, %cond3A_25 : i32
      scf.if %cond3A_26 {
        %broadcast_in_dim3A = arith.constant 0.000000e+00 : f32
        %broadcast_in_dim3A_27 = vector.broadcast %broadcast_in_dim3A : f32 to vector<1x128xf32>
        %swap3A_28 = arith.index_cast %scan3A_18 : i32 to index
        %swap3A_29 = arith.constant 0 : index
        %swap3A_30 = vector.load %arg6[%swap3A_28, %swap3A_29] : memref<96x128xf32, #tpu.memory_space<vmem>>, vector<1x128xf32>
        tpu.vector_store %arg6[%swap3A_28, %swap3A_29], %broadcast_in_dim3A_27 {strides = array<i32>} : memref<96x128xf32, #tpu.memory_space<vmem>>, vector<1x128xf32>,
      } else {
      }
    }
    %scan3A_11 = arith.constant 96 : i32
    %get3A_12 = arith.constant 0 : index
    %get3A_13 = arith.constant 0 : index
    %get3A_14 = vector.load %arg6[%get3A_12, %get3A_13] : memref<96x128xf32, #tpu.memory_space<vmem>>, vector<96x128xf32>
    %swap3A_15 = arith.constant 0 : index
    %swap3A_16 = arith.constant 0 : index
    %swap3A_17 = vector.load %arg5[%swap3A_15, %swap3A_16] : memref<96x128xf32, #tpu.memory_space<vmem>>, vector<96x128xf32>
    tpu.vector_store %arg5[%swap3A_15, %swap3A_16], %get3A_14 {strides = array<i32>} : memref<96x128xf32, #tpu.memory_space<vmem>>, vector<96x128xf32>,
    return
  }
}

</mosaic_0001>

<sc_bundles>
// kernel: gather_offload_async_start.1
scs
__scs_entry_jumppad:
0x0: {  	(pc) =	sbr.rel $0x88, $3  }
0x1: {  	(tag) =	ssettag $0x0;
	lr =	simm.s32 $0x1  }
0x2: {  	[smem:$0x3F99] =	sst lr;
	_ =	strace $0xD0000000  }
0x3: {  	_ = 	snop  }
0x4: {  	_ = 	snop  }
0x5: {  	_ = 	snop  }
0x6: {  	_ = 	snop  }
0x7: {  	_ = 	snop  }
__scs_overlays_trampoline_lowered:
0x8: {  	[smem:$0x3FA8] =	sst s0  }
0x9: {  	[smem:$0x3FA9] =	sst s1  }
0xa: {  	[smem:$0x3FAA] =	sst s2  }
0xb: {  	[smem:$0x3FAB] =	sst s3  }
0xc: {  	[smem:$0x3FAC] =	sst s4  }
0xd: {  	[smem:$0x3FAD] =	sst s5  }
0xe: {  	[smem:$0x3FAE] =	sst s6  }
0xf: {  	[smem:$0x3FAF] =	sst s7  }
0x10: {  	[smem:$0x3FB0] =	sst s8  }
0x11: {  	[smem:$0x3FB1] =	sst s9;
	s0 =	simm.s32 @!p0 $0x0  }
0x12: {  	s1 =	sld [smem:$0x3F97];
	s0 =	simm.s32 @p0 $0x1  }
0x13: {  	[smem:$0x3FB2] =	sst s0;
	s0 =	simm.s32 @!p1 $0x0  }
0x14: {  	s2 =	sld [smem:$0x3F96];
	s0 =	simm.s32 @p1 $0x1  }
0x15: {  	[smem:$0x3FB3] =	sst s0;
	s0 =	simm.s32 @!p2 $0x0  }
0x16: {  	s3 =	sld [smem:$0x3FDB];
	s0 =	simm.s32 @p2 $0x1  }
0x17: {  	s4 =	simm.s32 $0x1BF5;
	[smem:$0x3FB5] =	sst s0  }
0x18: {  	s0 =	sld [smem:$0x3F98];
	_ =	swait.ge [sflag:s4], $0x0  }
0x19: {  	s7 =	sld [smem:$0x3F99]  }
0x1a: {  	s8 =	sadd.s32 $0xFFFFE003, lr  }
0x1b: {  	s9 =	sadd.s32 $0xFFFFFEF7, lr;
	s5 =	simm.s32 $0xFFFFFFFF;
	p2 =	slt.u32 s8, $0xFFFFF086  }
0x1c: {  	p1 =	slt.u32 s9, $0xF7A;
	s5 =	simm.s32 @!p2 $0x0  }
0x1d: {  	s5 =	simm.s32 @p1 $0x1;
	p0 =	seq.s32 s7, s2  }
0x1e: {  	s7 =	smul.u32 @!p0 $0xF7A, s2;
	p2 =	seq.s32 @!p0 s5, $0x0  }
0x1f: {  	s9 =	smul.u32 $0xF7A, s1;
	s8 =	simm.s32 @!p0 $0x1BF5;
	p2 =	por !p2, p0  }
0x20: {  	[sflag:s8] =	ssyncset.s32 @!p0 $0xFFFFF086;
	s6 =	sadd.s32 @!p0 s3, s7;
	s7 =	simm.s32 @!p0 $0x108  }
0x21: {  	s3 =	sadd.s32 s3, s9;
	s6 =	sadd.s32 @!p0 $0x88, s6;
	s7 =	simm.s32 @p2 $0x1082  }
0x22: {  	[simem:s7], [sflag:s8] =	dma.local @!p0 [hbm:s6], $0xF7A  }
0x23: {  	s9 =	sor.u32 $0xD0000000, s2;
	s6 =	simm.s32 $0x108;
	_ =	swait.ge @!p0 [sflag:s8], $0x0  }
0x24: {  	s3 =	sadd.s32 $0x88, s3;
	s6 =	simm.s32 @!p1 $0x1082;
	[sflag:s4] =	ssyncset.s32 $0xFFFFF086  }
0x25: {  	[simem:s6], [sflag:s4] =	dma.local [hbm:s3], $0xF7A  }
0x26: {  	[smem:$0x3F99] =	sst s1;
	(tag) =	ssettag s2;
	_ =	strace s9  }
0x27: {  	s1 =	sld [smem:$0x3FA9]  }
0x28: {  	s2 =	sld [smem:$0x3FAA]  }
0x29: {  	s4 =	sld [smem:$0x3FAC]  }
0x2a: {  	p0 =	seq.s32 s5, $0x0;
	s5 =	sld [smem:$0x3FAD]  }
0x2b: {  	s6 =	sld [smem:$0x3FAE]  }
0x2c: {  	s7 =	sld [smem:$0x3FAF]  }
0x2d: {  	s3 =	simm.s32 $0x108;
	s8 =	sld [smem:$0x3FB0]  }
0x2e: {  	s3 =	simm.s32 @!p0 $0x1082;
	s9 =	sld [smem:$0x3FB1]  }
0x2f: {  	lr =	sadd.s32 s0, s3;
	s0 =	sld [smem:$0x3FA8]  }
0x30: {  	s3 =	sld [smem:$0x3FAB]  }
0x31: {  	[smem:$0x3FB4] =	sst s10  }
0x32: {  	s10 =	sld [smem:$0x3FB2];
	_ =	sdelay $0x3  }
0x33: {  	p0 =	seq.s32 s10, $0x1;
	s10 =	sld [smem:$0x3FB4];
	_ =	sdelay $0x3  }
0x34: {  	[smem:$0x3FB4] =	sst s10  }
0x35: {  	s10 =	sld [smem:$0x3FB3];
	_ =	sdelay $0x3  }
0x36: {  	p1 =	seq.s32 s10, $0x1;
	s10 =	sld [smem:$0x3FB4];
	_ =	sdelay $0x3  }
0x37: {  	[smem:$0x3FB4] =	sst s10  }
0x38: {  	s10 =	sld [smem:$0x3FB5]  }
0x39: {  	_ = 	snop;
	(pc) =	sbr.ind lr, $3  }
0x3a: {  	_ = 	snop  }
0x3b: {  	_ = 	snop  }
0x3c: {  	p2 =	seq.s32 s10, $0x1;
	s10 =	sld [smem:$0x3FB4]  }
0x3d: {  	_ =	shalt  }
0x3e: {  	_ =	shalt  }
0x3f: {  	_ =	shalt  }
0x40: {  	_ =	shalt  }
0x41: {  	_ =	shalt  }
0x42: {  	_ =	shalt  }
0x43: {  	_ =	shalt  }
0x44: {  	_ =	shalt  }
0x45: {  	_ =	shalt  }
0x46: {  	_ =	shalt  }
0x47: {  	_ =	shalt  }
0x48: {  	_ =	shalt  }
0x49: {  	_ =	shalt  }
0x4a: {  	_ =	shalt  }
0x4b: {  	_ =	shalt  }
0x4c: {  	_ =	shalt  }
0x4d: {  	_ =	shalt  }
0x4e: {  	_ =	shalt  }
0x4f: {  	_ =	shalt  }
0x50: {  	_ =	shalt  }
0x51: {  	_ =	shalt  }
0x52: {  	_ =	shalt  }
0x53: {  	_ =	shalt  }
0x54: {  	_ =	shalt  }
0x55: {  	_ =	shalt  }
0x56: {  	_ =	shalt  }
0x57: {  	_ =	shalt  }
0x58: {  	_ =	shalt  }
0x59: {  	_ =	shalt  }
0x5a: {  	_ =	shalt  }
0x5b: {  	_ =	shalt  }
0x5c: {  	_ =	shalt  }
0x5d: {  	_ =	shalt  }
0x5e: {  	_ =	shalt  }
0x5f: {  	_ =	shalt  }
0x60: {  	_ =	shalt  }
0x61: {  	_ =	shalt  }
0x62: {  	_ =	shalt  }
0x63: {  	_ =	shalt  }
0x64: {  	_ =	shalt  }
0x65: {  	_ =	shalt  }
0x66: {  	_ =	shalt  }
0x67: {  	_ =	shalt  }
0x68: {  	_ =	shalt  }
0x69: {  	_ =	shalt  }
0x6a: {  	_ =	shalt  }
0x6b: {  	_ =	shalt  }
0x6c: {  	_ =	shalt  }
0x6d: {  	_ =	shalt  }
0x6e: {  	_ =	shalt  }
0x6f: {  	_ =	shalt  }
0x70: {  	_ =	shalt  }
0x71: {  	_ =	shalt  }
0x72: {  	_ =	shalt  }
0x73: {  	_ =	shalt  }
0x74: {  	_ =	shalt  }
0x75: {  	_ =	shalt  }
0x76: {  	_ =	shalt  }
0x77: {  	_ =	shalt  }
0x78: {  	_ =	shalt  }
0x79: {  	_ =	shalt  }
0x7a: {  	_ =	shalt  }
0x7b: {  	_ =	shalt  }
0x7c: {  	_ =	shalt  }
0x7d: {  	_ =	shalt  }
0x7e: {  	_ =	shalt  }
0x7f: {  	_ =	shalt  }
0x80: {  	_ =	shalt  }
0x81: {  	_ =	shalt  }
0x82: {  	_ =	shalt  }
0x83: {  	_ =	shalt  }
0x84: {  	_ =	shalt  }
0x85: {  	_ =	shalt  }
0x86: {  	_ =	shalt  }
0x87: {  	_ =	shalt  }
.Lfunc_end0:
.L_simem_size_0:
called_computation.2_lowered:
.L_overlay_start_0:
0x88: {  	s2 =	sld [smem:$0x3FD9]  }
0x89: {  	s3 =	sld [smem:$0x3FFE];
	_ =	sdelay $0x1  }
0x8a: {  	s1 =	srdreg.scid  }
0x8b: {  	s0 =	sand.u32 $0x1, s1  }
0x8c: {  	s17 =	sshll.u32 s0, $0xA;
	s2 =	sadd.s32 s3, s2  }
0x8d: {  	s2 =	sadd.s32 s2, s17  }
0x8e: {  	[smem:$0x3FC0] =	sst s2  }
0x8f: {  	_ = 	snop  }
0x90: {  	(tm) =	ssettm $0x1  }
0x91: {  	s18 =	sld [smem:$0x3FFB];
	_ =	sdelay $0x3  }
0x92: {  	_ =	strace s18  }
0x93: {  	s2 =	sld [smem:$0x3FFC];
	_ =	sdelay $0x3  }
0x94: {  	_ =	strace s2  }
0x95: {  	s2 =	sld [smem:$0x3FFD];
	_ =	sdelay $0x3  }
0x96: {  	_ =	strace s2  }
0x97: {  	_ =	strace $0x8FFFFFFF  }
0x98: {  	s19 =	sld [smem:$0x3FDB];
	_ =	sdelay $0x1  }
0x99: {  	s20 =	simm.s32 $_scs_section_size  }
0x9a: {  	s4 =	simm.s32 $_size__tile_overlayer_lowered;
	s5 =	simm.s32 $_tile_overlayer_lowered  }
0x9b: {  	s6 =	simm.s32 $0x1BFF;
	s21 =	sshll.u32 s5, $0x1;
	s3 =	sadd.s32 s20, s19  }
0x9c: {  	s22 =	simm.s32 $0x0;
	s4 =	sshll.u32 s4, $0x1;
	s5 =	sadd.s32 s21, s3  }
0x9d: {  	[timem:s22], [sflag:s6] =	dma.local [hbm:s5], s4  }
0x9e: {  	_ =	swait.ge [sflag:s6], s4  }
0x9f: {  	s4 =	ssub.s32 $0x0, s4;
	[sflag:s6] =	ssyncset.done $0x0  }
0xa0: {  	[sflag:s6] =	ssyncadd.s32 s4;
	_ =	sdelay $0x1  }
0xa1: {  	s23 =	simm.s32 $0x1B8B  }
0xa2: {  	_ =	swait.ge [sflag:s23], $0x1  }
0xa3: {  	[sflag:s23] =	ssyncset.done $0x0  }
0xa4: {  	[sflag:s23] =	ssyncadd.s32 $0xFFFFFFFF  }
0xa5: {  	s4 =	sld [smem:$0x0]  }
0xa6: {  	s5 =	sand.u32 $0xFFFFFFFE, s1  }
0xa7: {  	p0 =	sne.s32 s1, s5  }
0xa8: {  	s5 =	sshll.u32 @p0 s5, $0xE  }
0xa9: {  	s5 =	sadd.s32 @p0 $0x11B8D, s5;
	s6 =	sshll.u32 @p0 s4, $0x11  }
0xaa: {  	s5 =	sor.u32 @p0 s6, s5  }
0xab: {  	[sflag:s5] =	ssyncadd.remote.s32 @p0 $0x1;
	_ =	sdelay $0x1  }
0xac: {  	s5 =	simm.s32 @p0 $0x1B8D  }
0xad: {  	_ =	swait.eq @p0 [sflag:s5], $0x1  }
0xae: {  	[sflag:s5] =	ssyncadd.s32 @p0 $0xFFFFFFFF  }
0xaf: {  	s6 =	sshll.u32 @!p0 s1, $0xE  }
0xb0: {  	s6 =	sor.u32 @!p0 $0x4000, s6;
	s5 =	simm.s32 @!p0 $0x1B8D  }
0xb1: {  	s4 =	sshll.u32 @!p0 s4, $0x11;
	s6 =	sadd.s32 @!p0 $0x11B8D, s6;
	_ =	swait.eq @!p0 [sflag:s5], $0x1  }
0xb2: {  	s4 =	sor.u32 @!p0 s4, s6;
	[sflag:s5] =	ssyncadd.s32 @!p0 $0xFFFFFFFF  }
0xb3: {  	s25 =	simm.s32 $0x1B8E;
	s24 =	sld [smem:$0x3FFE];
	[sflag:s4] =	ssyncadd.remote.s32 @!p0 $0x1  }
0xb4: {  	s26 =	simm.s32 $execute0_lowered;
	[smem:$0x3FD2] =	sst s25  }
0xb5: {  	s5 =	sshll.u32 s26, $0x1;
	_ =	strace $0x8000004C;
	[dreg:$0x1] =	wrdreg $0xFFFFFFFF  }
0xb6: {  	s28 =	simm.s32 $_size_execute0_lowered;
	s3 =	sadd.s32 s3, s5;
	[dreg:$0x0] =	wrdreg $0x0  }
0xb7: {  	s5 =	sshll.u32 s28, $0x1;
	[dreg:$0x2] =	wrdreg s3  }
0xb8: {  	[dreg:$0x3] =	wrdreg s5  }
0xb9: {  	[dreg:$0x4] =	wrdreg $0xC0  }
0xba: {  	_ =	task [dreg:s22], $0x5FFFF  }
0xbb: {  	[dreg:$0x1] =	wrdreg $0xFFFFFFFF  }
0xbc: {  	[dreg:$0x0] =	wrdreg $0x60  }
0xbd: {  	[dreg:$0x2] =	wrdreg s24  }
0xbe: {  	[dreg:$0x3] =	wrdreg $0x9  }
0xbf: {  	_ =	task.clear_ibuf [dreg:s22], $0x4FFFF;
	_ =	strace $0x9000004C  }
0xc0: {  	s29 =	simm.s32 $0x9;
	_ =	strace $0x8000004E  }
0xc1: {  	_ =	swait.ge [sflag:s29], $0x1  }
0xc2: {  	[sflag:s29] =	ssyncadd.s32 $0xFFFFFFFF  }
0xc3: {  	_ =	strace $0x9000004E  }
0xc4: {  	_ =	sfence  }
0xc5: {  	s30 =	sld [smem:$0x0];
	_ =	sdelay $0x2  }
0xc6: {  	s31 =	sshll.u32 s1, $0xD;
	s1 =	sshrl.u32 s1, $0x2  }
0xc7: {  	s4 =	sand.u32 $0x4000, s31;
	s1 =	sadd.s32 s1, s30  }
0xc8: {  	s0 =	sor.u32 s4, s0;
	s1 =	sshll.u32 s1, $0x11  }
0xc9: {  	s0 =	sor.u32 s1, s0  }
0xca: {  	s0 =	sadd.s32 $0x8F2B, s0  }
0xcb: {  	[sflag:s0] =	ssyncadd.remote.s32 $0x1  }
0xcc: {  	_ =	sfence.sel $0xFFFF  }
0xcd: {  	[dreg:$0x0] =	wrdreg $0xFFFFFFFF;
	(pc) =	sbr.abs _section_cstart, $3  }
0xce: {  	[dreg:$0x1] =	wrdreg $0xFFFFFFFF  }
0xcf: {  	_ =	task.clear_ibuf [dreg:s22], $0x2FFFF;
	_ =	strace $0x9FFFFFFF  }
0xd0: {  	(tm) =	ssettm $0x7FFFFFFF  }
0xd1: {  	_ =	shalt  }
tec
execute0_lowered:
.L_overlay_start_1:
0x0: {  	(tag) =	ssettag $0x1  }
0x1: {  	s2 =	rddreg [dreg:$0x0]  }
0x2: {  	s0 =	rddreg [dreg:$0x1];
	s1 =	stileid.u32  }
0x3: {  	s3 =	srdreg.scid;
	_ =	strace $0x8000004D;
	s4 =	simm.s32 $0x1  }
0x4: {  	s7 =	simm.s32 $0x1;
	s8 =	simm.s32 $0x1;
	s9 =	simm.s32 $0x3  }
0x5: {  	s10 =	simm.s32 $0x0;
	s5 =	sand.u32 $0x1, s3;
	s6 =	sshll.u32 s1, $0x1  }
0x6: {  	s13 =	simm.s32 $0x0;
	s12 =	simm.s32 $0x0;
	s5 =	sor.u32 s6, s5  }
.Ltmp0:
0x7: {  	[sflag:s4] =	ssyncpa.u1 $0x0;
	p0 =	slt.u32 s5, $0x13;
	(pc) =	sbr.rel .LBB2_1-.Ltmp0, $4  }
0x8: {  	s6 =	simm.s32 $0x2;
	s7 =	simm.s32 @!p0 $0x0;
	p0 =	sne.s32 s5, $0x12  }
0x9: {  	[sflag:s6] =	ssyncpa.u1 $0x0;
	s5 =	smul.u32 $0xF0, s5;
	s8 =	simm.s32 @!p0 $0x0  }
0xa: {  	s3 =	sadd.s32 $0x1200, s2;
	[sflag:s9] =	ssyncpa.u1 $0x0;
	s7 =	sadd.s32 s8, s7  }
0xb: {  	vm0 =	vmmov $0xffff;
	s8 =	sadd.s32 $0x3C00, s2;
	s11 =	smov.u32 s5;
	s9 =	sadd.s32 $0x1, s7  }
.LBB2_4:
0xc: {  	v2 =	vnsel vm1, $0x0, v2  }
0xd: {  	vm1 =	vgt.s32 v0, $0x0;
	v2 =	vmin.u32 v2, $0x57E3  }
0xe: {  	v0 =	vnsel vm1, $0x0, v0  }
0xf: {  	v0 =	vmin.u32 v0, $0x57E3  }
0x10: {  	[tilespmem:s18], [sflag:$0x1] =	stream.indirect_vreg.gather [hbm4b:s3+s10], $0x1, v1, vm0, $0x4038;
	[tilespmem:$0x3C0] =	vst v63  }
0x11: {  	(ifvalue) =	ssetifvalue $0x7FFFFFFF  }
0x12: {  	[tilespmem:s15], [sflag:$0x1] =	stream.indirect_vreg.gather [hbm4b:s3+s10], $0x1, v2, vm0, $0x4038;
	[tilespmem:$0x3C0] =	vst v63  }
0x13: {  	s29 =	sadd.s32 $0x10, s15;
	(ifvalue) =	ssetifvalue $0x7FFFFFFF  }
0x14: {  	[tilespmem:s29], [sflag:$0x1] =	stream.indirect_vreg.gather [hbm4b:s3+s10], $0x1, v0, vm0, $0x4038;
	[tilespmem:$0x3C0] =	vst v63  }
0x15: {  	_ =	swait.ge [sflag:s4], $0xF0  }
0x16: {  	s30 =	sshrl.u32 s13, $0x3;
	[sflag:s4] =	ssyncset.done $0x0  }
0x17: {  	s31 =	sand.u32 $0x7, s13;
	s15 =	sadd.s32 s8, s30;
	[sflag:s4] =	ssyncadd.s32 $0xFFFFFF10  }
0x18: {  	[hbm4b:s15+s31] =	stream.linear.scatter [tilespmem:s14], [sflag:$0x3], $0xF0, $0x38;
	[tilespmem:$0x3C0] =	vst v63  }
.LBB2_5:
0x19: {  	s15 =	sadd.s32 $0x1E00, s11  }
0x1a: {  	p1 =	sgt.s32 s15, $0x2EDF  }
0x1b: {  	s15 =	smov.u32 @p1 s5;
	p1 =	sne.s32 s12, s9  }
.Ltmp1:
0x1c: {  	p0 =	slt.u32 s12, $0x2;
	(pc) =	sbr.rel @!p1 .LBB2_6-.Ltmp1, $4  }
0x1d: {  	s14 =	simm.s32 @!p0 $0x3  }
0x1e: {  	_ =	swait.ge @!p0 [sflag:s14], $0xF0  }
0x1f: {  	s16 =	sadd.s32 $0x1, s12;
	s13 =	smov.u32 s11;
	[sflag:s14] =	ssyncset.done @!p0 $0x0  }
0x20: {  	s12 =	smov.u32 s16;
	s11 =	smov.u32 s15;
	[sflag:s14] =	ssyncadd.s32 @!p0 $0xFFFFFF10  }
.LBB2_1:
0x21: {  	p0 =	sge.u32 s12, s7  }
0x22: {  	s14 =	sxor.u32 @!p0 $0x1, s12  }
0x23: {  	s14 =	smul.u32 @!p0 $0x3C0, s14  }
0x24: {  	s31 =	sadd.s32 $0xFFFFFFFF, s12;
	s15 =	sshrl.u32 @!p0 s11, $0x3  }
0x25: {  	s16 =	sand.u32 @!p0 $0x7, s11;
	s15 =	sadd.s32 @!p0 s2, s15;
	s14 =	sshra.s32 @!p0 s14, $0x2  }
0x26: {  	[tilespmem:s14], [sflag:$0x2] =	stream.linear.gather @!p0 [hbm4b:s15+s16], $0xF0, $0x38;
	[tilespmem:$0x3C0] =	vst v63  }
0x27: {  	p0 =	sge.u32 s31, s7  }
.Ltmp2:
0x28: {  	_ = 	snop;
	(pc) =	sbr.rel @p0 .LBB2_5-.Ltmp2, $1  }
0x29: {  	_ =	sdelay $0x3  }
0x2a: {  	s14 =	sand.u32 $0x1, s12  }
0x2b: {  	_ =	swait.ge [sflag:s6], $0xF0;
	p0 =	seq.s32 s14, $0x1;
	s14 =	simm.s32 $0xF0  }
0x2c: {  	[sflag:s6] =	ssyncset.done $0x0;
	s14 =	simm.s32 @!p0 $0x0  }
0x2d: {  	[sflag:s6] =	ssyncadd.s32 $0xFFFFFF10;
	(ifvalue) =	ssetifvalue $0x7FFFFFFF;
	v0 =	vld.msk [tilespmem:s14+$0x0 ss:$0x1], $0xffff;
	_ =	sdelay $0x4  }
0x2e: {  	s15 =	sadd.s32 $0x10, s14;
	vm1 =	vgt.s32 v0, $0x0  }
0x2f: {  	v2 =	vld.msk [tilespmem:s15+$0x0 ss:$0x1], $0xffff;
	v1 =	vnsel vm1, $0x0, v0  }
0x30: {  	v1 =	vmin.u32 v1, $0x57E3;
	_ =	sdelay $0x2  }
0x31: {  	s17 =	simm.s32 $0x20;
	s14 =	sadd.s32 $0x1E0, s14;
	s16 =	sadd.s32 $0x10, s15  }
0x32: {  	s15 =	sadd.s32 $0x10, s14;
	s18 =	smov.u32 s14;
	v0 =	vld.msk [tilespmem:s16+$0x0 ss:$0x1], $0xffff;
	vm1 =	vgt.s32 v2, $0x0;
	(ifvalue) =	ssetifvalue $0x7FFFFFFF  }
.LBB2_3:
0x33: {  	[tilespmem:s18], [sflag:$0x1] =	stream.indirect_vreg.gather [hbm4b:s3+s10], $0x1, v1, vm0, $0x4038;
	[tilespmem:$0x3C0] =	vst v63  }
0x34: {  	s17 =	sadd.s32 $0x10, s17  }
0x35: {  	v2 =	vnsel vm1, $0x0, v2;
	p0 =	slt.u32 s17, $0xE0  }
.Ltmp3:
0x36: {  	s18 =	smov.u32 s15;
	v1 =	vmin.u32 v2, $0x57E3;
	(pc) =	sbr.rel @p0 .LBB2_3-.Ltmp3, $3  }
0x37: {  	_ =	sdelay $0x1  }
0x38: {  	s16 =	sadd.s32 $0x10, s16  }
0x39: {  	vm1 =	vgt.s32 v0, $0x0;
	s15 =	sadd.s32 $0x10, s15;
	v2 =	vmov v0;
	(ifvalue) =	ssetifvalue $0x7FFFFFFF;
	v0 =	vld.msk [tilespmem:s16+$0x0 ss:$0x1], $0xffff  }
.Ltmp4:
0x3a: {  	_ = 	snop;
	(pc) =	sbr.rel .LBB2_4-.Ltmp4, $1  }
0x3b: {  	_ =	sdelay $0x3  }
.LBB2_6:
0x3c: {  	_ =	sfence.sel $0x180000  }
0x3d: {  	s2 =	simm.s32 $0x2;
	[bflag:$0x0] =	sbarrier.arrive $0xFFFF  }
0x3e: {  	s30 =	simm.s32 $0x3;
	[sflag:s2] =	ssyncpa.u1 $0x1  }
0x3f: {  	s31 =	simm.s32 $0x1;
	[sflag:s30] =	ssyncpa.u1 $0x1  }
0x40: {  	[sflag:s31] =	ssyncpa.u1 $0x1  }
0x41: {  	p0 =	sne.s32 s1, $0x0;
	_ =	strace $0x9000004D  }
0x42: {  	s0 =	sadd.s32 @!p0 $0x100000, s0;
	[bflag:$0x2] =	sbarrier.arrive $0xFFFF  }
0x43: {  	[sflag:s0] =	ssyncadd.tile.s32 @!p0 $0x1;
	_ =	shalt  }
.Lfunc_end2:
_tile_overlayer_lowered:
.L_overlay_start_2:
0x44: {  	(tag) =	ssettag $0x2  }
0x45: {  	s0 =	rddreg [dreg:$0x0];
	s2 =	stileid.u32  }
0x46: {  	s1 =	rddreg [dreg:$0x1];
	p0 =	sne.s32 s2, $0x0  }
0x47: {  	s3 =	rddreg [dreg:$0x2];
	[bflag:$0x3] =	sbarrier.arrive $0xFFFF;
	s2 =	simm.s32 @!p0 $0x1C01  }
0x48: {  	[timem:s3], [sflag:s2] =	dma.local @!p0 [hbm:s0], s1  }
0x49: {  	s0 =	simm.s32 @!p0 $0x1  }
0x4a: {  	_ =	swait.ge @!p0 [sflag:s0], s1  }
0x4b: {  	s1 =	ssub.s32 @!p0 $0x0, s1;
	[sflag:s0] =	ssyncset.done @!p0 $0x0  }
0x4c: {  	[sflag:s0] =	ssyncadd.s32 @!p0 s1  }
0x4d: {  	[bflag:$0x3] =	sbarrier.arrive $0xFFFF  }
0x4e: {  	_ =	shalt  }

// kernel: gather_offload_async_start.2
scs
__scs_entry_jumppad:
0x0: {  	(pc) =	sbr.rel $0x88, $3  }
0x1: {  	(tag) =	ssettag $0x0;
	lr =	simm.s32 $0x1  }
0x2: {  	[smem:$0x3F99] =	sst lr;
	_ =	strace $0xD0000000  }
0x3: {  	_ = 	snop  }
0x4: {  	_ = 	snop  }
0x5: {  	_ = 	snop  }
0x6: {  	_ = 	snop  }
0x7: {  	_ = 	snop  }
__scs_overlays_trampoline_lowered:
0x8: {  	[smem:$0x3FA8] =	sst s0  }
0x9: {  	[smem:$0x3FA9] =	sst s1  }
0xa: {  	[smem:$0x3FAA] =	sst s2  }
0xb: {  	[smem:$0x3FAB] =	sst s3  }
0xc: {  	[smem:$0x3FAC] =	sst s4  }
0xd: {  	[smem:$0x3FAD] =	sst s5  }
0xe: {  	[smem:$0x3FAE] =	sst s6  }
0xf: {  	[smem:$0x3FAF] =	sst s7  }
0x10: {  	[smem:$0x3FB0] =	sst s8  }
0x11: {  	[smem:$0x3FB1] =	sst s9;
	s0 =	simm.s32 @!p0 $0x0  }
0x12: {  	s1 =	sld [smem:$0x3F97];
	s0 =	simm.s32 @p0 $0x1  }
0x13: {  	[smem:$0x3FB2] =	sst s0;
	s0 =	simm.s32 @!p1 $0x0  }
0x14: {  	s2 =	sld [smem:$0x3F96];
	s0 =	simm.s32 @p1 $0x1  }
0x15: {  	[smem:$0x3FB3] =	sst s0;
	s0 =	simm.s32 @!p2 $0x0  }
0x16: {  	s3 =	sld [smem:$0x3FDB];
	s0 =	simm.s32 @p2 $0x1  }
0x17: {  	s4 =	simm.s32 $0x1BF5;
	[smem:$0x3FB5] =	sst s0  }
0x18: {  	s0 =	sld [smem:$0x3F98];
	_ =	swait.ge [sflag:s4], $0x0  }
0x19: {  	s7 =	sld [smem:$0x3F99]  }
0x1a: {  	s8 =	sadd.s32 $0xFFFFE003, lr  }
0x1b: {  	s9 =	sadd.s32 $0xFFFFFEF7, lr;
	s5 =	simm.s32 $0xFFFFFFFF;
	p2 =	slt.u32 s8, $0xFFFFF086  }
0x1c: {  	p1 =	slt.u32 s9, $0xF7A;
	s5 =	simm.s32 @!p2 $0x0  }
0x1d: {  	s5 =	simm.s32 @p1 $0x1;
	p0 =	seq.s32 s7, s2  }
0x1e: {  	s7 =	smul.u32 @!p0 $0xF7A, s2;
	p2 =	seq.s32 @!p0 s5, $0x0  }
0x1f: {  	s9 =	smul.u32 $0xF7A, s1;
	s8 =	simm.s32 @!p0 $0x1BF5;
	p2 =	por !p2, p0  }
0x20: {  	[sflag:s8] =	ssyncset.s32 @!p0 $0xFFFFF086;
	s6 =	sadd.s32 @!p0 s3, s7;
	s7 =	simm.s32 @!p0 $0x108  }
0x21: {  	s3 =	sadd.s32 s3, s9;
	s6 =	sadd.s32 @!p0 $0x88, s6;
	s7 =	simm.s32 @p2 $0x1082  }
0x22: {  	[simem:s7], [sflag:s8] =	dma.local @!p0 [hbm:s6], $0xF7A  }
0x23: {  	s9 =	sor.u32 $0xD0000000, s2;
	s6 =	simm.s32 $0x108;
	_ =	swait.ge @!p0 [sflag:s8], $0x0  }
0x24: {  	s3 =	sadd.s32 $0x88, s3;
	s6 =	simm.s32 @!p1 $0x1082;
	[sflag:s4] =	ssyncset.s32 $0xFFFFF086  }
0x25: {  	[simem:s6], [sflag:s4] =	dma.local [hbm:s3], $0xF7A  }
0x26: {  	[smem:$0x3F99] =	sst s1;
	(tag) =	ssettag s2;
	_ =	strace s9  }
0x27: {  	s1 =	sld [smem:$0x3FA9]  }
0x28: {  	s2 =	sld [smem:$0x3FAA]  }
0x29: {  	s4 =	sld [smem:$0x3FAC]  }
0x2a: {  	p0 =	seq.s32 s5, $0x0;
	s5 =	sld [smem:$0x3FAD]  }
0x2b: {  	s6 =	sld [smem:$0x3FAE]  }
0x2c: {  	s7 =	sld [smem:$0x3FAF]  }
0x2d: {  	s3 =	simm.s32 $0x108;
	s8 =	sld [smem:$0x3FB0]  }
0x2e: {  	s3 =	simm.s32 @!p0 $0x1082;
	s9 =	sld [smem:$0x3FB1]  }
0x2f: {  	lr =	sadd.s32 s0, s3;
	s0 =	sld [smem:$0x3FA8]  }
0x30: {  	s3 =	sld [smem:$0x3FAB]  }
0x31: {  	[smem:$0x3FB4] =	sst s10  }
0x32: {  	s10 =	sld [smem:$0x3FB2];
	_ =	sdelay $0x3  }
0x33: {  	p0 =	seq.s32 s10, $0x1;
	s10 =	sld [smem:$0x3FB4];
	_ =	sdelay $0x3  }
0x34: {  	[smem:$0x3FB4] =	sst s10  }
0x35: {  	s10 =	sld [smem:$0x3FB3];
	_ =	sdelay $0x3  }
0x36: {  	p1 =	seq.s32 s10, $0x1;
	s10 =	sld [smem:$0x3FB4];
	_ =	sdelay $0x3  }
0x37: {  	[smem:$0x3FB4] =	sst s10  }
0x38: {  	s10 =	sld [smem:$0x3FB5]  }
0x39: {  	_ = 	snop;
	(pc) =	sbr.ind lr, $3  }
0x3a: {  	_ = 	snop  }
0x3b: {  	_ = 	snop  }
0x3c: {  	p2 =	seq.s32 s10, $0x1;
	s10 =	sld [smem:$0x3FB4]  }
0x3d: {  	_ =	shalt  }
0x3e: {  	_ =	shalt  }
0x3f: {  	_ =	shalt  }
0x40: {  	_ =	shalt  }
0x41: {  	_ =	shalt  }
0x42: {  	_ =	shalt  }
0x43: {  	_ =	shalt  }
0x44: {  	_ =	shalt  }
0x45: {  	_ =	shalt  }
0x46: {  	_ =	shalt  }
0x47: {  	_ =	shalt  }
0x48: {  	_ =	shalt  }
0x49: {  	_ =	shalt  }
0x4a: {  	_ =	shalt  }
0x4b: {  	_ =	shalt  }
0x4c: {  	_ =	shalt  }
0x4d: {  	_ =	shalt  }
0x4e: {  	_ =	shalt  }
0x4f: {  	_ =	shalt  }
0x50: {  	_ =	shalt  }
0x51: {  	_ =	shalt  }
0x52: {  	_ =	shalt  }
0x53: {  	_ =	shalt  }
0x54: {  	_ =	shalt  }
0x55: {  	_ =	shalt  }
0x56: {  	_ =	shalt  }
0x57: {  	_ =	shalt  }
0x58: {  	_ =	shalt  }
0x59: {  	_ =	shalt  }
0x5a: {  	_ =	shalt  }
0x5b: {  	_ =	shalt  }
0x5c: {  	_ =	shalt  }
0x5d: {  	_ =	shalt  }
0x5e: {  	_ =	shalt  }
0x5f: {  	_ =	shalt  }
0x60: {  	_ =	shalt  }
0x61: {  	_ =	shalt  }
0x62: {  	_ =	shalt  }
0x63: {  	_ =	shalt  }
0x64: {  	_ =	shalt  }
0x65: {  	_ =	shalt  }
0x66: {  	_ =	shalt  }
0x67: {  	_ =	shalt  }
0x68: {  	_ =	shalt  }
0x69: {  	_ =	shalt  }
0x6a: {  	_ =	shalt  }
0x6b: {  	_ =	shalt  }
0x6c: {  	_ =	shalt  }
0x6d: {  	_ =	shalt  }
0x6e: {  	_ =	shalt  }
0x6f: {  	_ =	shalt  }
0x70: {  	_ =	shalt  }
0x71: {  	_ =	shalt  }
0x72: {  	_ =	shalt  }
0x73: {  	_ =	shalt  }
0x74: {  	_ =	shalt  }
0x75: {  	_ =	shalt  }
0x76: {  	_ =	shalt  }
0x77: {  	_ =	shalt  }
0x78: {  	_ =	shalt  }
0x79: {  	_ =	shalt  }
0x7a: {  	_ =	shalt  }
0x7b: {  	_ =	shalt  }
0x7c: {  	_ =	shalt  }
0x7d: {  	_ =	shalt  }
0x7e: {  	_ =	shalt  }
0x7f: {  	_ =	shalt  }
0x80: {  	_ =	shalt  }
0x81: {  	_ =	shalt  }
0x82: {  	_ =	shalt  }
0x83: {  	_ =	shalt  }
0x84: {  	_ =	shalt  }
0x85: {  	_ =	shalt  }
0x86: {  	_ =	shalt  }
0x87: {  	_ =	shalt  }
.Lfunc_end0:
.L_simem_size_0:
called_computation.3_lowered:
.L_overlay_start_0:
0x88: {  	s2 =	sld [smem:$0x3FD9]  }
0x89: {  	s3 =	sld [smem:$0x3FFE];
	_ =	sdelay $0x1  }
0x8a: {  	s1 =	srdreg.scid  }
0x8b: {  	s0 =	sand.u32 $0x1, s1  }
0x8c: {  	s17 =	sshll.u32 s0, $0xA;
	s2 =	sadd.s32 s3, s2  }
0x8d: {  	s2 =	sadd.s32 s2, s17  }
0x8e: {  	[smem:$0x3FC0] =	sst s2  }
0x8f: {  	_ = 	snop  }
0x90: {  	(tm) =	ssettm $0x1  }
0x91: {  	s18 =	sld [smem:$0x3FFB];
	_ =	sdelay $0x3  }
0x92: {  	_ =	strace s18  }
0x93: {  	s2 =	sld [smem:$0x3FFC];
	_ =	sdelay $0x3  }
0x94: {  	_ =	strace s2  }
0x95: {  	s2 =	sld [smem:$0x3FFD];
	_ =	sdelay $0x3  }
0x96: {  	_ =	strace s2  }
0x97: {  	_ =	strace $0x8FFFFFFF  }
0x98: {  	s19 =	sld [smem:$0x3FDB];
	_ =	sdelay $0x1  }
0x99: {  	s20 =	simm.s32 $_scs_section_size  }
0x9a: {  	s4 =	simm.s32 $_size__tile_overlayer_lowered;
	s5 =	simm.s32 $_tile_overlayer_lowered  }
0x9b: {  	s6 =	simm.s32 $0x1BFF;
	s21 =	sshll.u32 s5, $0x1;
	s3 =	sadd.s32 s20, s19  }
0x9c: {  	s22 =	simm.s32 $0x0;
	s4 =	sshll.u32 s4, $0x1;
	s5 =	sadd.s32 s21, s3  }
0x9d: {  	[timem:s22], [sflag:s6] =	dma.local [hbm:s5], s4  }
0x9e: {  	_ =	swait.ge [sflag:s6], s4  }
0x9f: {  	s4 =	ssub.s32 $0x0, s4;
	[sflag:s6] =	ssyncset.done $0x0  }
0xa0: {  	[sflag:s6] =	ssyncadd.s32 s4;
	_ =	sdelay $0x1  }
0xa1: {  	s23 =	simm.s32 $0x1B8B  }
0xa2: {  	_ =	swait.ge [sflag:s23], $0x1  }
0xa3: {  	[sflag:s23] =	ssyncset.done $0x0  }
0xa4: {  	[sflag:s23] =	ssyncadd.s32 $0xFFFFFFFF  }
0xa5: {  	s4 =	sld [smem:$0x0]  }
0xa6: {  	s5 =	sand.u32 $0xFFFFFFFE, s1  }
0xa7: {  	p0 =	sne.s32 s1, s5  }
0xa8: {  	s5 =	sshll.u32 @p0 s5, $0xE  }
0xa9: {  	s5 =	sadd.s32 @p0 $0x11B8D, s5;
	s6 =	sshll.u32 @p0 s4, $0x11  }
0xaa: {  	s5 =	sor.u32 @p0 s6, s5  }
0xab: {  	[sflag:s5] =	ssyncadd.remote.s32 @p0 $0x1;
	_ =	sdelay $0x1  }
0xac: {  	s5 =	simm.s32 @p0 $0x1B8D  }
0xad: {  	_ =	swait.eq @p0 [sflag:s5], $0x1  }
0xae: {  	[sflag:s5] =	ssyncadd.s32 @p0 $0xFFFFFFFF  }
0xaf: {  	s6 =	sshll.u32 @!p0 s1, $0xE  }
0xb0: {  	s6 =	sor.u32 @!p0 $0x4000, s6;
	s5 =	simm.s32 @!p0 $0x1B8D  }
0xb1: {  	s4 =	sshll.u32 @!p0 s4, $0x11;
	s6 =	sadd.s32 @!p0 $0x11B8D, s6;
	_ =	swait.eq @!p0 [sflag:s5], $0x1  }
0xb2: {  	s4 =	sor.u32 @!p0 s4, s6;
	[sflag:s5] =	ssyncadd.s32 @!p0 $0xFFFFFFFF  }
0xb3: {  	s25 =	simm.s32 $0x1B8E;
	s24 =	sld [smem:$0x3FFE];
	[sflag:s4] =	ssyncadd.remote.s32 @!p0 $0x1  }
0xb4: {  	s26 =	simm.s32 $execute0_lowered;
	[smem:$0x3FD2] =	sst s25  }
0xb5: {  	s5 =	sshll.u32 s26, $0x1;
	_ =	strace $0x8000004F;
	[dreg:$0x1] =	wrdreg $0xFFFFFFFF  }
0xb6: {  	s28 =	simm.s32 $_size_execute0_lowered;
	s3 =	sadd.s32 s3, s5;
	[dreg:$0x0] =	wrdreg $0x0  }
0xb7: {  	s5 =	sshll.u32 s28, $0x1;
	[dreg:$0x2] =	wrdreg s3  }
0xb8: {  	[dreg:$0x3] =	wrdreg s5  }
0xb9: {  	[dreg:$0x4] =	wrdreg $0xC0  }
0xba: {  	_ =	task [dreg:s22], $0x5FFFF  }
0xbb: {  	[dreg:$0x1] =	wrdreg $0xFFFFFFFF  }
0xbc: {  	[dreg:$0x0] =	wrdreg $0x60  }
0xbd: {  	[dreg:$0x2] =	wrdreg s24  }
0xbe: {  	[dreg:$0x3] =	wrdreg $0xA  }
0xbf: {  	_ =	task.clear_ibuf [dreg:s22], $0x4FFFF;
	_ =	strace $0x9000004F  }
0xc0: {  	s29 =	simm.s32 $0xA;
	_ =	strace $0x80000051  }
0xc1: {  	_ =	swait.ge [sflag:s29], $0x1  }
0xc2: {  	[sflag:s29] =	ssyncadd.s32 $0xFFFFFFFF  }
0xc3: {  	_ =	strace $0x90000051  }
0xc4: {  	_ =	sfence  }
0xc5: {  	s30 =	sld [smem:$0x0];
	_ =	sdelay $0x2  }
0xc6: {  	s31 =	sshll.u32 s1, $0xD;
	s1 =	sshrl.u32 s1, $0x2  }
0xc7: {  	s4 =	sand.u32 $0x4000, s31;
	s1 =	sadd.s32 s1, s30  }
0xc8: {  	s0 =	sor.u32 s4, s0;
	s1 =	sshll.u32 s1, $0x11  }
0xc9: {  	s0 =	sor.u32 s1, s0  }
0xca: {  	s0 =	sadd.s32 $0x8F2B, s0  }
0xcb: {  	[sflag:s0] =	ssyncadd.remote.s32 $0x1  }
0xcc: {  	_ =	sfence.sel $0xFFFF  }
0xcd: {  	[dreg:$0x0] =	wrdreg $0xFFFFFFFF;
	(pc) =	sbr.abs _section_cstart, $3  }
0xce: {  	[dreg:$0x1] =	wrdreg $0xFFFFFFFF  }
0xcf: {  	_ =	task.clear_ibuf [dreg:s22], $0x2FFFF;
	_ =	strace $0x9FFFFFFF  }
0xd0: {  	(tm) =	ssettm $0x7FFFFFFF  }
0xd1: {  	_ =	shalt  }
tec
execute0_lowered:
.L_overlay_start_1:
0x0: {  	(tag) =	ssettag $0x1  }
0x1: {  	s2 =	rddreg [dreg:$0x0]  }
0x2: {  	s0 =	rddreg [dreg:$0x1];
	s1 =	stileid.u32  }
0x3: {  	s3 =	srdreg.scid;
	_ =	strace $0x80000050;
	s4 =	simm.s32 $0x1  }
0x4: {  	s7 =	simm.s32 $0x1;
	s8 =	simm.s32 $0x1;
	s9 =	simm.s32 $0x3  }
0x5: {  	s10 =	simm.s32 $0x0;
	s5 =	sand.u32 $0x1, s3;
	s6 =	sshll.u32 s1, $0x1  }
0x6: {  	s13 =	simm.s32 $0x0;
	s12 =	simm.s32 $0x0;
	s5 =	sor.u32 s6, s5  }
.Ltmp0:
0x7: {  	[sflag:s4] =	ssyncpa.u1 $0x0;
	p0 =	slt.u32 s5, $0x13;
	(pc) =	sbr.rel .LBB2_1-.Ltmp0, $4  }
0x8: {  	s6 =	simm.s32 $0x2;
	s7 =	simm.s32 @!p0 $0x0;
	p0 =	sne.s32 s5, $0x12  }
0x9: {  	[sflag:s6] =	ssyncpa.u1 $0x0;
	s5 =	smul.u32 $0xF0, s5;
	s8 =	simm.s32 @!p0 $0x0  }
0xa: {  	s3 =	sadd.s32 $0x1E00, s2;
	[sflag:s9] =	ssyncpa.u1 $0x0;
	s7 =	sadd.s32 s8, s7  }
0xb: {  	vm0 =	vmmov $0xffff;
	s8 =	sadd.s32 $0x3000, s2;
	s11 =	smov.u32 s5;
	s9 =	sadd.s32 $0x1, s7  }
.LBB2_4:
0xc: {  	v2 =	vnsel vm1, $0x0, v2  }
0xd: {  	vm1 =	vgt.s32 v0, $0x0;
	v2 =	vmin.u32 v2, $0x57E3  }
0xe: {  	v0 =	vnsel vm1, $0x0, v0  }
0xf: {  	v0 =	vmin.u32 v0, $0x57E3  }
0x10: {  	[tilespmem:s18], [sflag:$0x1] =	stream.indirect_vreg.gather [hbm4b:s3+s10], $0x1, v1, vm0, $0x4038;
	[tilespmem:$0x3C0] =	vst v63  }
0x11: {  	(ifvalue) =	ssetifvalue $0x7FFFFFFF  }
0x12: {  	[tilespmem:s15], [sflag:$0x1] =	stream.indirect_vreg.gather [hbm4b:s3+s10], $0x1, v2, vm0, $0x4038;
	[tilespmem:$0x3C0] =	vst v63  }
0x13: {  	s29 =	sadd.s32 $0x10, s15;
	(ifvalue) =	ssetifvalue $0x7FFFFFFF  }
0x14: {  	[tilespmem:s29], [sflag:$0x1] =	stream.indirect_vreg.gather [hbm4b:s3+s10], $0x1, v0, vm0, $0x4038;
	[tilespmem:$0x3C0] =	vst v63  }
0x15: {  	_ =	swait.ge [sflag:s4], $0xF0  }
0x16: {  	s30 =	sshrl.u32 s13, $0x3;
	[sflag:s4] =	ssyncset.done $0x0  }
0x17: {  	s31 =	sand.u32 $0x7, s13;
	s15 =	sadd.s32 s8, s30;
	[sflag:s4] =	ssyncadd.s32 $0xFFFFFF10  }
0x18: {  	[hbm4b:s15+s31] =	stream.linear.scatter [tilespmem:s14], [sflag:$0x3], $0xF0, $0x38;
	[tilespmem:$0x3C0] =	vst v63  }
.LBB2_5:
0x19: {  	s15 =	sadd.s32 $0x1E00, s11  }
0x1a: {  	p1 =	sgt.s32 s15, $0x2EDF  }
0x1b: {  	s15 =	smov.u32 @p1 s5;
	p1 =	sne.s32 s12, s9  }
.Ltmp1:
0x1c: {  	p0 =	slt.u32 s12, $0x2;
	(pc) =	sbr.rel @!p1 .LBB2_6-.Ltmp1, $4  }
0x1d: {  	s14 =	simm.s32 @!p0 $0x3  }
0x1e: {  	_ =	swait.ge @!p0 [sflag:s14], $0xF0  }
0x1f: {  	s16 =	sadd.s32 $0x1, s12;
	s13 =	smov.u32 s11;
	[sflag:s14] =	ssyncset.done @!p0 $0x0  }
0x20: {  	s12 =	smov.u32 s16;
	s11 =	smov.u32 s15;
	[sflag:s14] =	ssyncadd.s32 @!p0 $0xFFFFFF10  }
.LBB2_1:
0x21: {  	p0 =	sge.u32 s12, s7  }
0x22: {  	s14 =	sxor.u32 @!p0 $0x1, s12  }
0x23: {  	s14 =	smul.u32 @!p0 $0x3C0, s14  }
0x24: {  	s31 =	sadd.s32 $0xFFFFFFFF, s12;
	s15 =	sshrl.u32 @!p0 s11, $0x3  }
0x25: {  	s16 =	sand.u32 @!p0 $0x7, s11;
	s15 =	sadd.s32 @!p0 s2, s15;
	s14 =	sshra.s32 @!p0 s14, $0x2  }
0x26: {  	[tilespmem:s14], [sflag:$0x2] =	stream.linear.gather @!p0 [hbm4b:s15+s16], $0xF0, $0x38;
	[tilespmem:$0x3C0] =	vst v63  }
0x27: {  	p0 =	sge.u32 s31, s7  }
.Ltmp2:
0x28: {  	_ = 	snop;
	(pc) =	sbr.rel @p0 .LBB2_5-.Ltmp2, $1  }
0x29: {  	_ =	sdelay $0x3  }
0x2a: {  	s14 =	sand.u32 $0x1, s12  }
0x2b: {  	_ =	swait.ge [sflag:s6], $0xF0;
	p0 =	seq.s32 s14, $0x1;
	s14 =	simm.s32 $0xF0  }
0x2c: {  	[sflag:s6] =	ssyncset.done $0x0;
	s14 =	simm.s32 @!p0 $0x0  }
0x2d: {  	[sflag:s6] =	ssyncadd.s32 $0xFFFFFF10;
	(ifvalue) =	ssetifvalue $0x7FFFFFFF;
	v0 =	vld.msk [tilespmem:s14+$0x0 ss:$0x1], $0xffff;
	_ =	sdelay $0x4  }
0x2e: {  	s15 =	sadd.s32 $0x10, s14;
	vm1 =	vgt.s32 v0, $0x0  }
0x2f: {  	v2 =	vld.msk [tilespmem:s15+$0x0 ss:$0x1], $0xffff;
	v1 =	vnsel vm1, $0x0, v0  }
0x30: {  	v1 =	vmin.u32 v1, $0x57E3;
	_ =	sdelay $0x2  }
0x31: {  	s17 =	simm.s32 $0x20;
	s14 =	sadd.s32 $0x1E0, s14;
	s16 =	sadd.s32 $0x10, s15  }
0x32: {  	s15 =	sadd.s32 $0x10, s14;
	s18 =	smov.u32 s14;
	v0 =	vld.msk [tilespmem:s16+$0x0 ss:$0x1], $0xffff;
	vm1 =	vgt.s32 v2, $0x0;
	(ifvalue) =	ssetifvalue $0x7FFFFFFF  }
.LBB2_3:
0x33: {  	[tilespmem:s18], [sflag:$0x1] =	stream.indirect_vreg.gather [hbm4b:s3+s10], $0x1, v1, vm0, $0x4038;
	[tilespmem:$0x3C0] =	vst v63  }
0x34: {  	s17 =	sadd.s32 $0x10, s17  }
0x35: {  	v2 =	vnsel vm1, $0x0, v2;
	p0 =	slt.u32 s17, $0xE0  }
.Ltmp3:
0x36: {  	s18 =	smov.u32 s15;
	v1 =	vmin.u32 v2, $0x57E3;
	(pc) =	sbr.rel @p0 .LBB2_3-.Ltmp3, $3  }
0x37: {  	_ =	sdelay $0x1  }
0x38: {  	s16 =	sadd.s32 $0x10, s16  }
0x39: {  	vm1 =	vgt.s32 v0, $0x0;
	s15 =	sadd.s32 $0x10, s15;
	v2 =	vmov v0;
	(ifvalue) =	ssetifvalue $0x7FFFFFFF;
	v0 =	vld.msk [tilespmem:s16+$0x0 ss:$0x1], $0xffff  }
.Ltmp4:
0x3a: {  	_ = 	snop;
	(pc) =	sbr.rel .LBB2_4-.Ltmp4, $1  }
0x3b: {  	_ =	sdelay $0x3  }
.LBB2_6:
0x3c: {  	_ =	sfence.sel $0x180000  }
0x3d: {  	s2 =	simm.s32 $0x2;
	[bflag:$0x0] =	sbarrier.arrive $0xFFFF  }
0x3e: {  	s30 =	simm.s32 $0x3;
	[sflag:s2] =	ssyncpa.u1 $0x1  }
0x3f: {  	s31 =	simm.s32 $0x1;
	[sflag:s30] =	ssyncpa.u1 $0x1  }
0x40: {  	[sflag:s31] =	ssyncpa.u1 $0x1  }
0x41: {  	p0 =	sne.s32 s1, $0x0;
	_ =	strace $0x90000050  }
0x42: {  	s0 =	sadd.s32 @!p0 $0x100000, s0;
	[bflag:$0x2] =	sbarrier.arrive $0xFFFF  }
0x43: {  	[sflag:s0] =	ssyncadd.tile.s32 @!p0 $0x1;
	_ =	shalt  }
.Lfunc_end2:
_tile_overlayer_lowered:
.L_overlay_start_2:
0x44: {  	(tag) =	ssettag $0x2  }
0x45: {  	s0 =	rddreg [dreg:$0x0];
	s2 =	stileid.u32  }
0x46: {  	s1 =	rddreg [dreg:$0x1];
	p0 =	sne.s32 s2, $0x0  }
0x47: {  	s3 =	rddreg [dreg:$0x2];
	[bflag:$0x3] =	sbarrier.arrive $0xFFFF;
	s2 =	simm.s32 @!p0 $0x1C01  }
0x48: {  	[timem:s3], [sflag:s2] =	dma.local @!p0 [hbm:s0], s1  }
0x49: {  	s0 =	simm.s32 @!p0 $0x1  }
0x4a: {  	_ =	swait.ge @!p0 [sflag:s0], s1  }
0x4b: {  	s1 =	ssub.s32 @!p0 $0x0, s1;
	[sflag:s0] =	ssyncset.done @!p0 $0x0  }
0x4c: {  	[sflag:s0] =	ssyncadd.s32 @!p0 s1  }
0x4d: {  	[bflag:$0x3] =	sbarrier.arrive $0xFFFF  }
0x4e: {  	_ =	shalt  }

// kernel: gather_offload_async_start.3
scs
__scs_entry_jumppad:
0x0: {  	(pc) =	sbr.rel $0x88, $3  }
0x1: {  	(tag) =	ssettag $0x0;
	lr =	simm.s32 $0x1  }
0x2: {  	[smem:$0x3F99] =	sst lr;
	_ =	strace $0xD0000000  }
0x3: {  	_ = 	snop  }
0x4: {  	_ = 	snop  }
0x5: {  	_ = 	snop  }
0x6: {  	_ = 	snop  }
0x7: {  	_ = 	snop  }
__scs_overlays_trampoline_lowered:
0x8: {  	[smem:$0x3FA8] =	sst s0  }
0x9: {  	[smem:$0x3FA9] =	sst s1  }
0xa: {  	[smem:$0x3FAA] =	sst s2  }
0xb: {  	[smem:$0x3FAB] =	sst s3  }
0xc: {  	[smem:$0x3FAC] =	sst s4  }
0xd: {  	[smem:$0x3FAD] =	sst s5  }
0xe: {  	[smem:$0x3FAE] =	sst s6  }
0xf: {  	[smem:$0x3FAF] =	sst s7  }
0x10: {  	[smem:$0x3FB0] =	sst s8  }
0x11: {  	[smem:$0x3FB1] =	sst s9;
	s0 =	simm.s32 @!p0 $0x0  }
0x12: {  	s1 =	sld [smem:$0x3F97];
	s0 =	simm.s32 @p0 $0x1  }
0x13: {  	[smem:$0x3FB2] =	sst s0;
	s0 =	simm.s32 @!p1 $0x0  }
0x14: {  	s2 =	sld [smem:$0x3F96];
	s0 =	simm.s32 @p1 $0x1  }
0x15: {  	[smem:$0x3FB3] =	sst s0;
	s0 =	simm.s32 @!p2 $0x0  }
0x16: {  	s3 =	sld [smem:$0x3FDB];
	s0 =	simm.s32 @p2 $0x1  }
0x17: {  	s4 =	simm.s32 $0x1BF5;
	[smem:$0x3FB5] =	sst s0  }
0x18: {  	s0 =	sld [smem:$0x3F98];
	_ =	swait.ge [sflag:s4], $0x0  }
0x19: {  	s7 =	sld [smem:$0x3F99]  }
0x1a: {  	s8 =	sadd.s32 $0xFFFFE003, lr  }
0x1b: {  	s9 =	sadd.s32 $0xFFFFFEF7, lr;
	s5 =	simm.s32 $0xFFFFFFFF;
	p2 =	slt.u32 s8, $0xFFFFF086  }
0x1c: {  	p1 =	slt.u32 s9, $0xF7A;
	s5 =	simm.s32 @!p2 $0x0  }
0x1d: {  	s5 =	simm.s32 @p1 $0x1;
	p0 =	seq.s32 s7, s2  }
0x1e: {  	s7 =	smul.u32 @!p0 $0xF7A, s2;
	p2 =	seq.s32 @!p0 s5, $0x0  }
0x1f: {  	s9 =	smul.u32 $0xF7A, s1;
	s8 =	simm.s32 @!p0 $0x1BF5;
	p2 =	por !p2, p0  }
0x20: {  	[sflag:s8] =	ssyncset.s32 @!p0 $0xFFFFF086;
	s6 =	sadd.s32 @!p0 s3, s7;
	s7 =	simm.s32 @!p0 $0x108  }
0x21: {  	s3 =	sadd.s32 s3, s9;
	s6 =	sadd.s32 @!p0 $0x88, s6;
	s7 =	simm.s32 @p2 $0x1082  }
0x22: {  	[simem:s7], [sflag:s8] =	dma.local @!p0 [hbm:s6], $0xF7A  }
0x23: {  	s9 =	sor.u32 $0xD0000000, s2;
	s6 =	simm.s32 $0x108;
	_ =	swait.ge @!p0 [sflag:s8], $0x0  }
0x24: {  	s3 =	sadd.s32 $0x88, s3;
	s6 =	simm.s32 @!p1 $0x1082;
	[sflag:s4] =	ssyncset.s32 $0xFFFFF086  }
0x25: {  	[simem:s6], [sflag:s4] =	dma.local [hbm:s3], $0xF7A  }
0x26: {  	[smem:$0x3F99] =	sst s1;
	(tag) =	ssettag s2;
	_ =	strace s9  }
0x27: {  	s1 =	sld [smem:$0x3FA9]  }
0x28: {  	s2 =	sld [smem:$0x3FAA]  }
0x29: {  	s4 =	sld [smem:$0x3FAC]  }
0x2a: {  	p0 =	seq.s32 s5, $0x0;
	s5 =	sld [smem:$0x3FAD]  }
0x2b: {  	s6 =	sld [smem:$0x3FAE]  }
0x2c: {  	s7 =	sld [smem:$0x3FAF]  }
0x2d: {  	s3 =	simm.s32 $0x108;
	s8 =	sld [smem:$0x3FB0]  }
0x2e: {  	s3 =	simm.s32 @!p0 $0x1082;
	s9 =	sld [smem:$0x3FB1]  }
0x2f: {  	lr =	sadd.s32 s0, s3;
	s0 =	sld [smem:$0x3FA8]  }
0x30: {  	s3 =	sld [smem:$0x3FAB]  }
0x31: {  	[smem:$0x3FB4] =	sst s10  }
0x32: {  	s10 =	sld [smem:$0x3FB2];
	_ =	sdelay $0x3  }
0x33: {  	p0 =	seq.s32 s10, $0x1;
	s10 =	sld [smem:$0x3FB4];
	_ =	sdelay $0x3  }
0x34: {  	[smem:$0x3FB4] =	sst s10  }
0x35: {  	s10 =	sld [smem:$0x3FB3];
	_ =	sdelay $0x3  }
0x36: {  	p1 =	seq.s32 s10, $0x1;
	s10 =	sld [smem:$0x3FB4];
	_ =	sdelay $0x3  }
0x37: {  	[smem:$0x3FB4] =	sst s10  }
0x38: {  	s10 =	sld [smem:$0x3FB5]  }
0x39: {  	_ = 	snop;
	(pc) =	sbr.ind lr, $3  }
0x3a: {  	_ = 	snop  }
0x3b: {  	_ = 	snop  }
0x3c: {  	p2 =	seq.s32 s10, $0x1;
	s10 =	sld [smem:$0x3FB4]  }
0x3d: {  	_ =	shalt  }
0x3e: {  	_ =	shalt  }
0x3f: {  	_ =	shalt  }
0x40: {  	_ =	shalt  }
0x41: {  	_ =	shalt  }
0x42: {  	_ =	shalt  }
0x43: {  	_ =	shalt  }
0x44: {  	_ =	shalt  }
0x45: {  	_ =	shalt  }
0x46: {  	_ =	shalt  }
0x47: {  	_ =	shalt  }
0x48: {  	_ =	shalt  }
0x49: {  	_ =	shalt  }
0x4a: {  	_ =	shalt  }
0x4b: {  	_ =	shalt  }
0x4c: {  	_ =	shalt  }
0x4d: {  	_ =	shalt  }
0x4e: {  	_ =	shalt  }
0x4f: {  	_ =	shalt  }
0x50: {  	_ =	shalt  }
0x51: {  	_ =	shalt  }
0x52: {  	_ =	shalt  }
0x53: {  	_ =	shalt  }
0x54: {  	_ =	shalt  }
0x55: {  	_ =	shalt  }
0x56: {  	_ =	shalt  }
0x57: {  	_ =	shalt  }
0x58: {  	_ =	shalt  }
0x59: {  	_ =	shalt  }
0x5a: {  	_ =	shalt  }
0x5b: {  	_ =	shalt  }
0x5c: {  	_ =	shalt  }
0x5d: {  	_ =	shalt  }
0x5e: {  	_ =	shalt  }
0x5f: {  	_ =	shalt  }
0x60: {  	_ =	shalt  }
0x61: {  	_ =	shalt  }
0x62: {  	_ =	shalt  }
0x63: {  	_ =	shalt  }
0x64: {  	_ =	shalt  }
0x65: {  	_ =	shalt  }
0x66: {  	_ =	shalt  }
0x67: {  	_ =	shalt  }
0x68: {  	_ =	shalt  }
0x69: {  	_ =	shalt  }
0x6a: {  	_ =	shalt  }
0x6b: {  	_ =	shalt  }
0x6c: {  	_ =	shalt  }
0x6d: {  	_ =	shalt  }
0x6e: {  	_ =	shalt  }
0x6f: {  	_ =	shalt  }
0x70: {  	_ =	shalt  }
0x71: {  	_ =	shalt  }
0x72: {  	_ =	shalt  }
0x73: {  	_ =	shalt  }
0x74: {  	_ =	shalt  }
0x75: {  	_ =	shalt  }
0x76: {  	_ =	shalt  }
0x77: {  	_ =	shalt  }
0x78: {  	_ =	shalt  }
0x79: {  	_ =	shalt  }
0x7a: {  	_ =	shalt  }
0x7b: {  	_ =	shalt  }
0x7c: {  	_ =	shalt  }
0x7d: {  	_ =	shalt  }
0x7e: {  	_ =	shalt  }
0x7f: {  	_ =	shalt  }
0x80: {  	_ =	shalt  }
0x81: {  	_ =	shalt  }
0x82: {  	_ =	shalt  }
0x83: {  	_ =	shalt  }
0x84: {  	_ =	shalt  }
0x85: {  	_ =	shalt  }
0x86: {  	_ =	shalt  }
0x87: {  	_ =	shalt  }
.Lfunc_end0:
.L_simem_size_0:
called_computation.4_lowered:
.L_overlay_start_0:
0x88: {  	s2 =	sld [smem:$0x3FD9]  }
0x89: {  	s3 =	sld [smem:$0x3FFE];
	_ =	sdelay $0x1  }
0x8a: {  	s1 =	srdreg.scid  }
0x8b: {  	s0 =	sand.u32 $0x1, s1  }
0x8c: {  	s14 =	sshll.u32 s0, $0xA;
	s2 =	sadd.s32 s3, s2  }
0x8d: {  	s2 =	sadd.s32 s2, s14  }
0x8e: {  	[smem:$0x3FC0] =	sst s2  }
0x8f: {  	_ = 	snop  }
0x90: {  	s2 =	sld [smem:$0x3FD0];
	_ =	sdelay $0x2  }
0x91: {  	s15 =	simm.s32 $0xD;
	s4 =	simm.s32 $0x10  }
0x92: {  	[smem:s4], [sflag:s15] =	dma.local [hbm:s2], $0x1  }
0x93: {  	_ =	swait.eq [sflag:s15], $0x1  }
0x94: {  	[sflag:s15] =	ssyncset.done $0x0  }
0x95: {  	[sflag:s15] =	ssyncadd.s32 $0xFFFFFFFF  }
0x96: {  	s16 =	sld [smem:$0x14];
	(tm) =	ssettm $0x1  }
0x97: {  	s17 =	sld [smem:$0x3FFB];
	_ =	sdelay $0x3  }
0x98: {  	_ =	strace s17  }
0x99: {  	s3 =	sld [smem:$0x3FFC];
	_ =	sdelay $0x3  }
0x9a: {  	_ =	strace s3  }
0x9b: {  	s3 =	sld [smem:$0x3FFD];
	_ =	sdelay $0x3  }
0x9c: {  	_ =	strace s3  }
0x9d: {  	_ =	strace $0x8FFFFFFF  }
0x9e: {  	s18 =	sld [smem:$0x3FDB];
	_ =	sdelay $0x1  }
0x9f: {  	s19 =	simm.s32 $_scs_section_size  }
0xa0: {  	s5 =	simm.s32 $_size__tile_overlayer_lowered;
	s6 =	simm.s32 $_tile_overlayer_lowered  }
0xa1: {  	s22 =	simm.s32 $0x1BFF;
	s21 =	sshll.u32 s6, $0x1;
	s3 =	sadd.s32 s19, s18  }
0xa2: {  	s7 =	simm.s32 $0x0;
	s20 =	sshll.u32 s5, $0x1;
	s5 =	sadd.s32 s21, s3  }
0xa3: {  	[timem:s7], [sflag:s22] =	dma.local [hbm:s5], s20  }
0xa4: {  	_ =	swait.ge [sflag:s22], s20  }
0xa5: {  	s4 =	ssub.s32 $0x0, s20;
	[sflag:s22] =	ssyncset.done $0x0  }
0xa6: {  	[sflag:s22] =	ssyncadd.s32 s4;
	_ =	sdelay $0x1  }
0xa7: {  	s23 =	simm.s32 $0x1B8B  }
0xa8: {  	_ =	swait.ge [sflag:s23], $0x1  }
0xa9: {  	[sflag:s23] =	ssyncset.done $0x0  }
0xaa: {  	s25 =	simm.s32 $0x1B8E;
	s24 =	sld [smem:$0x3FFE];
	[sflag:s23] =	ssyncadd.s32 $0xFFFFFFFF  }
0xab: {  	s26 =	simm.s32 $execute0_lowered;
	[smem:$0x3FD2] =	sst s25  }
0xac: {  	s5 =	sshll.u32 s26, $0x1;
	_ =	strace $0x80000046;
	[dreg:$0x1] =	wrdreg $0xFFFFFFFF  }
0xad: {  	s28 =	simm.s32 $_size_execute0_lowered;
	s3 =	sadd.s32 s3, s5;
	[dreg:$0x0] =	wrdreg $0x0  }
0xae: {  	s5 =	sshll.u32 s28, $0x1;
	[dreg:$0x2] =	wrdreg s3  }
0xaf: {  	[dreg:$0x3] =	wrdreg s5  }
0xb0: {  	[dreg:$0x4] =	wrdreg $0xC0  }
0xb1: {  	_ =	task [dreg:s7], $0x5FFFF  }
0xb2: {  	[dreg:$0x1] =	wrdreg $0xFFFFFFFF  }
0xb3: {  	[dreg:$0x0] =	wrdreg $0x60  }
0xb4: {  	[dreg:$0x2] =	wrdreg s16  }
0xb5: {  	[dreg:$0x3] =	wrdreg s24  }
0xb6: {  	[dreg:$0x4] =	wrdreg $0xB  }
0xb7: {  	_ =	task.clear_ibuf [dreg:s7], $0x5FFFF;
	_ =	strace $0x90000046  }
0xb8: {  	s29 =	simm.s32 $0xB;
	_ =	strace $0x80000048  }
0xb9: {  	_ =	swait.ge [sflag:s29], $0x1  }
0xba: {  	[sflag:s29] =	ssyncadd.s32 $0xFFFFFFFF  }
0xbb: {  	_ =	strace $0x90000048  }
0xbc: {  	_ =	sfence  }
0xbd: {  	s30 =	sld [smem:$0x0];
	_ =	sdelay $0x2  }
0xbe: {  	s31 =	sshll.u32 s1, $0xD;
	s1 =	sshrl.u32 s1, $0x2  }
0xbf: {  	s3 =	sand.u32 $0x4000, s31;
	s1 =	sadd.s32 s1, s30  }
0xc0: {  	s0 =	sor.u32 s3, s0;
	s1 =	sshll.u32 s1, $0x11  }
0xc1: {  	s0 =	sor.u32 s1, s0  }
0xc2: {  	s0 =	sadd.s32 $0x8F2B, s0  }
0xc3: {  	[sflag:s0] =	ssyncadd.remote.s32 $0x1  }
0xc4: {  	_ =	sfence.sel $0xFFFF  }
0xc5: {  	[dreg:$0x0] =	wrdreg $0xFFFFFFFF;
	(pc) =	sbr.abs _section_cstart, $3  }
0xc6: {  	[dreg:$0x1] =	wrdreg $0xFFFFFFFF  }
0xc7: {  	_ =	task.clear_ibuf [dreg:s7], $0x2FFFF;
	_ =	strace $0x9FFFFFFF  }
0xc8: {  	(tm) =	ssettm $0x7FFFFFFF  }
0xc9: {  	_ =	shalt  }
tec
execute0_lowered:
.L_overlay_start_1:
0x0: {  	(tag) =	ssettag $0x1  }
0x1: {  	s2 =	rddreg [dreg:$0x0]  }
0x2: {  	s3 =	rddreg [dreg:$0x1];
	s1 =	stileid.u32  }
0x3: {  	s4 =	srdreg.scid;
	s0 =	rddreg [dreg:$0x2];
	_ =	strace $0x80000047  }
0x4: {  	s7 =	simm.s32 $0x1;
	s8 =	simm.s32 $0x1;
	s9 =	simm.s32 $0x3  }
0x5: {  	s10 =	simm.s32 $0x0;
	s5 =	sand.u32 $0x1, s4;
	s6 =	sshll.u32 s1, $0x1  }
0x6: {  	s13 =	simm.s32 $0x0;
	s4 =	simm.s32 $0x1;
	s5 =	sor.u32 s6, s5  }
.Ltmp0:
0x7: {  	[sflag:s4] =	ssyncpa.u1 $0x0;
	p0 =	slt.u32 s5, $0x13;
	(pc) =	sbr.rel .LBB2_1-.Ltmp0, $4  }
0x8: {  	s6 =	simm.s32 $0x2;
	s7 =	simm.s32 @!p0 $0x0;
	p0 =	sne.s32 s5, $0x12  }
0x9: {  	[sflag:s6] =	ssyncpa.u1 $0x0;
	s5 =	smul.u32 $0xF0, s5;
	s8 =	simm.s32 @!p0 $0x0  }
0xa: {  	s12 =	simm.s32 $0x0;
	[sflag:s9] =	ssyncpa.u1 $0x0;
	s7 =	sadd.s32 s8, s7  }
0xb: {  	vm0 =	vmmov $0xffff;
	s8 =	sadd.s32 $0x3000, s3;
	s11 =	smov.u32 s5;
	s9 =	sadd.s32 $0x1, s7  }
.LBB2_4:
0xc: {  	v2 =	vnsel vm1, $0x0, v2  }
0xd: {  	vm1 =	vgt.s32 v0, $0x0;
	v2 =	vmin.u32 v2, $0x57E3  }
0xe: {  	v0 =	vnsel vm1, $0x0, v0  }
0xf: {  	v0 =	vmin.u32 v0, $0x57E3  }
0x10: {  	[tilespmem:s18], [sflag:$0x1] =	stream.indirect_vreg.gather [hbm4b:s2+s10], $0x1, v1, vm0, $0x4038;
	[tilespmem:$0x3C0] =	vst v63  }
0x11: {  	(ifvalue) =	ssetifvalue $0x7FFFFFFF  }
0x12: {  	[tilespmem:s15], [sflag:$0x1] =	stream.indirect_vreg.gather [hbm4b:s2+s10], $0x1, v2, vm0, $0x4038;
	[tilespmem:$0x3C0] =	vst v63  }
0x13: {  	s29 =	sadd.s32 $0x10, s15;
	(ifvalue) =	ssetifvalue $0x7FFFFFFF  }
0x14: {  	[tilespmem:s29], [sflag:$0x1] =	stream.indirect_vreg.gather [hbm4b:s2+s10], $0x1, v0, vm0, $0x4038;
	[tilespmem:$0x3C0] =	vst v63  }
0x15: {  	_ =	swait.ge [sflag:s4], $0xF0  }
0x16: {  	s30 =	sshrl.u32 s13, $0x3;
	[sflag:s4] =	ssyncset.done $0x0  }
0x17: {  	s31 =	sand.u32 $0x7, s13;
	s15 =	sadd.s32 s8, s30;
	[sflag:s4] =	ssyncadd.s32 $0xFFFFFF10  }
0x18: {  	[hbm4b:s15+s31] =	stream.linear.scatter [tilespmem:s14], [sflag:$0x3], $0xF0, $0x38;
	[tilespmem:$0x3C0] =	vst v63  }
.LBB2_5:
0x19: {  	s15 =	sadd.s32 $0x1E00, s11  }
0x1a: {  	p1 =	sgt.s32 s15, $0x2EDF  }
0x1b: {  	s15 =	smov.u32 @p1 s5;
	p1 =	sne.s32 s12, s9  }
.Ltmp1:
0x1c: {  	p0 =	slt.u32 s12, $0x2;
	(pc) =	sbr.rel @!p1 .LBB2_6-.Ltmp1, $4  }
0x1d: {  	s14 =	simm.s32 @!p0 $0x3  }
0x1e: {  	_ =	swait.ge @!p0 [sflag:s14], $0xF0  }
0x1f: {  	s16 =	sadd.s32 $0x1, s12;
	s13 =	smov.u32 s11;
	[sflag:s14] =	ssyncset.done @!p0 $0x0  }
0x20: {  	s12 =	smov.u32 s16;
	s11 =	smov.u32 s15;
	[sflag:s14] =	ssyncadd.s32 @!p0 $0xFFFFFF10  }
.LBB2_1:
0x21: {  	p0 =	sge.u32 s12, s7  }
0x22: {  	s14 =	sxor.u32 @!p0 $0x1, s12  }
0x23: {  	s14 =	smul.u32 @!p0 $0x3C0, s14  }
0x24: {  	s31 =	sadd.s32 $0xFFFFFFFF, s12;
	s15 =	sshrl.u32 @!p0 s11, $0x3  }
0x25: {  	s16 =	sand.u32 @!p0 $0x7, s11;
	s15 =	sadd.s32 @!p0 s3, s15;
	s14 =	sshra.s32 @!p0 s14, $0x2  }
0x26: {  	[tilespmem:s14], [sflag:$0x2] =	stream.linear.gather @!p0 [hbm4b:s15+s16], $0xF0, $0x38;
	[tilespmem:$0x3C0] =	vst v63  }
0x27: {  	p0 =	sge.u32 s31, s7  }
.Ltmp2:
0x28: {  	_ = 	snop;
	(pc) =	sbr.rel @p0 .LBB2_5-.Ltmp2, $1  }
0x29: {  	_ =	sdelay $0x3  }
0x2a: {  	s14 =	sand.u32 $0x1, s12  }
0x2b: {  	_ =	swait.ge [sflag:s6], $0xF0;
	p0 =	seq.s32 s14, $0x1;
	s14 =	simm.s32 $0xF0  }
0x2c: {  	[sflag:s6] =	ssyncset.done $0x0;
	s14 =	simm.s32 @!p0 $0x0  }
0x2d: {  	[sflag:s6] =	ssyncadd.s32 $0xFFFFFF10;
	(ifvalue) =	ssetifvalue $0x7FFFFFFF;
	v0 =	vld.msk [tilespmem:s14+$0x0 ss:$0x1], $0xffff;
	_ =	sdelay $0x4  }
0x2e: {  	s15 =	sadd.s32 $0x10, s14;
	vm1 =	vgt.s32 v0, $0x0  }
0x2f: {  	v2 =	vld.msk [tilespmem:s15+$0x0 ss:$0x1], $0xffff;
	v1 =	vnsel vm1, $0x0, v0  }
0x30: {  	v1 =	vmin.u32 v1, $0x57E3;
	_ =	sdelay $0x2  }
0x31: {  	s17 =	simm.s32 $0x20;
	s14 =	sadd.s32 $0x1E0, s14;
	s16 =	sadd.s32 $0x10, s15  }
0x32: {  	s15 =	sadd.s32 $0x10, s14;
	s18 =	smov.u32 s14;
	v0 =	vld.msk [tilespmem:s16+$0x0 ss:$0x1], $0xffff;
	vm1 =	vgt.s32 v2, $0x0;
	(ifvalue) =	ssetifvalue $0x7FFFFFFF  }
.LBB2_3:
0x33: {  	[tilespmem:s18], [sflag:$0x1] =	stream.indirect_vreg.gather [hbm4b:s2+s10], $0x1, v1, vm0, $0x4038;
	[tilespmem:$0x3C0] =	vst v63  }
0x34: {  	s17 =	sadd.s32 $0x10, s17  }
0x35: {  	v2 =	vnsel vm1, $0x0, v2;
	p0 =	slt.u32 s17, $0xE0  }
.Ltmp3:
0x36: {  	s18 =	smov.u32 s15;
	v1 =	vmin.u32 v2, $0x57E3;
	(pc) =	sbr.rel @p0 .LBB2_3-.Ltmp3, $3  }
0x37: {  	_ =	sdelay $0x1  }
0x38: {  	s16 =	sadd.s32 $0x10, s16  }
0x39: {  	vm1 =	vgt.s32 v0, $0x0;
	s15 =	sadd.s32 $0x10, s15;
	v2 =	vmov v0;
	(ifvalue) =	ssetifvalue $0x7FFFFFFF;
	v0 =	vld.msk [tilespmem:s16+$0x0 ss:$0x1], $0xffff  }
.Ltmp4:
0x3a: {  	_ = 	snop;
	(pc) =	sbr.rel .LBB2_4-.Ltmp4, $1  }
0x3b: {  	_ =	sdelay $0x3  }
.LBB2_6:
0x3c: {  	_ =	sfence.sel $0x180000  }
0x3d: {  	s2 =	simm.s32 $0x2;
	[bflag:$0x0] =	sbarrier.arrive $0xFFFF  }
0x3e: {  	s30 =	simm.s32 $0x3;
	[sflag:s2] =	ssyncpa.u1 $0x1  }
0x3f: {  	s31 =	simm.s32 $0x1;
	[sflag:s30] =	ssyncpa.u1 $0x1  }
0x40: {  	[sflag:s31] =	ssyncpa.u1 $0x1  }
0x41: {  	p0 =	sne.s32 s1, $0x0;
	_ =	strace $0x90000047  }
0x42: {  	s0 =	sadd.s32 @!p0 $0x100000, s0;
	[bflag:$0x2] =	sbarrier.arrive $0xFFFF  }
0x43: {  	[sflag:s0] =	ssyncadd.tile.s32 @!p0 $0x1;
	_ =	shalt  }
.Lfunc_end2:
_tile_overlayer_lowered:
.L_overlay_start_2:
0x44: {  	(tag) =	ssettag $0x2  }
0x45: {  	s0 =	rddreg [dreg:$0x0];
	s2 =	stileid.u32  }
0x46: {  	s1 =	rddreg [dreg:$0x1];
	p0 =	sne.s32 s2, $0x0  }
0x47: {  	s3 =	rddreg [dreg:$0x2];
	[bflag:$0x3] =	sbarrier.arrive $0xFFFF;
	s2 =	simm.s32 @!p0 $0x1C01  }
0x48: {  	[timem:s3], [sflag:s2] =	dma.local @!p0 [hbm:s0], s1  }
0x49: {  	s0 =	simm.s32 @!p0 $0x1  }
0x4a: {  	_ =	swait.ge @!p0 [sflag:s0], s1  }
0x4b: {  	s1 =	ssub.s32 @!p0 $0x0, s1;
	[sflag:s0] =	ssyncset.done @!p0 $0x0  }
0x4c: {  	[sflag:s0] =	ssyncadd.s32 @!p0 s1  }
0x4d: {  	[bflag:$0x3] =	sbarrier.arrive $0xFFFF  }
0x4e: {  	_ =	shalt  }

// kernel: gather_offload_async_start.4
scs
__scs_entry_jumppad:
0x0: {  	(pc) =	sbr.rel $0x88, $3  }
0x1: {  	(tag) =	ssettag $0x0;
	lr =	simm.s32 $0x1  }
0x2: {  	[smem:$0x3F99] =	sst lr;
	_ =	strace $0xD0000000  }
0x3: {  	_ = 	snop  }
0x4: {  	_ = 	snop  }
0x5: {  	_ = 	snop  }
0x6: {  	_ = 	snop  }
0x7: {  	_ = 	snop  }
__scs_overlays_trampoline_lowered:
0x8: {  	[smem:$0x3FA8] =	sst s0  }
0x9: {  	[smem:$0x3FA9] =	sst s1  }
0xa: {  	[smem:$0x3FAA] =	sst s2  }
0xb: {  	[smem:$0x3FAB] =	sst s3  }
0xc: {  	[smem:$0x3FAC] =	sst s4  }
0xd: {  	[smem:$0x3FAD] =	sst s5  }
0xe: {  	[smem:$0x3FAE] =	sst s6  }
0xf: {  	[smem:$0x3FAF] =	sst s7  }
0x10: {  	[smem:$0x3FB0] =	sst s8  }
0x11: {  	[smem:$0x3FB1] =	sst s9;
	s0 =	simm.s32 @!p0 $0x0  }
0x12: {  	s1 =	sld [smem:$0x3F97];
	s0 =	simm.s32 @p0 $0x1  }
0x13: {  	[smem:$0x3FB2] =	sst s0;
	s0 =	simm.s32 @!p1 $0x0  }
0x14: {  	s2 =	sld [smem:$0x3F96];
	s0 =	simm.s32 @p1 $0x1  }
0x15: {  	[smem:$0x3FB3] =	sst s0;
	s0 =	simm.s32 @!p2 $0x0  }
0x16: {  	s3 =	sld [smem:$0x3FDB];
	s0 =	simm.s32 @p2 $0x1  }
0x17: {  	s4 =	simm.s32 $0x1BF5;
	[smem:$0x3FB5] =	sst s0  }
0x18: {  	s0 =	sld [smem:$0x3F98];
	_ =	swait.ge [sflag:s4], $0x0  }
0x19: {  	s7 =	sld [smem:$0x3F99]  }
0x1a: {  	s8 =	sadd.s32 $0xFFFFE003, lr  }
0x1b: {  	s9 =	sadd.s32 $0xFFFFFEF7, lr;
	s5 =	simm.s32 $0xFFFFFFFF;
	p2 =	slt.u32 s8, $0xFFFFF086  }
0x1c: {  	p1 =	slt.u32 s9, $0xF7A;
	s5 =	simm.s32 @!p2 $0x0  }
0x1d: {  	s5 =	simm.s32 @p1 $0x1;
	p0 =	seq.s32 s7, s2  }
0x1e: {  	s7 =	smul.u32 @!p0 $0xF7A, s2;
	p2 =	seq.s32 @!p0 s5, $0x0  }
0x1f: {  	s9 =	smul.u32 $0xF7A, s1;
	s8 =	simm.s32 @!p0 $0x1BF5;
	p2 =	por !p2, p0  }
0x20: {  	[sflag:s8] =	ssyncset.s32 @!p0 $0xFFFFF086;
	s6 =	sadd.s32 @!p0 s3, s7;
	s7 =	simm.s32 @!p0 $0x108  }
0x21: {  	s3 =	sadd.s32 s3, s9;
	s6 =	sadd.s32 @!p0 $0x88, s6;
	s7 =	simm.s32 @p2 $0x1082  }
0x22: {  	[simem:s7], [sflag:s8] =	dma.local @!p0 [hbm:s6], $0xF7A  }
0x23: {  	s9 =	sor.u32 $0xD0000000, s2;
	s6 =	simm.s32 $0x108;
	_ =	swait.ge @!p0 [sflag:s8], $0x0  }
0x24: {  	s3 =	sadd.s32 $0x88, s3;
	s6 =	simm.s32 @!p1 $0x1082;
	[sflag:s4] =	ssyncset.s32 $0xFFFFF086  }
0x25: {  	[simem:s6], [sflag:s4] =	dma.local [hbm:s3], $0xF7A  }
0x26: {  	[smem:$0x3F99] =	sst s1;
	(tag) =	ssettag s2;
	_ =	strace s9  }
0x27: {  	s1 =	sld [smem:$0x3FA9]  }
0x28: {  	s2 =	sld [smem:$0x3FAA]  }
0x29: {  	s4 =	sld [smem:$0x3FAC]  }
0x2a: {  	p0 =	seq.s32 s5, $0x0;
	s5 =	sld [smem:$0x3FAD]  }
0x2b: {  	s6 =	sld [smem:$0x3FAE]  }
0x2c: {  	s7 =	sld [smem:$0x3FAF]  }
0x2d: {  	s3 =	simm.s32 $0x108;
	s8 =	sld [smem:$0x3FB0]  }
0x2e: {  	s3 =	simm.s32 @!p0 $0x1082;
	s9 =	sld [smem:$0x3FB1]  }
0x2f: {  	lr =	sadd.s32 s0, s3;
	s0 =	sld [smem:$0x3FA8]  }
0x30: {  	s3 =	sld [smem:$0x3FAB]  }
0x31: {  	[smem:$0x3FB4] =	sst s10  }
0x32: {  	s10 =	sld [smem:$0x3FB2];
	_ =	sdelay $0x3  }
0x33: {  	p0 =	seq.s32 s10, $0x1;
	s10 =	sld [smem:$0x3FB4];
	_ =	sdelay $0x3  }
0x34: {  	[smem:$0x3FB4] =	sst s10  }
0x35: {  	s10 =	sld [smem:$0x3FB3];
	_ =	sdelay $0x3  }
0x36: {  	p1 =	seq.s32 s10, $0x1;
	s10 =	sld [smem:$0x3FB4];
	_ =	sdelay $0x3  }
0x37: {  	[smem:$0x3FB4] =	sst s10  }
0x38: {  	s10 =	sld [smem:$0x3FB5]  }
0x39: {  	_ = 	snop;
	(pc) =	sbr.ind lr, $3  }
0x3a: {  	_ = 	snop  }
0x3b: {  	_ = 	snop  }
0x3c: {  	p2 =	seq.s32 s10, $0x1;
	s10 =	sld [smem:$0x3FB4]  }
0x3d: {  	_ =	shalt  }
0x3e: {  	_ =	shalt  }
0x3f: {  	_ =	shalt  }
0x40: {  	_ =	shalt  }
0x41: {  	_ =	shalt  }
0x42: {  	_ =	shalt  }
0x43: {  	_ =	shalt  }
0x44: {  	_ =	shalt  }
0x45: {  	_ =	shalt  }
0x46: {  	_ =	shalt  }
0x47: {  	_ =	shalt  }
0x48: {  	_ =	shalt  }
0x49: {  	_ =	shalt  }
0x4a: {  	_ =	shalt  }
0x4b: {  	_ =	shalt  }
0x4c: {  	_ =	shalt  }
0x4d: {  	_ =	shalt  }
0x4e: {  	_ =	shalt  }
0x4f: {  	_ =	shalt  }
0x50: {  	_ =	shalt  }
0x51: {  	_ =	shalt  }
0x52: {  	_ =	shalt  }
0x53: {  	_ =	shalt  }
0x54: {  	_ =	shalt  }
0x55: {  	_ =	shalt  }
0x56: {  	_ =	shalt  }
0x57: {  	_ =	shalt  }
0x58: {  	_ =	shalt  }
0x59: {  	_ =	shalt  }
0x5a: {  	_ =	shalt  }
0x5b: {  	_ =	shalt  }
0x5c: {  	_ =	shalt  }
0x5d: {  	_ =	shalt  }
0x5e: {  	_ =	shalt  }
0x5f: {  	_ =	shalt  }
0x60: {  	_ =	shalt  }
0x61: {  	_ =	shalt  }
0x62: {  	_ =	shalt  }
0x63: {  	_ =	shalt  }
0x64: {  	_ =	shalt  }
0x65: {  	_ =	shalt  }
0x66: {  	_ =	shalt  }
0x67: {  	_ =	shalt  }
0x68: {  	_ =	shalt  }
0x69: {  	_ =	shalt  }
0x6a: {  	_ =	shalt  }
0x6b: {  	_ =	shalt  }
0x6c: {  	_ =	shalt  }
0x6d: {  	_ =	shalt  }
0x6e: {  	_ =	shalt  }
0x6f: {  	_ =	shalt  }
0x70: {  	_ =	shalt  }
0x71: {  	_ =	shalt  }
0x72: {  	_ =	shalt  }
0x73: {  	_ =	shalt  }
0x74: {  	_ =	shalt  }
0x75: {  	_ =	shalt  }
0x76: {  	_ =	shalt  }
0x77: {  	_ =	shalt  }
0x78: {  	_ =	shalt  }
0x79: {  	_ =	shalt  }
0x7a: {  	_ =	shalt  }
0x7b: {  	_ =	shalt  }
0x7c: {  	_ =	shalt  }
0x7d: {  	_ =	shalt  }
0x7e: {  	_ =	shalt  }
0x7f: {  	_ =	shalt  }
0x80: {  	_ =	shalt  }
0x81: {  	_ =	shalt  }
0x82: {  	_ =	shalt  }
0x83: {  	_ =	shalt  }
0x84: {  	_ =	shalt  }
0x85: {  	_ =	shalt  }
0x86: {  	_ =	shalt  }
0x87: {  	_ =	shalt  }
.Lfunc_end0:
.L_simem_size_0:
called_computation.5_lowered:
.L_overlay_start_0:
0x88: {  	s0 =	sld [smem:$0x3FD9]  }
0x89: {  	s1 =	sld [smem:$0x3FFE];
	_ =	sdelay $0x3  }
0x8a: {  	s0 =	sadd.s32 s1, s0  }
0x8b: {  	[smem:$0x3FC0] =	sst s0  }
0x8c: {  	_ = 	snop  }
0x8d: {  	s0 =	sld [smem:$0x3FD0];
	_ =	sdelay $0x2  }
0x8e: {  	s13 =	simm.s32 $0xD;
	s2 =	simm.s32 $0x10  }
0x8f: {  	[smem:s2], [sflag:s13] =	dma.local [hbm:s0], $0x1  }
0x90: {  	_ =	swait.eq [sflag:s13], $0x1  }
0x91: {  	[sflag:s13] =	ssyncset.done $0x0  }
0x92: {  	[sflag:s13] =	ssyncadd.s32 $0xFFFFFFFF  }
0x93: {  	s14 =	sld [smem:$0x12];
	(tm) =	ssettm $0x1  }
0x94: {  	s15 =	sld [smem:$0x3FFB];
	_ =	sdelay $0x3  }
0x95: {  	_ =	strace s15  }
0x96: {  	s1 =	sld [smem:$0x3FFC];
	_ =	sdelay $0x3  }
0x97: {  	_ =	strace s1  }
0x98: {  	s1 =	sld [smem:$0x3FFD];
	_ =	sdelay $0x3  }
0x99: {  	_ =	strace s1  }
0x9a: {  	_ =	strace $0x8FFFFFFF  }
0x9b: {  	s16 =	sld [smem:$0x3FDB];
	_ =	sdelay $0x1  }
0x9c: {  	s17 =	simm.s32 $_scs_section_size  }
0x9d: {  	s3 =	simm.s32 $_size__tile_overlayer_lowered;
	s4 =	simm.s32 $_tile_overlayer_lowered  }
0x9e: {  	s20 =	simm.s32 $0x1BFF;
	s19 =	sshll.u32 s4, $0x1;
	s1 =	sadd.s32 s17, s16  }
0x9f: {  	s5 =	simm.s32 $0x0;
	s18 =	sshll.u32 s3, $0x1;
	s3 =	sadd.s32 s19, s1  }
0xa0: {  	[timem:s5], [sflag:s20] =	dma.local [hbm:s3], s18  }
0xa1: {  	_ =	swait.ge [sflag:s20], s18  }
0xa2: {  	s2 =	ssub.s32 $0x0, s18;
	[sflag:s20] =	ssyncset.done $0x0  }
0xa3: {  	[sflag:s20] =	ssyncadd.s32 s2;
	_ =	sdelay $0x1  }
0xa4: {  	s21 =	simm.s32 $0x1B8B  }
0xa5: {  	_ =	swait.ge [sflag:s21], $0x1  }
0xa6: {  	[sflag:s21] =	ssyncset.done $0x0  }
0xa7: {  	s23 =	simm.s32 $0x1B8E;
	s22 =	sld [smem:$0x3FFE];
	[sflag:s21] =	ssyncadd.s32 $0xFFFFFFFF  }
0xa8: {  	s24 =	simm.s32 $execute0_lowered;
	[smem:$0x3FD2] =	sst s23  }
0xa9: {  	s3 =	sshll.u32 s24, $0x1;
	_ =	strace $0x80000061;
	[dreg:$0x1] =	wrdreg $0xFFFFFFFF  }
0xaa: {  	s25 =	simm.s32 $_size_execute0_lowered;
	s1 =	sadd.s32 s1, s3;
	[dreg:$0x0] =	wrdreg $0x0  }
0xab: {  	s3 =	sshll.u32 s25, $0x1;
	[dreg:$0x2] =	wrdreg s1  }
0xac: {  	[dreg:$0x3] =	wrdreg s3  }
0xad: {  	[dreg:$0x4] =	wrdreg $0xC0  }
0xae: {  	_ =	task [dreg:s5], $0x5FFFF  }
0xaf: {  	[dreg:$0x1] =	wrdreg $0xFFFFFFFF  }
0xb0: {  	[dreg:$0x0] =	wrdreg $0x60  }
0xb1: {  	[dreg:$0x2] =	wrdreg s22  }
0xb2: {  	[dreg:$0x3] =	wrdreg s14  }
0xb3: {  	[dreg:$0x4] =	wrdreg $0x9  }
0xb4: {  	_ =	task.clear_ibuf [dreg:s5], $0x5FFFF;
	_ =	strace $0x90000061  }
0xb5: {  	s26 =	simm.s32 $0x9;
	_ =	strace $0x80000063  }
0xb6: {  	_ =	swait.ge [sflag:s26], $0x1  }
0xb7: {  	[sflag:s26] =	ssyncadd.s32 $0xFFFFFFFF  }
0xb8: {  	_ =	strace $0x90000063  }
0xb9: {  	_ =	sfence  }
0xba: {  	s28 =	sld [smem:$0x0];
	_ =	sdelay $0x1  }
0xbb: {  	s29 =	srdreg.scid  }
0xbc: {  	s30 =	sshll.u32 s29, $0xD;
	s31 =	sshrl.u32 s29, $0x2  }
0xbd: {  	s2 =	sand.u32 $0x4000, s30;
	s1 =	sand.u32 $0x1, s29;
	s0 =	sadd.s32 s31, s28  }
0xbe: {  	s1 =	sor.u32 s2, s1;
	s0 =	sshll.u32 s0, $0x11  }
0xbf: {  	s0 =	sor.u32 s0, s1  }
0xc0: {  	s0 =	sadd.s32 $0x8F2B, s0  }
0xc1: {  	[sflag:s0] =	ssyncadd.remote.s32 $0x1  }
0xc2: {  	_ =	sfence.sel $0xFFFF  }
0xc3: {  	[dreg:$0x0] =	wrdreg $0xFFFFFFFF;
	(pc) =	sbr.abs _section_cstart, $3  }
0xc4: {  	[dreg:$0x1] =	wrdreg $0xFFFFFFFF  }
0xc5: {  	_ =	task.clear_ibuf [dreg:s5], $0x2FFFF;
	_ =	strace $0x9FFFFFFF  }
0xc6: {  	(tm) =	ssettm $0x7FFFFFFF  }
0xc7: {  	_ =	shalt  }
tec
execute0_lowered:
.L_overlay_start_1:
0x0: {  	(tag) =	ssettag $0x1  }
0x1: {  	s8 =	rddreg [dreg:$0x0]  }
0x2: {  	s2 =	rddreg [dreg:$0x1]  }
0x3: {  	s0 =	rddreg [dreg:$0x2]  }
0x4: {  	s1 =	stileid.u32;
	_ =	strace $0x80000062;
	s5 =	simm.s32 $0x1  }
0x5: {  	s6 =	simm.s32 $0x500;
	s9 =	simm.s32 $0x1;
	s10 =	simm.s32 $0x3  }
0x6: {  	s13 =	simm.s32 $0x0;
	s12 =	simm.s32 $0x0;
	s4 =	smul.u32 $0x50, s1  }
0x7: {  	s3 =	sadd.s32 $0x600, s8;
	p0 =	slt.u32 s1, $0xA;
	[sflag:s5] =	ssyncpa.u1 $0x0  }
.Ltmp0:
0x8: {  	s6 =	simm.s32 @!p0 $0x0;
	s7 =	ssub.s32 $0x7D0, s4;
	(pc) =	sbr.rel .LBB2_1-.Ltmp0, $4  }
0x9: {  	s9 =	simm.s32 @!p0 $0x0;
	p0 =	sne.s32 s7, s6;
	s7 =	simm.s32 $0x1  }
0xa: {  	s8 =	sadd.s32 $0x1200, s8;
	s6 =	simm.s32 $0x2;
	s7 =	simm.s32 @!p0 $0x0  }
0xb: {  	s11 =	smov.u32 s4;
	[sflag:s6] =	ssyncpa.u1 $0x0;
	s7 =	sadd.s32 s9, s7  }
0xc: {  	vm0 =	vmmov $0xffff;
	[sflag:s10] =	ssyncpa.u1 $0x0;
	s10 =	simm.s32 $0x0;
	s9 =	sadd.s32 $0x1, s7  }
.LBB2_4:
0xd: {  	v2 =	vnsel vm1, $0x0, v2  }
0xe: {  	vm1 =	vgt.s32 v0, $0x0;
	v2 =	vmin.u32 v2, $0x2FFF  }
0xf: {  	v0 =	vnsel vm1, $0x0, v0  }
0x10: {  	v0 =	vmin.u32 v0, $0x2FFF  }
0x11: {  	[tilespmem:s18], [sflag:$0x1] =	stream.indirect_vreg.gather [hbm4b:s3+s10], $0x1, v1, vm0, $0x4038;
	[tilespmem:$0x140] =	vst v63  }
0x12: {  	(ifvalue) =	ssetifvalue $0x7FFFFFFF  }
0x13: {  	[tilespmem:s15], [sflag:$0x1] =	stream.indirect_vreg.gather [hbm4b:s3+s10], $0x1, v2, vm0, $0x4038;
	[tilespmem:$0x140] =	vst v63  }
0x14: {  	s29 =	sadd.s32 $0x10, s15;
	(ifvalue) =	ssetifvalue $0x7FFFFFFF  }
0x15: {  	[tilespmem:s29], [sflag:$0x1] =	stream.indirect_vreg.gather [hbm4b:s3+s10], $0x1, v0, vm0, $0x4038;
	[tilespmem:$0x140] =	vst v63  }
0x16: {  	_ =	swait.ge [sflag:s5], $0x50  }
0x17: {  	s30 =	sshrl.u32 s13, $0x3;
	[sflag:s5] =	ssyncset.done $0x0  }
0x18: {  	s31 =	sand.u32 $0x7, s13;
	s15 =	sadd.s32 s8, s30;
	[sflag:s5] =	ssyncadd.s32 $0xFFFFFFB0  }
0x19: {  	[hbm4b:s15+s31] =	stream.linear.scatter [tilespmem:s14], [sflag:$0x3], $0x50, $0x38;
	[tilespmem:$0x140] =	vst v63  }
.LBB2_5:
0x1a: {  	s15 =	sadd.s32 $0x500, s11  }
0x1b: {  	p1 =	sgt.s32 s15, $0x7CF  }
0x1c: {  	s15 =	smov.u32 @p1 s4;
	p1 =	sne.s32 s12, s9  }
.Ltmp1:
0x1d: {  	p0 =	slt.u32 s12, $0x2;
	(pc) =	sbr.rel @!p1 .LBB2_6-.Ltmp1, $4  }
0x1e: {  	s14 =	simm.s32 @!p0 $0x3  }
0x1f: {  	_ =	swait.ge @!p0 [sflag:s14], $0x50  }
0x20: {  	s16 =	sadd.s32 $0x1, s12;
	s13 =	smov.u32 s11;
	[sflag:s14] =	ssyncset.done @!p0 $0x0  }
0x21: {  	s12 =	smov.u32 s16;
	s11 =	smov.u32 s15;
	[sflag:s14] =	ssyncadd.s32 @!p0 $0xFFFFFFB0  }
.LBB2_1:
0x22: {  	p0 =	sge.u32 s12, s7  }
0x23: {  	s14 =	sxor.u32 @!p0 $0x1, s12  }
0x24: {  	s14 =	smul.u32 @!p0 $0x140, s14  }
0x25: {  	s31 =	sadd.s32 $0xFFFFFFFF, s12;
	s15 =	sshrl.u32 @!p0 s11, $0x3  }
0x26: {  	s16 =	sand.u32 @!p0 $0x7, s11;
	s15 =	sadd.s32 @!p0 s2, s15;
	s14 =	sshra.s32 @!p0 s14, $0x2  }
0x27: {  	[tilespmem:s14], [sflag:$0x2] =	stream.linear.gather @!p0 [hbm4b:s15+s16], $0x50, $0x38;
	[tilespmem:$0x140] =	vst v63  }
0x28: {  	p0 =	sge.u32 s31, s7  }
.Ltmp2:
0x29: {  	_ = 	snop;
	(pc) =	sbr.rel @p0 .LBB2_5-.Ltmp2, $1  }
0x2a: {  	_ =	sdelay $0x3  }
0x2b: {  	s14 =	sand.u32 $0x1, s12  }
0x2c: {  	_ =	swait.ge [sflag:s6], $0x50;
	p0 =	seq.s32 s14, $0x1;
	s14 =	simm.s32 $0x50  }
0x2d: {  	[sflag:s6] =	ssyncset.done $0x0;
	s14 =	simm.s32 @!p0 $0x0  }
0x2e: {  	[sflag:s6] =	ssyncadd.s32 $0xFFFFFFB0;
	(ifvalue) =	ssetifvalue $0x7FFFFFFF;
	v0 =	vld.msk [tilespmem:s14+$0x0 ss:$0x1], $0xffff;
	_ =	sdelay $0x4  }
0x2f: {  	s15 =	sadd.s32 $0x10, s14;
	vm1 =	vgt.s32 v0, $0x0  }
0x30: {  	v2 =	vld.msk [tilespmem:s15+$0x0 ss:$0x1], $0xffff;
	v1 =	vnsel vm1, $0x0, v0  }
0x31: {  	v1 =	vmin.u32 v1, $0x2FFF;
	_ =	sdelay $0x2  }
0x32: {  	s17 =	simm.s32 $0x20;
	s14 =	sor.u32 $0xA0, s14;
	s16 =	sadd.s32 $0x10, s15  }
0x33: {  	s15 =	sadd.s32 $0x10, s14;
	s18 =	smov.u32 s14;
	v0 =	vld.msk [tilespmem:s16+$0x0 ss:$0x1], $0xffff;
	vm1 =	vgt.s32 v2, $0x0;
	(ifvalue) =	ssetifvalue $0x7FFFFFFF  }
.LBB2_3:
0x34: {  	[tilespmem:s18], [sflag:$0x1] =	stream.indirect_vreg.gather [hbm4b:s3+s10], $0x1, v1, vm0, $0x4038;
	[tilespmem:$0x140] =	vst v63  }
0x35: {  	s17 =	sadd.s32 $0x10, s17  }
0x36: {  	v2 =	vnsel vm1, $0x0, v2;
	p0 =	slt.u32 s17, $0x40  }
.Ltmp3:
0x37: {  	s18 =	smov.u32 s15;
	v1 =	vmin.u32 v2, $0x2FFF;
	(pc) =	sbr.rel @p0 .LBB2_3-.Ltmp3, $3  }
0x38: {  	_ =	sdelay $0x1  }
0x39: {  	s16 =	sadd.s32 $0x10, s16  }
0x3a: {  	vm1 =	vgt.s32 v0, $0x0;
	s15 =	sadd.s32 $0x10, s15;
	v2 =	vmov v0;
	(ifvalue) =	ssetifvalue $0x7FFFFFFF;
	v0 =	vld.msk [tilespmem:s16+$0x0 ss:$0x1], $0xffff  }
.Ltmp4:
0x3b: {  	_ = 	snop;
	(pc) =	sbr.rel .LBB2_4-.Ltmp4, $1  }
0x3c: {  	_ =	sdelay $0x3  }
.LBB2_6:
0x3d: {  	_ =	sfence.sel $0x180000  }
0x3e: {  	s2 =	simm.s32 $0x2;
	[bflag:$0x0] =	sbarrier.arrive $0xFFFF  }
0x3f: {  	s30 =	simm.s32 $0x3;
	[sflag:s2] =	ssyncpa.u1 $0x1  }
0x40: {  	s31 =	simm.s32 $0x1;
	[sflag:s30] =	ssyncpa.u1 $0x1  }
0x41: {  	[sflag:s31] =	ssyncpa.u1 $0x1  }
0x42: {  	p0 =	sne.s32 s1, $0x0;
	_ =	strace $0x90000062  }
0x43: {  	s0 =	sadd.s32 @!p0 $0x100000, s0;
	[bflag:$0x2] =	sbarrier.arrive $0xFFFF  }
0x44: {  	[sflag:s0] =	ssyncadd.tile.s32 @!p0 $0x1;
	_ =	shalt  }
.Lfunc_end2:
_tile_overlayer_lowered:
.L_overlay_start_2:
0x45: {  	(tag) =	ssettag $0x2  }
0x46: {  	s0 =	rddreg [dreg:$0x0];
	s2 =	stileid.u32  }
0x47: {  	s1 =	rddreg [dreg:$0x1];
	p0 =	sne.s32 s2, $0x0  }
0x48: {  	s3 =	rddreg [dreg:$0x2];
	[bflag:$0x3] =	sbarrier.arrive $0xFFFF;
	s2 =	simm.s32 @!p0 $0x1C01  }
0x49: {  	[timem:s3], [sflag:s2] =	dma.local @!p0 [hbm:s0], s1  }
0x4a: {  	s0 =	simm.s32 @!p0 $0x1  }
0x4b: {  	_ =	swait.ge @!p0 [sflag:s0], s1  }
0x4c: {  	s1 =	ssub.s32 @!p0 $0x0, s1;
	[sflag:s0] =	ssyncset.done @!p0 $0x0  }
0x4d: {  	[sflag:s0] =	ssyncadd.s32 @!p0 s1  }
0x4e: {  	[bflag:$0x3] =	sbarrier.arrive $0xFFFF  }
0x4f: {  	_ =	shalt  }

// kernel: gather_offload_async_start.5
scs
__scs_entry_jumppad:
0x0: {  	(pc) =	sbr.rel $0x88, $3  }
0x1: {  	(tag) =	ssettag $0x0;
	lr =	simm.s32 $0x1  }
0x2: {  	[smem:$0x3F99] =	sst lr;
	_ =	strace $0xD0000000  }
0x3: {  	_ = 	snop  }
0x4: {  	_ = 	snop  }
0x5: {  	_ = 	snop  }
0x6: {  	_ = 	snop  }
0x7: {  	_ = 	snop  }
__scs_overlays_trampoline_lowered:
0x8: {  	[smem:$0x3FA8] =	sst s0  }
0x9: {  	[smem:$0x3FA9] =	sst s1  }
0xa: {  	[smem:$0x3FAA] =	sst s2  }
0xb: {  	[smem:$0x3FAB] =	sst s3  }
0xc: {  	[smem:$0x3FAC] =	sst s4  }
0xd: {  	[smem:$0x3FAD] =	sst s5  }
0xe: {  	[smem:$0x3FAE] =	sst s6  }
0xf: {  	[smem:$0x3FAF] =	sst s7  }
0x10: {  	[smem:$0x3FB0] =	sst s8  }
0x11: {  	[smem:$0x3FB1] =	sst s9;
	s0 =	simm.s32 @!p0 $0x0  }
0x12: {  	s1 =	sld [smem:$0x3F97];
	s0 =	simm.s32 @p0 $0x1  }
0x13: {  	[smem:$0x3FB2] =	sst s0;
	s0 =	simm.s32 @!p1 $0x0  }
0x14: {  	s2 =	sld [smem:$0x3F96];
	s0 =	simm.s32 @p1 $0x1  }
0x15: {  	[smem:$0x3FB3] =	sst s0;
	s0 =	simm.s32 @!p2 $0x0  }
0x16: {  	s3 =	sld [smem:$0x3FDB];
	s0 =	simm.s32 @p2 $0x1  }
0x17: {  	s4 =	simm.s32 $0x1BF5;
	[smem:$0x3FB5] =	sst s0  }
0x18: {  	s0 =	sld [smem:$0x3F98];
	_ =	swait.ge [sflag:s4], $0x0  }
0x19: {  	s7 =	sld [smem:$0x3F99]  }
0x1a: {  	s8 =	sadd.s32 $0xFFFFE003, lr  }
0x1b: {  	s9 =	sadd.s32 $0xFFFFFEF7, lr;
	s5 =	simm.s32 $0xFFFFFFFF;
	p2 =	slt.u32 s8, $0xFFFFF086  }
0x1c: {  	p1 =	slt.u32 s9, $0xF7A;
	s5 =	simm.s32 @!p2 $0x0  }
0x1d: {  	s5 =	simm.s32 @p1 $0x1;
	p0 =	seq.s32 s7, s2  }
0x1e: {  	s7 =	smul.u32 @!p0 $0xF7A, s2;
	p2 =	seq.s32 @!p0 s5, $0x0  }
0x1f: {  	s9 =	smul.u32 $0xF7A, s1;
	s8 =	simm.s32 @!p0 $0x1BF5;
	p2 =	por !p2, p0  }
0x20: {  	[sflag:s8] =	ssyncset.s32 @!p0 $0xFFFFF086;
	s6 =	sadd.s32 @!p0 s3, s7;
	s7 =	simm.s32 @!p0 $0x108  }
0x21: {  	s3 =	sadd.s32 s3, s9;
	s6 =	sadd.s32 @!p0 $0x88, s6;
	s7 =	simm.s32 @p2 $0x1082  }
0x22: {  	[simem:s7], [sflag:s8] =	dma.local @!p0 [hbm:s6], $0xF7A  }
0x23: {  	s9 =	sor.u32 $0xD0000000, s2;
	s6 =	simm.s32 $0x108;
	_ =	swait.ge @!p0 [sflag:s8], $0x0  }
0x24: {  	s3 =	sadd.s32 $0x88, s3;
	s6 =	simm.s32 @!p1 $0x1082;
	[sflag:s4] =	ssyncset.s32 $0xFFFFF086  }
0x25: {  	[simem:s6], [sflag:s4] =	dma.local [hbm:s3], $0xF7A  }
0x26: {  	[smem:$0x3F99] =	sst s1;
	(tag) =	ssettag s2;
	_ =	strace s9  }
0x27: {  	s1 =	sld [smem:$0x3FA9]  }
0x28: {  	s2 =	sld [smem:$0x3FAA]  }
0x29: {  	s4 =	sld [smem:$0x3FAC]  }
0x2a: {  	p0 =	seq.s32 s5, $0x0;
	s5 =	sld [smem:$0x3FAD]  }
0x2b: {  	s6 =	sld [smem:$0x3FAE]  }
0x2c: {  	s7 =	sld [smem:$0x3FAF]  }
0x2d: {  	s3 =	simm.s32 $0x108;
	s8 =	sld [smem:$0x3FB0]  }
0x2e: {  	s3 =	simm.s32 @!p0 $0x1082;
	s9 =	sld [smem:$0x3FB1]  }
0x2f: {  	lr =	sadd.s32 s0, s3;
	s0 =	sld [smem:$0x3FA8]  }
0x30: {  	s3 =	sld [smem:$0x3FAB]  }
0x31: {  	[smem:$0x3FB4] =	sst s10  }
0x32: {  	s10 =	sld [smem:$0x3FB2];
	_ =	sdelay $0x3  }
0x33: {  	p0 =	seq.s32 s10, $0x1;
	s10 =	sld [smem:$0x3FB4];
	_ =	sdelay $0x3  }
0x34: {  	[smem:$0x3FB4] =	sst s10  }
0x35: {  	s10 =	sld [smem:$0x3FB3];
	_ =	sdelay $0x3  }
0x36: {  	p1 =	seq.s32 s10, $0x1;
	s10 =	sld [smem:$0x3FB4];
	_ =	sdelay $0x3  }
0x37: {  	[smem:$0x3FB4] =	sst s10  }
0x38: {  	s10 =	sld [smem:$0x3FB5]  }
0x39: {  	_ = 	snop;
	(pc) =	sbr.ind lr, $3  }
0x3a: {  	_ = 	snop  }
0x3b: {  	_ = 	snop  }
0x3c: {  	p2 =	seq.s32 s10, $0x1;
	s10 =	sld [smem:$0x3FB4]  }
0x3d: {  	_ =	shalt  }
0x3e: {  	_ =	shalt  }
0x3f: {  	_ =	shalt  }
0x40: {  	_ =	shalt  }
0x41: {  	_ =	shalt  }
0x42: {  	_ =	shalt  }
0x43: {  	_ =	shalt  }
0x44: {  	_ =	shalt  }
0x45: {  	_ =	shalt  }
0x46: {  	_ =	shalt  }
0x47: {  	_ =	shalt  }
0x48: {  	_ =	shalt  }
0x49: {  	_ =	shalt  }
0x4a: {  	_ =	shalt  }
0x4b: {  	_ =	shalt  }
0x4c: {  	_ =	shalt  }
0x4d: {  	_ =	shalt  }
0x4e: {  	_ =	shalt  }
0x4f: {  	_ =	shalt  }
0x50: {  	_ =	shalt  }
0x51: {  	_ =	shalt  }
0x52: {  	_ =	shalt  }
0x53: {  	_ =	shalt  }
0x54: {  	_ =	shalt  }
0x55: {  	_ =	shalt  }
0x56: {  	_ =	shalt  }
0x57: {  	_ =	shalt  }
0x58: {  	_ =	shalt  }
0x59: {  	_ =	shalt  }
0x5a: {  	_ =	shalt  }
0x5b: {  	_ =	shalt  }
0x5c: {  	_ =	shalt  }
0x5d: {  	_ =	shalt  }
0x5e: {  	_ =	shalt  }
0x5f: {  	_ =	shalt  }
0x60: {  	_ =	shalt  }
0x61: {  	_ =	shalt  }
0x62: {  	_ =	shalt  }
0x63: {  	_ =	shalt  }
0x64: {  	_ =	shalt  }
0x65: {  	_ =	shalt  }
0x66: {  	_ =	shalt  }
0x67: {  	_ =	shalt  }
0x68: {  	_ =	shalt  }
0x69: {  	_ =	shalt  }
0x6a: {  	_ =	shalt  }
0x6b: {  	_ =	shalt  }
0x6c: {  	_ =	shalt  }
0x6d: {  	_ =	shalt  }
0x6e: {  	_ =	shalt  }
0x6f: {  	_ =	shalt  }
0x70: {  	_ =	shalt  }
0x71: {  	_ =	shalt  }
0x72: {  	_ =	shalt  }
0x73: {  	_ =	shalt  }
0x74: {  	_ =	shalt  }
0x75: {  	_ =	shalt  }
0x76: {  	_ =	shalt  }
0x77: {  	_ =	shalt  }
0x78: {  	_ =	shalt  }
0x79: {  	_ =	shalt  }
0x7a: {  	_ =	shalt  }
0x7b: {  	_ =	shalt  }
0x7c: {  	_ =	shalt  }
0x7d: {  	_ =	shalt  }
0x7e: {  	_ =	shalt  }
0x7f: {  	_ =	shalt  }
0x80: {  	_ =	shalt  }
0x81: {  	_ =	shalt  }
0x82: {  	_ =	shalt  }
0x83: {  	_ =	shalt  }
0x84: {  	_ =	shalt  }
0x85: {  	_ =	shalt  }
0x86: {  	_ =	shalt  }
0x87: {  	_ =	shalt  }
.Lfunc_end0:
.L_simem_size_0:
called_computation.6_lowered:
.L_overlay_start_0:
0x88: {  	s0 =	sld [smem:$0x3FD9]  }
0x89: {  	s1 =	sld [smem:$0x3FFE];
	_ =	sdelay $0x3  }
0x8a: {  	s0 =	sadd.s32 s1, s0  }
0x8b: {  	[smem:$0x3FC0] =	sst s0  }
0x8c: {  	_ = 	snop  }
0x8d: {  	s0 =	sld [smem:$0x3FD0];
	_ =	sdelay $0x2  }
0x8e: {  	s13 =	simm.s32 $0xD;
	s2 =	simm.s32 $0x10  }
0x8f: {  	[smem:s2], [sflag:s13] =	dma.local [hbm:s0], $0x1  }
0x90: {  	_ =	swait.eq [sflag:s13], $0x1  }
0x91: {  	[sflag:s13] =	ssyncset.done $0x0  }
0x92: {  	[sflag:s13] =	ssyncadd.s32 $0xFFFFFFFF  }
0x93: {  	s14 =	sld [smem:$0x12];
	(tm) =	ssettm $0x1  }
0x94: {  	s15 =	sld [smem:$0x3FFB];
	_ =	sdelay $0x3  }
0x95: {  	_ =	strace s15  }
0x96: {  	s1 =	sld [smem:$0x3FFC];
	_ =	sdelay $0x3  }
0x97: {  	_ =	strace s1  }
0x98: {  	s1 =	sld [smem:$0x3FFD];
	_ =	sdelay $0x3  }
0x99: {  	_ =	strace s1  }
0x9a: {  	_ =	strace $0x8FFFFFFF  }
0x9b: {  	s16 =	sld [smem:$0x3FDB];
	_ =	sdelay $0x1  }
0x9c: {  	s17 =	simm.s32 $_scs_section_size  }
0x9d: {  	s3 =	simm.s32 $_size__tile_overlayer_lowered;
	s4 =	simm.s32 $_tile_overlayer_lowered  }
0x9e: {  	s20 =	simm.s32 $0x1BFF;
	s19 =	sshll.u32 s4, $0x1;
	s1 =	sadd.s32 s17, s16  }
0x9f: {  	s5 =	simm.s32 $0x0;
	s18 =	sshll.u32 s3, $0x1;
	s3 =	sadd.s32 s19, s1  }
0xa0: {  	[timem:s5], [sflag:s20] =	dma.local [hbm:s3], s18  }
0xa1: {  	_ =	swait.ge [sflag:s20], s18  }
0xa2: {  	s2 =	ssub.s32 $0x0, s18;
	[sflag:s20] =	ssyncset.done $0x0  }
0xa3: {  	[sflag:s20] =	ssyncadd.s32 s2;
	_ =	sdelay $0x1  }
0xa4: {  	s21 =	simm.s32 $0x1B8B  }
0xa5: {  	_ =	swait.ge [sflag:s21], $0x1  }
0xa6: {  	[sflag:s21] =	ssyncset.done $0x0  }
0xa7: {  	s23 =	simm.s32 $0x1B8E;
	s22 =	sld [smem:$0x3FFE];
	[sflag:s21] =	ssyncadd.s32 $0xFFFFFFFF  }
0xa8: {  	s24 =	simm.s32 $execute0_lowered;
	[smem:$0x3FD2] =	sst s23  }
0xa9: {  	s3 =	sshll.u32 s24, $0x1;
	_ =	strace $0x8000005E;
	[dreg:$0x1] =	wrdreg $0xFFFFFFFF  }
0xaa: {  	s25 =	simm.s32 $_size_execute0_lowered;
	s1 =	sadd.s32 s1, s3;
	[dreg:$0x0] =	wrdreg $0x0  }
0xab: {  	s3 =	sshll.u32 s25, $0x1;
	[dreg:$0x2] =	wrdreg s1  }
0xac: {  	[dreg:$0x3] =	wrdreg s3  }
0xad: {  	[dreg:$0x4] =	wrdreg $0xC0  }
0xae: {  	_ =	task [dreg:s5], $0x5FFFF  }
0xaf: {  	[dreg:$0x1] =	wrdreg $0xFFFFFFFF  }
0xb0: {  	[dreg:$0x0] =	wrdreg $0x60  }
0xb1: {  	[dreg:$0x2] =	wrdreg s22  }
0xb2: {  	[dreg:$0x3] =	wrdreg s14  }
0xb3: {  	[dreg:$0x4] =	wrdreg $0xA  }
0xb4: {  	_ =	task.clear_ibuf [dreg:s5], $0x5FFFF;
	_ =	strace $0x9000005E  }
0xb5: {  	s26 =	simm.s32 $0xA;
	_ =	strace $0x80000060  }
0xb6: {  	_ =	swait.ge [sflag:s26], $0x1  }
0xb7: {  	[sflag:s26] =	ssyncadd.s32 $0xFFFFFFFF  }
0xb8: {  	_ =	strace $0x90000060  }
0xb9: {  	_ =	sfence  }
0xba: {  	s28 =	sld [smem:$0x0];
	_ =	sdelay $0x1  }
0xbb: {  	s29 =	srdreg.scid  }
0xbc: {  	s30 =	sshll.u32 s29, $0xD;
	s31 =	sshrl.u32 s29, $0x2  }
0xbd: {  	s2 =	sand.u32 $0x4000, s30;
	s1 =	sand.u32 $0x1, s29;
	s0 =	sadd.s32 s31, s28  }
0xbe: {  	s1 =	sor.u32 s2, s1;
	s0 =	sshll.u32 s0, $0x11  }
0xbf: {  	s0 =	sor.u32 s0, s1  }
0xc0: {  	s0 =	sadd.s32 $0x8F2B, s0  }
0xc1: {  	[sflag:s0] =	ssyncadd.remote.s32 $0x1  }
0xc2: {  	_ =	sfence.sel $0xFFFF  }
0xc3: {  	[dreg:$0x0] =	wrdreg $0xFFFFFFFF;
	(pc) =	sbr.abs _section_cstart, $3  }
0xc4: {  	[dreg:$0x1] =	wrdreg $0xFFFFFFFF  }
0xc5: {  	_ =	task.clear_ibuf [dreg:s5], $0x2FFFF;
	_ =	strace $0x9FFFFFFF  }
0xc6: {  	(tm) =	ssettm $0x7FFFFFFF  }
0xc7: {  	_ =	shalt  }
tec
execute0_lowered:
.L_overlay_start_1:
0x0: {  	(tag) =	ssettag $0x1  }
0x1: {  	s8 =	rddreg [dreg:$0x0]  }
0x2: {  	s2 =	rddreg [dreg:$0x1]  }
0x3: {  	s0 =	rddreg [dreg:$0x2]  }
0x4: {  	s1 =	stileid.u32;
	_ =	strace $0x8000005F;
	s5 =	simm.s32 $0x1  }
0x5: {  	s6 =	simm.s32 $0x500;
	s9 =	simm.s32 $0x1;
	s10 =	simm.s32 $0x3  }
0x6: {  	s13 =	simm.s32 $0x0;
	s12 =	simm.s32 $0x0;
	s4 =	smul.u32 $0x50, s1  }
0x7: {  	s3 =	sadd.s32 $0x3600, s8;
	p0 =	slt.u32 s1, $0xA;
	[sflag:s5] =	ssyncpa.u1 $0x0  }
.Ltmp0:
0x8: {  	s6 =	simm.s32 @!p0 $0x0;
	s7 =	ssub.s32 $0x7D0, s4;
	(pc) =	sbr.rel .LBB2_1-.Ltmp0, $4  }
0x9: {  	s9 =	simm.s32 @!p0 $0x0;
	p0 =	sne.s32 s7, s6;
	s7 =	simm.s32 $0x1  }
0xa: {  	s8 =	sadd.s32 $0x1000, s8;
	s6 =	simm.s32 $0x2;
	s7 =	simm.s32 @!p0 $0x0  }
0xb: {  	s11 =	smov.u32 s4;
	[sflag:s6] =	ssyncpa.u1 $0x0;
	s7 =	sadd.s32 s9, s7  }
0xc: {  	vm0 =	vmmov $0xffff;
	[sflag:s10] =	ssyncpa.u1 $0x0;
	s10 =	simm.s32 $0x0;
	s9 =	sadd.s32 $0x1, s7  }
.LBB2_4:
0xd: {  	v2 =	vnsel vm1, $0x0, v2  }
0xe: {  	vm1 =	vgt.s32 v0, $0x0;
	v2 =	vmin.u32 v2, $0x2FFF  }
0xf: {  	v0 =	vnsel vm1, $0x0, v0  }
0x10: {  	v0 =	vmin.u32 v0, $0x2FFF  }
0x11: {  	[tilespmem:s18], [sflag:$0x1] =	stream.indirect_vreg.gather [hbm4b:s3+s10], $0x1, v1, vm0, $0x4038;
	[tilespmem:$0x140] =	vst v63  }
0x12: {  	(ifvalue) =	ssetifvalue $0x7FFFFFFF  }
0x13: {  	[tilespmem:s15], [sflag:$0x1] =	stream.indirect_vreg.gather [hbm4b:s3+s10], $0x1, v2, vm0, $0x4038;
	[tilespmem:$0x140] =	vst v63  }
0x14: {  	s29 =	sadd.s32 $0x10, s15;
	(ifvalue) =	ssetifvalue $0x7FFFFFFF  }
0x15: {  	[tilespmem:s29], [sflag:$0x1] =	stream.indirect_vreg.gather [hbm4b:s3+s10], $0x1, v0, vm0, $0x4038;
	[tilespmem:$0x140] =	vst v63  }
0x16: {  	_ =	swait.ge [sflag:s5], $0x50  }
0x17: {  	s30 =	sshrl.u32 s13, $0x3;
	[sflag:s5] =	ssyncset.done $0x0  }
0x18: {  	s31 =	sand.u32 $0x7, s13;
	s15 =	sadd.s32 s8, s30;
	[sflag:s5] =	ssyncadd.s32 $0xFFFFFFB0  }
0x19: {  	[hbm4b:s15+s31] =	stream.linear.scatter [tilespmem:s14], [sflag:$0x3], $0x50, $0x38;
	[tilespmem:$0x140] =	vst v63  }
.LBB2_5:
0x1a: {  	s15 =	sadd.s32 $0x500, s11  }
0x1b: {  	p1 =	sgt.s32 s15, $0x7CF  }
0x1c: {  	s15 =	smov.u32 @p1 s4;
	p1 =	sne.s32 s12, s9  }
.Ltmp1:
0x1d: {  	p0 =	slt.u32 s12, $0x2;
	(pc) =	sbr.rel @!p1 .LBB2_6-.Ltmp1, $4  }
0x1e: {  	s14 =	simm.s32 @!p0 $0x3  }
0x1f: {  	_ =	swait.ge @!p0 [sflag:s14], $0x50  }
0x20: {  	s16 =	sadd.s32 $0x1, s12;
	s13 =	smov.u32 s11;
	[sflag:s14] =	ssyncset.done @!p0 $0x0  }
0x21: {  	s12 =	smov.u32 s16;
	s11 =	smov.u32 s15;
	[sflag:s14] =	ssyncadd.s32 @!p0 $0xFFFFFFB0  }
.LBB2_1:
0x22: {  	p0 =	sge.u32 s12, s7  }
0x23: {  	s14 =	sxor.u32 @!p0 $0x1, s12  }
0x24: {  	s14 =	smul.u32 @!p0 $0x140, s14  }
0x25: {  	s31 =	sadd.s32 $0xFFFFFFFF, s12;
	s15 =	sshrl.u32 @!p0 s11, $0x3  }
0x26: {  	s16 =	sand.u32 @!p0 $0x7, s11;
	s15 =	sadd.s32 @!p0 s2, s15;
	s14 =	sshra.s32 @!p0 s14, $0x2  }
0x27: {  	[tilespmem:s14], [sflag:$0x2] =	stream.linear.gather @!p0 [hbm4b:s15+s16], $0x50, $0x38;
	[tilespmem:$0x140] =	vst v63  }
0x28: {  	p0 =	sge.u32 s31, s7  }
.Ltmp2:
0x29: {  	_ = 	snop;
	(pc) =	sbr.rel @p0 .LBB2_5-.Ltmp2, $1  }
0x2a: {  	_ =	sdelay $0x3  }
0x2b: {  	s14 =	sand.u32 $0x1, s12  }
0x2c: {  	_ =	swait.ge [sflag:s6], $0x50;
	p0 =	seq.s32 s14, $0x1;
	s14 =	simm.s32 $0x50  }
0x2d: {  	[sflag:s6] =	ssyncset.done $0x0;
	s14 =	simm.s32 @!p0 $0x0  }
0x2e: {  	[sflag:s6] =	ssyncadd.s32 $0xFFFFFFB0;
	(ifvalue) =	ssetifvalue $0x7FFFFFFF;
	v0 =	vld.msk [tilespmem:s14+$0x0 ss:$0x1], $0xffff;
	_ =	sdelay $0x4  }
0x2f: {  	s15 =	sadd.s32 $0x10, s14;
	vm1 =	vgt.s32 v0, $0x0  }
0x30: {  	v2 =	vld.msk [tilespmem:s15+$0x0 ss:$0x1], $0xffff;
	v1 =	vnsel vm1, $0x0, v0  }
0x31: {  	v1 =	vmin.u32 v1, $0x2FFF;
	_ =	sdelay $0x2  }
0x32: {  	s17 =	simm.s32 $0x20;
	s14 =	sor.u32 $0xA0, s14;
	s16 =	sadd.s32 $0x10, s15  }
0x33: {  	s15 =	sadd.s32 $0x10, s14;
	s18 =	smov.u32 s14;
	v0 =	vld.msk [tilespmem:s16+$0x0 ss:$0x1], $0xffff;
	vm1 =	vgt.s32 v2, $0x0;
	(ifvalue) =	ssetifvalue $0x7FFFFFFF  }
.LBB2_3:
0x34: {  	[tilespmem:s18], [sflag:$0x1] =	stream.indirect_vreg.gather [hbm4b:s3+s10], $0x1, v1, vm0, $0x4038;
	[tilespmem:$0x140] =	vst v63  }
0x35: {  	s17 =	sadd.s32 $0x10, s17  }
0x36: {  	v2 =	vnsel vm1, $0x0, v2;
	p0 =	slt.u32 s17, $0x40  }
.Ltmp3:
0x37: {  	s18 =	smov.u32 s15;
	v1 =	vmin.u32 v2, $0x2FFF;
	(pc) =	sbr.rel @p0 .LBB2_3-.Ltmp3, $3  }
0x38: {  	_ =	sdelay $0x1  }
0x39: {  	s16 =	sadd.s32 $0x10, s16  }
0x3a: {  	vm1 =	vgt.s32 v0, $0x0;
	s15 =	sadd.s32 $0x10, s15;
	v2 =	vmov v0;
	(ifvalue) =	ssetifvalue $0x7FFFFFFF;
	v0 =	vld.msk [tilespmem:s16+$0x0 ss:$0x1], $0xffff  }
.Ltmp4:
0x3b: {  	_ = 	snop;
	(pc) =	sbr.rel .LBB2_4-.Ltmp4, $1  }
0x3c: {  	_ =	sdelay $0x3  }
.LBB2_6:
0x3d: {  	_ =	sfence.sel $0x180000  }
0x3e: {  	s2 =	simm.s32 $0x2;
	[bflag:$0x0] =	sbarrier.arrive $0xFFFF  }
0x3f: {  	s30 =	simm.s32 $0x3;
	[sflag:s2] =	ssyncpa.u1 $0x1  }
0x40: {  	s31 =	simm.s32 $0x1;
	[sflag:s30] =	ssyncpa.u1 $0x1  }
0x41: {  	[sflag:s31] =	ssyncpa.u1 $0x1  }
0x42: {  	p0 =	sne.s32 s1, $0x0;
	_ =	strace $0x9000005F  }
0x43: {  	s0 =	sadd.s32 @!p0 $0x100000, s0;
	[bflag:$0x2] =	sbarrier.arrive $0xFFFF  }
0x44: {  	[sflag:s0] =	ssyncadd.tile.s32 @!p0 $0x1;
	_ =	shalt  }
.Lfunc_end2:
_tile_overlayer_lowered:
.L_overlay_start_2:
0x45: {  	(tag) =	ssettag $0x2  }
0x46: {  	s0 =	rddreg [dreg:$0x0];
	s2 =	stileid.u32  }
0x47: {  	s1 =	rddreg [dreg:$0x1];
	p0 =	sne.s32 s2, $0x0  }
0x48: {  	s3 =	rddreg [dreg:$0x2];
	[bflag:$0x3] =	sbarrier.arrive $0xFFFF;
	s2 =	simm.s32 @!p0 $0x1C01  }
0x49: {  	[timem:s3], [sflag:s2] =	dma.local @!p0 [hbm:s0], s1  }
0x4a: {  	s0 =	simm.s32 @!p0 $0x1  }
0x4b: {  	_ =	swait.ge @!p0 [sflag:s0], s1  }
0x4c: {  	s1 =	ssub.s32 @!p0 $0x0, s1;
	[sflag:s0] =	ssyncset.done @!p0 $0x0  }
0x4d: {  	[sflag:s0] =	ssyncadd.s32 @!p0 s1  }
0x4e: {  	[bflag:$0x3] =	sbarrier.arrive $0xFFFF  }
0x4f: {  	_ =	shalt  }

// kernel: gather_offload_async_start.6
scs
__scs_entry_jumppad:
0x0: {  	(pc) =	sbr.rel $0x88, $3  }
0x1: {  	(tag) =	ssettag $0x0;
	lr =	simm.s32 $0x1  }
0x2: {  	[smem:$0x3F99] =	sst lr;
	_ =	strace $0xD0000000  }
0x3: {  	_ = 	snop  }
0x4: {  	_ = 	snop  }
0x5: {  	_ = 	snop  }
0x6: {  	_ = 	snop  }
0x7: {  	_ = 	snop  }
__scs_overlays_trampoline_lowered:
0x8: {  	[smem:$0x3FA8] =	sst s0  }
0x9: {  	[smem:$0x3FA9] =	sst s1  }
0xa: {  	[smem:$0x3FAA] =	sst s2  }
0xb: {  	[smem:$0x3FAB] =	sst s3  }
0xc: {  	[smem:$0x3FAC] =	sst s4  }
0xd: {  	[smem:$0x3FAD] =	sst s5  }
0xe: {  	[smem:$0x3FAE] =	sst s6  }
0xf: {  	[smem:$0x3FAF] =	sst s7  }
0x10: {  	[smem:$0x3FB0] =	sst s8  }
0x11: {  	[smem:$0x3FB1] =	sst s9;
	s0 =	simm.s32 @!p0 $0x0  }
0x12: {  	s1 =	sld [smem:$0x3F97];
	s0 =	simm.s32 @p0 $0x1  }
0x13: {  	[smem:$0x3FB2] =	sst s0;
	s0 =	simm.s32 @!p1 $0x0  }
0x14: {  	s2 =	sld [smem:$0x3F96];
	s0 =	simm.s32 @p1 $0x1  }
0x15: {  	[smem:$0x3FB3] =	sst s0;
	s0 =	simm.s32 @!p2 $0x0  }
0x16: {  	s3 =	sld [smem:$0x3FDB];
	s0 =	simm.s32 @p2 $0x1  }
0x17: {  	s4 =	simm.s32 $0x1BF5;
	[smem:$0x3FB5] =	sst s0  }
0x18: {  	s0 =	sld [smem:$0x3F98];
	_ =	swait.ge [sflag:s4], $0x0  }
0x19: {  	s7 =	sld [smem:$0x3F99]  }
0x1a: {  	s8 =	sadd.s32 $0xFFFFE003, lr  }
0x1b: {  	s9 =	sadd.s32 $0xFFFFFEF7, lr;
	s5 =	simm.s32 $0xFFFFFFFF;
	p2 =	slt.u32 s8, $0xFFFFF086  }
0x1c: {  	p1 =	slt.u32 s9, $0xF7A;
	s5 =	simm.s32 @!p2 $0x0  }
0x1d: {  	s5 =	simm.s32 @p1 $0x1;
	p0 =	seq.s32 s7, s2  }
0x1e: {  	s7 =	smul.u32 @!p0 $0xF7A, s2;
	p2 =	seq.s32 @!p0 s5, $0x0  }
0x1f: {  	s9 =	smul.u32 $0xF7A, s1;
	s8 =	simm.s32 @!p0 $0x1BF5;
	p2 =	por !p2, p0  }
0x20: {  	[sflag:s8] =	ssyncset.s32 @!p0 $0xFFFFF086;
	s6 =	sadd.s32 @!p0 s3, s7;
	s7 =	simm.s32 @!p0 $0x108  }
0x21: {  	s3 =	sadd.s32 s3, s9;
	s6 =	sadd.s32 @!p0 $0x88, s6;
	s7 =	simm.s32 @p2 $0x1082  }
0x22: {  	[simem:s7], [sflag:s8] =	dma.local @!p0 [hbm:s6], $0xF7A  }
0x23: {  	s9 =	sor.u32 $0xD0000000, s2;
	s6 =	simm.s32 $0x108;
	_ =	swait.ge @!p0 [sflag:s8], $0x0  }
0x24: {  	s3 =	sadd.s32 $0x88, s3;
	s6 =	simm.s32 @!p1 $0x1082;
	[sflag:s4] =	ssyncset.s32 $0xFFFFF086  }
0x25: {  	[simem:s6], [sflag:s4] =	dma.local [hbm:s3], $0xF7A  }
0x26: {  	[smem:$0x3F99] =	sst s1;
	(tag) =	ssettag s2;
	_ =	strace s9  }
0x27: {  	s1 =	sld [smem:$0x3FA9]  }
0x28: {  	s2 =	sld [smem:$0x3FAA]  }
0x29: {  	s4 =	sld [smem:$0x3FAC]  }
0x2a: {  	p0 =	seq.s32 s5, $0x0;
	s5 =	sld [smem:$0x3FAD]  }
0x2b: {  	s6 =	sld [smem:$0x3FAE]  }
0x2c: {  	s7 =	sld [smem:$0x3FAF]  }
0x2d: {  	s3 =	simm.s32 $0x108;
	s8 =	sld [smem:$0x3FB0]  }
0x2e: {  	s3 =	simm.s32 @!p0 $0x1082;
	s9 =	sld [smem:$0x3FB1]  }
0x2f: {  	lr =	sadd.s32 s0, s3;
	s0 =	sld [smem:$0x3FA8]  }
0x30: {  	s3 =	sld [smem:$0x3FAB]  }
0x31: {  	[smem:$0x3FB4] =	sst s10  }
0x32: {  	s10 =	sld [smem:$0x3FB2];
	_ =	sdelay $0x3  }
0x33: {  	p0 =	seq.s32 s10, $0x1;
	s10 =	sld [smem:$0x3FB4];
	_ =	sdelay $0x3  }
0x34: {  	[smem:$0x3FB4] =	sst s10  }
0x35: {  	s10 =	sld [smem:$0x3FB3];
	_ =	sdelay $0x3  }
0x36: {  	p1 =	seq.s32 s10, $0x1;
	s10 =	sld [smem:$0x3FB4];
	_ =	sdelay $0x3  }
0x37: {  	[smem:$0x3FB4] =	sst s10  }
0x38: {  	s10 =	sld [smem:$0x3FB5]  }
0x39: {  	_ = 	snop;
	(pc) =	sbr.ind lr, $3  }
0x3a: {  	_ = 	snop  }
0x3b: {  	_ = 	snop  }
0x3c: {  	p2 =	seq.s32 s10, $0x1;
	s10 =	sld [smem:$0x3FB4]  }
0x3d: {  	_ =	shalt  }
0x3e: {  	_ =	shalt  }
0x3f: {  	_ =	shalt  }
0x40: {  	_ =	shalt  }
0x41: {  	_ =	shalt  }
0x42: {  	_ =	shalt  }
0x43: {  	_ =	shalt  }
0x44: {  	_ =	shalt  }
0x45: {  	_ =	shalt  }
0x46: {  	_ =	shalt  }
0x47: {  	_ =	shalt  }
0x48: {  	_ =	shalt  }
0x49: {  	_ =	shalt  }
0x4a: {  	_ =	shalt  }
0x4b: {  	_ =	shalt  }
0x4c: {  	_ =	shalt  }
0x4d: {  	_ =	shalt  }
0x4e: {  	_ =	shalt  }
0x4f: {  	_ =	shalt  }
0x50: {  	_ =	shalt  }
0x51: {  	_ =	shalt  }
0x52: {  	_ =	shalt  }
0x53: {  	_ =	shalt  }
0x54: {  	_ =	shalt  }
0x55: {  	_ =	shalt  }
0x56: {  	_ =	shalt  }
0x57: {  	_ =	shalt  }
0x58: {  	_ =	shalt  }
0x59: {  	_ =	shalt  }
0x5a: {  	_ =	shalt  }
0x5b: {  	_ =	shalt  }
0x5c: {  	_ =	shalt  }
0x5d: {  	_ =	shalt  }
0x5e: {  	_ =	shalt  }
0x5f: {  	_ =	shalt  }
0x60: {  	_ =	shalt  }
0x61: {  	_ =	shalt  }
0x62: {  	_ =	shalt  }
0x63: {  	_ =	shalt  }
0x64: {  	_ =	shalt  }
0x65: {  	_ =	shalt  }
0x66: {  	_ =	shalt  }
0x67: {  	_ =	shalt  }
0x68: {  	_ =	shalt  }
0x69: {  	_ =	shalt  }
0x6a: {  	_ =	shalt  }
0x6b: {  	_ =	shalt  }
0x6c: {  	_ =	shalt  }
0x6d: {  	_ =	shalt  }
0x6e: {  	_ =	shalt  }
0x6f: {  	_ =	shalt  }
0x70: {  	_ =	shalt  }
0x71: {  	_ =	shalt  }
0x72: {  	_ =	shalt  }
0x73: {  	_ =	shalt  }
0x74: {  	_ =	shalt  }
0x75: {  	_ =	shalt  }
0x76: {  	_ =	shalt  }
0x77: {  	_ =	shalt  }
0x78: {  	_ =	shalt  }
0x79: {  	_ =	shalt  }
0x7a: {  	_ =	shalt  }
0x7b: {  	_ =	shalt  }
0x7c: {  	_ =	shalt  }
0x7d: {  	_ =	shalt  }
0x7e: {  	_ =	shalt  }
0x7f: {  	_ =	shalt  }
0x80: {  	_ =	shalt  }
0x81: {  	_ =	shalt  }
0x82: {  	_ =	shalt  }
0x83: {  	_ =	shalt  }
0x84: {  	_ =	shalt  }
0x85: {  	_ =	shalt  }
0x86: {  	_ =	shalt  }
0x87: {  	_ =	shalt  }
.Lfunc_end0:
.L_simem_size_0:
called_computation.7_lowered:
.L_overlay_start_0:
0x88: {  	s0 =	sld [smem:$0x3FD9]  }
0x89: {  	s1 =	sld [smem:$0x3FFE];
	_ =	sdelay $0x3  }
0x8a: {  	s0 =	sadd.s32 s1, s0  }
0x8b: {  	[smem:$0x3FC0] =	sst s0  }
0x8c: {  	_ = 	snop  }
0x8d: {  	s0 =	sld [smem:$0x3FD0];
	_ =	sdelay $0x2  }
0x8e: {  	s13 =	simm.s32 $0xD;
	s2 =	simm.s32 $0x10  }
0x8f: {  	[smem:s2], [sflag:s13] =	dma.local [hbm:s0], $0x1  }
0x90: {  	_ =	swait.eq [sflag:s13], $0x1  }
0x91: {  	[sflag:s13] =	ssyncset.done $0x0  }
0x92: {  	[sflag:s13] =	ssyncadd.s32 $0xFFFFFFFF  }
0x93: {  	s14 =	sld [smem:$0x12];
	(tm) =	ssettm $0x1  }
0x94: {  	s15 =	sld [smem:$0x3FFB];
	_ =	sdelay $0x3  }
0x95: {  	_ =	strace s15  }
0x96: {  	s1 =	sld [smem:$0x3FFC];
	_ =	sdelay $0x3  }
0x97: {  	_ =	strace s1  }
0x98: {  	s1 =	sld [smem:$0x3FFD];
	_ =	sdelay $0x3  }
0x99: {  	_ =	strace s1  }
0x9a: {  	_ =	strace $0x8FFFFFFF  }
0x9b: {  	s16 =	sld [smem:$0x3FDB];
	_ =	sdelay $0x1  }
0x9c: {  	s17 =	simm.s32 $_scs_section_size  }
0x9d: {  	s3 =	simm.s32 $_size__tile_overlayer_lowered;
	s4 =	simm.s32 $_tile_overlayer_lowered  }
0x9e: {  	s20 =	simm.s32 $0x1BFF;
	s19 =	sshll.u32 s4, $0x1;
	s1 =	sadd.s32 s17, s16  }
0x9f: {  	s5 =	simm.s32 $0x0;
	s18 =	sshll.u32 s3, $0x1;
	s3 =	sadd.s32 s19, s1  }
0xa0: {  	[timem:s5], [sflag:s20] =	dma.local [hbm:s3], s18  }
0xa1: {  	_ =	swait.ge [sflag:s20], s18  }
0xa2: {  	s2 =	ssub.s32 $0x0, s18;
	[sflag:s20] =	ssyncset.done $0x0  }
0xa3: {  	[sflag:s20] =	ssyncadd.s32 s2;
	_ =	sdelay $0x1  }
0xa4: {  	s21 =	simm.s32 $0x1B8B  }
0xa5: {  	_ =	swait.ge [sflag:s21], $0x1  }
0xa6: {  	[sflag:s21] =	ssyncset.done $0x0  }
0xa7: {  	s23 =	simm.s32 $0x1B8E;
	s22 =	sld [smem:$0x3FFE];
	[sflag:s21] =	ssyncadd.s32 $0xFFFFFFFF  }
0xa8: {  	s24 =	simm.s32 $execute0_lowered;
	[smem:$0x3FD2] =	sst s23  }
0xa9: {  	s3 =	sshll.u32 s24, $0x1;
	_ =	strace $0x8000005B;
	[dreg:$0x1] =	wrdreg $0xFFFFFFFF  }
0xaa: {  	s25 =	simm.s32 $_size_execute0_lowered;
	s1 =	sadd.s32 s1, s3;
	[dreg:$0x0] =	wrdreg $0x0  }
0xab: {  	s3 =	sshll.u32 s25, $0x1;
	[dreg:$0x2] =	wrdreg s1  }
0xac: {  	[dreg:$0x3] =	wrdreg s3  }
0xad: {  	[dreg:$0x4] =	wrdreg $0xC0  }
0xae: {  	_ =	task [dreg:s5], $0x5FFFF  }
0xaf: {  	[dreg:$0x1] =	wrdreg $0xFFFFFFFF  }
0xb0: {  	[dreg:$0x0] =	wrdreg $0x60  }
0xb1: {  	[dreg:$0x2] =	wrdreg s22  }
0xb2: {  	[dreg:$0x3] =	wrdreg s14  }
0xb3: {  	[dreg:$0x4] =	wrdreg $0xB  }
0xb4: {  	_ =	task.clear_ibuf [dreg:s5], $0x5FFFF;
	_ =	strace $0x9000005B  }
0xb5: {  	s26 =	simm.s32 $0xB;
	_ =	strace $0x8000005D  }
0xb6: {  	_ =	swait.ge [sflag:s26], $0x1  }
0xb7: {  	[sflag:s26] =	ssyncadd.s32 $0xFFFFFFFF  }
0xb8: {  	_ =	strace $0x9000005D  }
0xb9: {  	_ =	sfence  }
0xba: {  	s28 =	sld [smem:$0x0];
	_ =	sdelay $0x1  }
0xbb: {  	s29 =	srdreg.scid  }
0xbc: {  	s30 =	sshll.u32 s29, $0xD;
	s31 =	sshrl.u32 s29, $0x2  }
0xbd: {  	s2 =	sand.u32 $0x4000, s30;
	s1 =	sand.u32 $0x1, s29;
	s0 =	sadd.s32 s31, s28  }
0xbe: {  	s1 =	sor.u32 s2, s1;
	s0 =	sshll.u32 s0, $0x11  }
0xbf: {  	s0 =	sor.u32 s0, s1  }
0xc0: {  	s0 =	sadd.s32 $0x8F2B, s0  }
0xc1: {  	[sflag:s0] =	ssyncadd.remote.s32 $0x1  }
0xc2: {  	_ =	sfence.sel $0xFFFF  }
0xc3: {  	[dreg:$0x0] =	wrdreg $0xFFFFFFFF;
	(pc) =	sbr.abs _section_cstart, $3  }
0xc4: {  	[dreg:$0x1] =	wrdreg $0xFFFFFFFF  }
0xc5: {  	_ =	task.clear_ibuf [dreg:s5], $0x2FFFF;
	_ =	strace $0x9FFFFFFF  }
0xc6: {  	(tm) =	ssettm $0x7FFFFFFF  }
0xc7: {  	_ =	shalt  }
tec
execute0_lowered:
.L_overlay_start_1:
0x0: {  	(tag) =	ssettag $0x1  }
0x1: {  	s2 =	rddreg [dreg:$0x0]  }
0x2: {  	s3 =	rddreg [dreg:$0x1]  }
0x3: {  	s0 =	rddreg [dreg:$0x2];
	s1 =	stileid.u32;
	_ =	strace $0x8000005C  }
0x4: {  	s5 =	simm.s32 $0x1;
	s6 =	simm.s32 $0x500;
	s8 =	simm.s32 $0x1  }
0x5: {  	s9 =	simm.s32 $0x3;
	s10 =	simm.s32 $0x0;
	s4 =	smul.u32 $0x50, s1  }
0x6: {  	s13 =	simm.s32 $0x0;
	s12 =	simm.s32 $0x0;
	p0 =	slt.u32 s1, $0xA  }
.Ltmp0:
0x7: {  	s6 =	simm.s32 @!p0 $0x0;
	s7 =	ssub.s32 $0x7D0, s4;
	(pc) =	sbr.rel .LBB2_1-.Ltmp0, $4  }
0x8: {  	s8 =	simm.s32 @!p0 $0x0;
	p0 =	sne.s32 s7, s6;
	s7 =	simm.s32 $0x1  }
0x9: {  	[sflag:s5] =	ssyncpa.u1 $0x0;
	s6 =	simm.s32 $0x2;
	s7 =	simm.s32 @!p0 $0x0  }
0xa: {  	s11 =	smov.u32 s4;
	[sflag:s6] =	ssyncpa.u1 $0x0;
	s7 =	sadd.s32 s8, s7  }
0xb: {  	vm0 =	vmmov $0xffff;
	s8 =	sadd.s32 $0xE00, s2;
	[sflag:s9] =	ssyncpa.u1 $0x0;
	s9 =	sadd.s32 $0x1, s7  }
.LBB2_4:
0xc: {  	v2 =	vnsel vm1, $0x0, v2  }
0xd: {  	vm1 =	vgt.s32 v0, $0x0;
	v2 =	vmin.u32 v2, $0x2FFF  }
0xe: {  	v0 =	vnsel vm1, $0x0, v0  }
0xf: {  	v0 =	vmin.u32 v0, $0x2FFF  }
0x10: {  	[tilespmem:s18], [sflag:$0x1] =	stream.indirect_vreg.gather [hbm4b:s2+s10], $0x1, v1, vm0, $0x4038;
	[tilespmem:$0x140] =	vst v63  }
0x11: {  	(ifvalue) =	ssetifvalue $0x7FFFFFFF  }
0x12: {  	[tilespmem:s15], [sflag:$0x1] =	stream.indirect_vreg.gather [hbm4b:s2+s10], $0x1, v2, vm0, $0x4038;
	[tilespmem:$0x140] =	vst v63  }
0x13: {  	s29 =	sadd.s32 $0x10, s15;
	(ifvalue) =	ssetifvalue $0x7FFFFFFF  }
0x14: {  	[tilespmem:s29], [sflag:$0x1] =	stream.indirect_vreg.gather [hbm4b:s2+s10], $0x1, v0, vm0, $0x4038;
	[tilespmem:$0x140] =	vst v63  }
0x15: {  	_ =	swait.ge [sflag:s5], $0x50  }
0x16: {  	s30 =	sshrl.u32 s13, $0x3;
	[sflag:s5] =	ssyncset.done $0x0  }
0x17: {  	s31 =	sand.u32 $0x7, s13;
	s15 =	sadd.s32 s8, s30;
	[sflag:s5] =	ssyncadd.s32 $0xFFFFFFB0  }
0x18: {  	[hbm4b:s15+s31] =	stream.linear.scatter [tilespmem:s14], [sflag:$0x3], $0x50, $0x38;
	[tilespmem:$0x140] =	vst v63  }
.LBB2_5:
0x19: {  	s15 =	sadd.s32 $0x500, s11  }
0x1a: {  	p1 =	sgt.s32 s15, $0x7CF  }
0x1b: {  	s15 =	smov.u32 @p1 s4;
	p1 =	sne.s32 s12, s9  }
.Ltmp1:
0x1c: {  	p0 =	slt.u32 s12, $0x2;
	(pc) =	sbr.rel @!p1 .LBB2_6-.Ltmp1, $4  }
0x1d: {  	s14 =	simm.s32 @!p0 $0x3  }
0x1e: {  	_ =	swait.ge @!p0 [sflag:s14], $0x50  }
0x1f: {  	s16 =	sadd.s32 $0x1, s12;
	s13 =	smov.u32 s11;
	[sflag:s14] =	ssyncset.done @!p0 $0x0  }
0x20: {  	s12 =	smov.u32 s16;
	s11 =	smov.u32 s15;
	[sflag:s14] =	ssyncadd.s32 @!p0 $0xFFFFFFB0  }
.LBB2_1:
0x21: {  	p0 =	sge.u32 s12, s7  }
0x22: {  	s14 =	sxor.u32 @!p0 $0x1, s12  }
0x23: {  	s14 =	smul.u32 @!p0 $0x140, s14  }
0x24: {  	s31 =	sadd.s32 $0xFFFFFFFF, s12;
	s15 =	sshrl.u32 @!p0 s11, $0x3  }
0x25: {  	s16 =	sand.u32 @!p0 $0x7, s11;
	s15 =	sadd.s32 @!p0 s3, s15;
	s14 =	sshra.s32 @!p0 s14, $0x2  }
0x26: {  	[tilespmem:s14], [sflag:$0x2] =	stream.linear.gather @!p0 [hbm4b:s15+s16], $0x50, $0x38;
	[tilespmem:$0x140] =	vst v63  }
0x27: {  	p0 =	sge.u32 s31, s7  }
.Ltmp2:
0x28: {  	_ = 	snop;
	(pc) =	sbr.rel @p0 .LBB2_5-.Ltmp2, $1  }
0x29: {  	_ =	sdelay $0x3  }
0x2a: {  	s14 =	sand.u32 $0x1, s12  }
0x2b: {  	_ =	swait.ge [sflag:s6], $0x50;
	p0 =	seq.s32 s14, $0x1;
	s14 =	simm.s32 $0x50  }
0x2c: {  	[sflag:s6] =	ssyncset.done $0x0;
	s14 =	simm.s32 @!p0 $0x0  }
0x2d: {  	[sflag:s6] =	ssyncadd.s32 $0xFFFFFFB0;
	(ifvalue) =	ssetifvalue $0x7FFFFFFF;
	v0 =	vld.msk [tilespmem:s14+$0x0 ss:$0x1], $0xffff;
	_ =	sdelay $0x4  }
0x2e: {  	s15 =	sadd.s32 $0x10, s14;
	vm1 =	vgt.s32 v0, $0x0  }
0x2f: {  	v2 =	vld.msk [tilespmem:s15+$0x0 ss:$0x1], $0xffff;
	v1 =	vnsel vm1, $0x0, v0  }
0x30: {  	v1 =	vmin.u32 v1, $0x2FFF;
	_ =	sdelay $0x2  }
0x31: {  	s17 =	simm.s32 $0x20;
	s14 =	sor.u32 $0xA0, s14;
	s16 =	sadd.s32 $0x10, s15  }
0x32: {  	s15 =	sadd.s32 $0x10, s14;
	s18 =	smov.u32 s14;
	v0 =	vld.msk [tilespmem:s16+$0x0 ss:$0x1], $0xffff;
	vm1 =	vgt.s32 v2, $0x0;
	(ifvalue) =	ssetifvalue $0x7FFFFFFF  }
.LBB2_3:
0x33: {  	[tilespmem:s18], [sflag:$0x1] =	stream.indirect_vreg.gather [hbm4b:s2+s10], $0x1, v1, vm0, $0x4038;
	[tilespmem:$0x140] =	vst v63  }
0x34: {  	s17 =	sadd.s32 $0x10, s17  }
0x35: {  	v2 =	vnsel vm1, $0x0, v2;
	p0 =	slt.u32 s17, $0x40  }
.Ltmp3:
0x36: {  	s18 =	smov.u32 s15;
	v1 =	vmin.u32 v2, $0x2FFF;
	(pc) =	sbr.rel @p0 .LBB2_3-.Ltmp3, $3  }
0x37: {  	_ =	sdelay $0x1  }
0x38: {  	s16 =	sadd.s32 $0x10, s16  }
0x39: {  	vm1 =	vgt.s32 v0, $0x0;
	s15 =	sadd.s32 $0x10, s15;
	v2 =	vmov v0;
	(ifvalue) =	ssetifvalue $0x7FFFFFFF;
	v0 =	vld.msk [tilespmem:s16+$0x0 ss:$0x1], $0xffff  }
.Ltmp4:
0x3a: {  	_ = 	snop;
	(pc) =	sbr.rel .LBB2_4-.Ltmp4, $1  }
0x3b: {  	_ =	sdelay $0x3  }
.LBB2_6:
0x3c: {  	_ =	sfence.sel $0x180000  }
0x3d: {  	s2 =	simm.s32 $0x2;
	[bflag:$0x0] =	sbarrier.arrive $0xFFFF  }
0x3e: {  	s30 =	simm.s32 $0x3;
	[sflag:s2] =	ssyncpa.u1 $0x1  }
0x3f: {  	s31 =	simm.s32 $0x1;
	[sflag:s30] =	ssyncpa.u1 $0x1  }
0x40: {  	[sflag:s31] =	ssyncpa.u1 $0x1  }
0x41: {  	p0 =	sne.s32 s1, $0x0;
	_ =	strace $0x9000005C  }
0x42: {  	s0 =	sadd.s32 @!p0 $0x100000, s0;
	[bflag:$0x2] =	sbarrier.arrive $0xFFFF  }
0x43: {  	[sflag:s0] =	ssyncadd.tile.s32 @!p0 $0x1;
	_ =	shalt  }
.Lfunc_end2:
_tile_overlayer_lowered:
.L_overlay_start_2:
0x44: {  	(tag) =	ssettag $0x2  }
0x45: {  	s0 =	rddreg [dreg:$0x0];
	s2 =	stileid.u32  }
0x46: {  	s1 =	rddreg [dreg:$0x1];
	p0 =	sne.s32 s2, $0x0  }
0x47: {  	s3 =	rddreg [dreg:$0x2];
	[bflag:$0x3] =	sbarrier.arrive $0xFFFF;
	s2 =	simm.s32 @!p0 $0x1C01  }
0x48: {  	[timem:s3], [sflag:s2] =	dma.local @!p0 [hbm:s0], s1  }
0x49: {  	s0 =	simm.s32 @!p0 $0x1  }
0x4a: {  	_ =	swait.ge @!p0 [sflag:s0], s1  }
0x4b: {  	s1 =	ssub.s32 @!p0 $0x0, s1;
	[sflag:s0] =	ssyncset.done @!p0 $0x0  }
0x4c: {  	[sflag:s0] =	ssyncadd.s32 @!p0 s1  }
0x4d: {  	[bflag:$0x3] =	sbarrier.arrive $0xFFFF  }
0x4e: {  	_ =	shalt  }

// kernel: gather_offload_async_start.7
scs
__scs_entry_jumppad:
0x0: {  	(pc) =	sbr.rel $0x88, $3  }
0x1: {  	(tag) =	ssettag $0x0;
	lr =	simm.s32 $0x1  }
0x2: {  	[smem:$0x3F99] =	sst lr;
	_ =	strace $0xD0000000  }
0x3: {  	_ = 	snop  }
0x4: {  	_ = 	snop  }
0x5: {  	_ = 	snop  }
0x6: {  	_ = 	snop  }
0x7: {  	_ = 	snop  }
__scs_overlays_trampoline_lowered:
0x8: {  	[smem:$0x3FA8] =	sst s0  }
0x9: {  	[smem:$0x3FA9] =	sst s1  }
0xa: {  	[smem:$0x3FAA] =	sst s2  }
0xb: {  	[smem:$0x3FAB] =	sst s3  }
0xc: {  	[smem:$0x3FAC] =	sst s4  }
0xd: {  	[smem:$0x3FAD] =	sst s5  }
0xe: {  	[smem:$0x3FAE] =	sst s6  }
0xf: {  	[smem:$0x3FAF] =	sst s7  }
0x10: {  	[smem:$0x3FB0] =	sst s8  }
0x11: {  	[smem:$0x3FB1] =	sst s9;
	s0 =	simm.s32 @!p0 $0x0  }
0x12: {  	s1 =	sld [smem:$0x3F97];
	s0 =	simm.s32 @p0 $0x1  }
0x13: {  	[smem:$0x3FB2] =	sst s0;
	s0 =	simm.s32 @!p1 $0x0  }
0x14: {  	s2 =	sld [smem:$0x3F96];
	s0 =	simm.s32 @p1 $0x1  }
0x15: {  	[smem:$0x3FB3] =	sst s0;
	s0 =	simm.s32 @!p2 $0x0  }
0x16: {  	s3 =	sld [smem:$0x3FDB];
	s0 =	simm.s32 @p2 $0x1  }
0x17: {  	s4 =	simm.s32 $0x1BF5;
	[smem:$0x3FB5] =	sst s0  }
0x18: {  	s0 =	sld [smem:$0x3F98];
	_ =	swait.ge [sflag:s4], $0x0  }
0x19: {  	s7 =	sld [smem:$0x3F99]  }
0x1a: {  	s8 =	sadd.s32 $0xFFFFE003, lr  }
0x1b: {  	s9 =	sadd.s32 $0xFFFFFEF7, lr;
	s5 =	simm.s32 $0xFFFFFFFF;
	p2 =	slt.u32 s8, $0xFFFFF086  }
0x1c: {  	p1 =	slt.u32 s9, $0xF7A;
	s5 =	simm.s32 @!p2 $0x0  }
0x1d: {  	s5 =	simm.s32 @p1 $0x1;
	p0 =	seq.s32 s7, s2  }
0x1e: {  	s7 =	smul.u32 @!p0 $0xF7A, s2;
	p2 =	seq.s32 @!p0 s5, $0x0  }
0x1f: {  	s9 =	smul.u32 $0xF7A, s1;
	s8 =	simm.s32 @!p0 $0x1BF5;
	p2 =	por !p2, p0  }
0x20: {  	[sflag:s8] =	ssyncset.s32 @!p0 $0xFFFFF086;
	s6 =	sadd.s32 @!p0 s3, s7;
	s7 =	simm.s32 @!p0 $0x108  }
0x21: {  	s3 =	sadd.s32 s3, s9;
	s6 =	sadd.s32 @!p0 $0x88, s6;
	s7 =	simm.s32 @p2 $0x1082  }
0x22: {  	[simem:s7], [sflag:s8] =	dma.local @!p0 [hbm:s6], $0xF7A  }
0x23: {  	s9 =	sor.u32 $0xD0000000, s2;
	s6 =	simm.s32 $0x108;
	_ =	swait.ge @!p0 [sflag:s8], $0x0  }
0x24: {  	s3 =	sadd.s32 $0x88, s3;
	s6 =	simm.s32 @!p1 $0x1082;
	[sflag:s4] =	ssyncset.s32 $0xFFFFF086  }
0x25: {  	[simem:s6], [sflag:s4] =	dma.local [hbm:s3], $0xF7A  }
0x26: {  	[smem:$0x3F99] =	sst s1;
	(tag) =	ssettag s2;
	_ =	strace s9  }
0x27: {  	s1 =	sld [smem:$0x3FA9]  }
0x28: {  	s2 =	sld [smem:$0x3FAA]  }
0x29: {  	s4 =	sld [smem:$0x3FAC]  }
0x2a: {  	p0 =	seq.s32 s5, $0x0;
	s5 =	sld [smem:$0x3FAD]  }
0x2b: {  	s6 =	sld [smem:$0x3FAE]  }
0x2c: {  	s7 =	sld [smem:$0x3FAF]  }
0x2d: {  	s3 =	simm.s32 $0x108;
	s8 =	sld [smem:$0x3FB0]  }
0x2e: {  	s3 =	simm.s32 @!p0 $0x1082;
	s9 =	sld [smem:$0x3FB1]  }
0x2f: {  	lr =	sadd.s32 s0, s3;
	s0 =	sld [smem:$0x3FA8]  }
0x30: {  	s3 =	sld [smem:$0x3FAB]  }
0x31: {  	[smem:$0x3FB4] =	sst s10  }
0x32: {  	s10 =	sld [smem:$0x3FB2];
	_ =	sdelay $0x3  }
0x33: {  	p0 =	seq.s32 s10, $0x1;
	s10 =	sld [smem:$0x3FB4];
	_ =	sdelay $0x3  }
0x34: {  	[smem:$0x3FB4] =	sst s10  }
0x35: {  	s10 =	sld [smem:$0x3FB3];
	_ =	sdelay $0x3  }
0x36: {  	p1 =	seq.s32 s10, $0x1;
	s10 =	sld [smem:$0x3FB4];
	_ =	sdelay $0x3  }
0x37: {  	[smem:$0x3FB4] =	sst s10  }
0x38: {  	s10 =	sld [smem:$0x3FB5]  }
0x39: {  	_ = 	snop;
	(pc) =	sbr.ind lr, $3  }
0x3a: {  	_ = 	snop  }
0x3b: {  	_ = 	snop  }
0x3c: {  	p2 =	seq.s32 s10, $0x1;
	s10 =	sld [smem:$0x3FB4]  }
0x3d: {  	_ =	shalt  }
0x3e: {  	_ =	shalt  }
0x3f: {  	_ =	shalt  }
0x40: {  	_ =	shalt  }
0x41: {  	_ =	shalt  }
0x42: {  	_ =	shalt  }
0x43: {  	_ =	shalt  }
0x44: {  	_ =	shalt  }
0x45: {  	_ =	shalt  }
0x46: {  	_ =	shalt  }
0x47: {  	_ =	shalt  }
0x48: {  	_ =	shalt  }
0x49: {  	_ =	shalt  }
0x4a: {  	_ =	shalt  }
0x4b: {  	_ =	shalt  }
0x4c: {  	_ =	shalt  }
0x4d: {  	_ =	shalt  }
0x4e: {  	_ =	shalt  }
0x4f: {  	_ =	shalt  }
0x50: {  	_ =	shalt  }
0x51: {  	_ =	shalt  }
0x52: {  	_ =	shalt  }
0x53: {  	_ =	shalt  }
0x54: {  	_ =	shalt  }
0x55: {  	_ =	shalt  }
0x56: {  	_ =	shalt  }
0x57: {  	_ =	shalt  }
0x58: {  	_ =	shalt  }
0x59: {  	_ =	shalt  }
0x5a: {  	_ =	shalt  }
0x5b: {  	_ =	shalt  }
0x5c: {  	_ =	shalt  }
0x5d: {  	_ =	shalt  }
0x5e: {  	_ =	shalt  }
0x5f: {  	_ =	shalt  }
0x60: {  	_ =	shalt  }
0x61: {  	_ =	shalt  }
0x62: {  	_ =	shalt  }
0x63: {  	_ =	shalt  }
0x64: {  	_ =	shalt  }
0x65: {  	_ =	shalt  }
0x66: {  	_ =	shalt  }
0x67: {  	_ =	shalt  }
0x68: {  	_ =	shalt  }
0x69: {  	_ =	shalt  }
0x6a: {  	_ =	shalt  }
0x6b: {  	_ =	shalt  }
0x6c: {  	_ =	shalt  }
0x6d: {  	_ =	shalt  }
0x6e: {  	_ =	shalt  }
0x6f: {  	_ =	shalt  }
0x70: {  	_ =	shalt  }
0x71: {  	_ =	shalt  }
0x72: {  	_ =	shalt  }
0x73: {  	_ =	shalt  }
0x74: {  	_ =	shalt  }
0x75: {  	_ =	shalt  }
0x76: {  	_ =	shalt  }
0x77: {  	_ =	shalt  }
0x78: {  	_ =	shalt  }
0x79: {  	_ =	shalt  }
0x7a: {  	_ =	shalt  }
0x7b: {  	_ =	shalt  }
0x7c: {  	_ =	shalt  }
0x7d: {  	_ =	shalt  }
0x7e: {  	_ =	shalt  }
0x7f: {  	_ =	shalt  }
0x80: {  	_ =	shalt  }
0x81: {  	_ =	shalt  }
0x82: {  	_ =	shalt  }
0x83: {  	_ =	shalt  }
0x84: {  	_ =	shalt  }
0x85: {  	_ =	shalt  }
0x86: {  	_ =	shalt  }
0x87: {  	_ =	shalt  }
.Lfunc_end0:
.L_simem_size_0:
called_computation.8_lowered:
.L_overlay_start_0:
0x88: {  	s0 =	sld [smem:$0x3FD9]  }
0x89: {  	s1 =	sld [smem:$0x3FFE];
	_ =	sdelay $0x3  }
0x8a: {  	s0 =	sadd.s32 s1, s0  }
0x8b: {  	[smem:$0x3FC0] =	sst s0  }
0x8c: {  	_ = 	snop  }
0x8d: {  	s0 =	sld [smem:$0x3FD0];
	_ =	sdelay $0x2  }
0x8e: {  	s13 =	simm.s32 $0xD;
	s2 =	simm.s32 $0x10  }
0x8f: {  	[smem:s2], [sflag:s13] =	dma.local [hbm:s0], $0x1  }
0x90: {  	_ =	swait.eq [sflag:s13], $0x1  }
0x91: {  	[sflag:s13] =	ssyncset.done $0x0  }
0x92: {  	s14 =	sld [smem:$0x12];
	[sflag:s13] =	ssyncadd.s32 $0xFFFFFFFF  }
0x93: {  	s15 =	sld [smem:$0x14];
	(tm) =	ssettm $0x1  }
0x94: {  	s16 =	sld [smem:$0x3FFB];
	_ =	sdelay $0x3  }
0x95: {  	_ =	strace s16  }
0x96: {  	s2 =	sld [smem:$0x3FFC];
	_ =	sdelay $0x3  }
0x97: {  	_ =	strace s2  }
0x98: {  	s2 =	sld [smem:$0x3FFD];
	_ =	sdelay $0x3  }
0x99: {  	_ =	strace s2  }
0x9a: {  	_ =	strace $0x8FFFFFFF  }
0x9b: {  	s17 =	sld [smem:$0x3FDB];
	_ =	sdelay $0x1  }
0x9c: {  	s3 =	simm.s32 $_scs_section_size  }
0x9d: {  	s4 =	simm.s32 $_size__tile_overlayer_lowered;
	s5 =	simm.s32 $_tile_overlayer_lowered  }
0x9e: {  	s20 =	simm.s32 $0x1BFF;
	s19 =	sshll.u32 s5, $0x1;
	s2 =	sadd.s32 s3, s17  }
0x9f: {  	s6 =	simm.s32 $0x0;
	s18 =	sshll.u32 s4, $0x1;
	s4 =	sadd.s32 s19, s2  }
0xa0: {  	[timem:s6], [sflag:s20] =	dma.local [hbm:s4], s18  }
0xa1: {  	_ =	swait.ge [sflag:s20], s18  }
0xa2: {  	s3 =	ssub.s32 $0x0, s18;
	[sflag:s20] =	ssyncset.done $0x0  }
0xa3: {  	[sflag:s20] =	ssyncadd.s32 s3;
	_ =	sdelay $0x1  }
0xa4: {  	s21 =	simm.s32 $0x1B8B  }
0xa5: {  	_ =	swait.ge [sflag:s21], $0x1  }
0xa6: {  	[sflag:s21] =	ssyncset.done $0x0  }
0xa7: {  	s23 =	simm.s32 $0x1B8E;
	s22 =	sld [smem:$0x3FFE];
	[sflag:s21] =	ssyncadd.s32 $0xFFFFFFFF  }
0xa8: {  	s24 =	simm.s32 $execute0_lowered;
	[smem:$0x3FD2] =	sst s23  }
0xa9: {  	s4 =	sshll.u32 s24, $0x1;
	_ =	strace $0x80000058;
	[dreg:$0x1] =	wrdreg $0xFFFFFFFF  }
0xaa: {  	s25 =	simm.s32 $_size_execute0_lowered;
	s2 =	sadd.s32 s2, s4;
	[dreg:$0x0] =	wrdreg $0x0  }
0xab: {  	s4 =	sshll.u32 s25, $0x1;
	[dreg:$0x2] =	wrdreg s2  }
0xac: {  	[dreg:$0x3] =	wrdreg s4  }
0xad: {  	[dreg:$0x4] =	wrdreg $0xC0  }
0xae: {  	_ =	task [dreg:s6], $0x5FFFF  }
0xaf: {  	[dreg:$0x1] =	wrdreg $0xFFFFFFFF  }
0xb0: {  	[dreg:$0x0] =	wrdreg $0x60  }
0xb1: {  	[dreg:$0x2] =	wrdreg s15  }
0xb2: {  	[dreg:$0x3] =	wrdreg s14  }
0xb3: {  	[dreg:$0x4] =	wrdreg s22  }
0xb4: {  	[dreg:$0x5] =	wrdreg $0xC  }
0xb5: {  	_ =	task.clear_ibuf [dreg:s6], $0x6FFFF;
	_ =	strace $0x90000058  }
0xb6: {  	s26 =	simm.s32 $0xC;
	_ =	strace $0x8000005A  }
0xb7: {  	_ =	swait.ge [sflag:s26], $0x1  }
0xb8: {  	[sflag:s26] =	ssyncadd.s32 $0xFFFFFFFF  }
0xb9: {  	_ =	strace $0x9000005A  }
0xba: {  	_ =	sfence  }
0xbb: {  	s28 =	sld [smem:$0x0];
	_ =	sdelay $0x1  }
0xbc: {  	s29 =	srdreg.scid  }
0xbd: {  	s30 =	sshll.u32 s29, $0xD;
	s31 =	sshrl.u32 s29, $0x2  }
0xbe: {  	s1 =	sand.u32 $0x1, s29;
	s2 =	sand.u32 $0x4000, s30;
	s0 =	sadd.s32 s31, s28  }
0xbf: {  	s1 =	sor.u32 s2, s1;
	s0 =	sshll.u32 s0, $0x11  }
0xc0: {  	s0 =	sor.u32 s0, s1  }
0xc1: {  	s0 =	sadd.s32 $0x8F2B, s0  }
0xc2: {  	[sflag:s0] =	ssyncadd.remote.s32 $0x1  }
0xc3: {  	_ =	sfence.sel $0xFFFF  }
0xc4: {  	[dreg:$0x0] =	wrdreg $0xFFFFFFFF;
	(pc) =	sbr.abs _section_cstart, $3  }
0xc5: {  	[dreg:$0x1] =	wrdreg $0xFFFFFFFF  }
0xc6: {  	_ =	task.clear_ibuf [dreg:s6], $0x2FFFF;
	_ =	strace $0x9FFFFFFF  }
0xc7: {  	(tm) =	ssettm $0x7FFFFFFF  }
tec
execute0_lowered:
.L_overlay_start_1:
0x0: {  	(tag) =	ssettag $0x1  }
0x1: {  	s2 =	rddreg [dreg:$0x0]  }
0x2: {  	s3 =	rddreg [dreg:$0x1]  }
0x3: {  	s8 =	rddreg [dreg:$0x2]  }
0x4: {  	s0 =	rddreg [dreg:$0x3];
	s1 =	stileid.u32;
	_ =	strace $0x80000059  }
0x5: {  	s5 =	simm.s32 $0x1;
	s6 =	simm.s32 $0x500;
	s9 =	simm.s32 $0x1  }
0x6: {  	s10 =	simm.s32 $0x3;
	s13 =	simm.s32 $0x0;
	s4 =	smul.u32 $0x50, s1  }
0x7: {  	s12 =	simm.s32 $0x0;
	p0 =	slt.u32 s1, $0xA;
	[sflag:s5] =	ssyncpa.u1 $0x0  }
.Ltmp0:
0x8: {  	s6 =	simm.s32 @!p0 $0x0;
	s7 =	ssub.s32 $0x7D0, s4;
	(pc) =	sbr.rel .LBB2_1-.Ltmp0, $4  }
0x9: {  	s9 =	simm.s32 @!p0 $0x0;
	p0 =	sne.s32 s7, s6;
	s7 =	simm.s32 $0x1  }
0xa: {  	s8 =	sadd.s32 $0xC00, s8;
	s6 =	simm.s32 $0x2;
	s7 =	simm.s32 @!p0 $0x0  }
0xb: {  	s11 =	smov.u32 s4;
	[sflag:s6] =	ssyncpa.u1 $0x0;
	s7 =	sadd.s32 s9, s7  }
0xc: {  	vm0 =	vmmov $0xffff;
	[sflag:s10] =	ssyncpa.u1 $0x0;
	s10 =	simm.s32 $0x0;
	s9 =	sadd.s32 $0x1, s7  }
.LBB2_4:
0xd: {  	v2 =	vnsel vm1, $0x0, v2  }
0xe: {  	vm1 =	vgt.s32 v0, $0x0;
	v2 =	vmin.u32 v2, $0x2FFF  }
0xf: {  	v0 =	vnsel vm1, $0x0, v0  }
0x10: {  	v0 =	vmin.u32 v0, $0x2FFF  }
0x11: {  	[tilespmem:s18], [sflag:$0x1] =	stream.indirect_vreg.gather [hbm4b:s2+s10], $0x1, v1, vm0, $0x4038;
	[tilespmem:$0x140] =	vst v63  }
0x12: {  	(ifvalue) =	ssetifvalue $0x7FFFFFFF  }
0x13: {  	[tilespmem:s15], [sflag:$0x1] =	stream.indirect_vreg.gather [hbm4b:s2+s10], $0x1, v2, vm0, $0x4038;
	[tilespmem:$0x140] =	vst v63  }
0x14: {  	s29 =	sadd.s32 $0x10, s15;
	(ifvalue) =	ssetifvalue $0x7FFFFFFF  }
0x15: {  	[tilespmem:s29], [sflag:$0x1] =	stream.indirect_vreg.gather [hbm4b:s2+s10], $0x1, v0, vm0, $0x4038;
	[tilespmem:$0x140] =	vst v63  }
0x16: {  	_ =	swait.ge [sflag:s5], $0x50  }
0x17: {  	s30 =	sshrl.u32 s13, $0x3;
	[sflag:s5] =	ssyncset.done $0x0  }
0x18: {  	s31 =	sand.u32 $0x7, s13;
	s15 =	sadd.s32 s8, s30;
	[sflag:s5] =	ssyncadd.s32 $0xFFFFFFB0  }
0x19: {  	[hbm4b:s15+s31] =	stream.linear.scatter [tilespmem:s14], [sflag:$0x3], $0x50, $0x38;
	[tilespmem:$0x140] =	vst v63  }
.LBB2_5:
0x1a: {  	s15 =	sadd.s32 $0x500, s11  }
0x1b: {  	p1 =	sgt.s32 s15, $0x7CF  }
0x1c: {  	s15 =	smov.u32 @p1 s4;
	p1 =	sne.s32 s12, s9  }
.Ltmp1:
0x1d: {  	p0 =	slt.u32 s12, $0x2;
	(pc) =	sbr.rel @!p1 .LBB2_6-.Ltmp1, $4  }
0x1e: {  	s14 =	simm.s32 @!p0 $0x3  }
0x1f: {  	_ =	swait.ge @!p0 [sflag:s14], $0x50  }
0x20: {  	s16 =	sadd.s32 $0x1, s12;
	s13 =	smov.u32 s11;
	[sflag:s14] =	ssyncset.done @!p0 $0x0  }
0x21: {  	s12 =	smov.u32 s16;
	s11 =	smov.u32 s15;
	[sflag:s14] =	ssyncadd.s32 @!p0 $0xFFFFFFB0  }
.LBB2_1:
0x22: {  	p0 =	sge.u32 s12, s7  }
0x23: {  	s14 =	sxor.u32 @!p0 $0x1, s12  }
0x24: {  	s14 =	smul.u32 @!p0 $0x140, s14  }
0x25: {  	s31 =	sadd.s32 $0xFFFFFFFF, s12;
	s15 =	sshrl.u32 @!p0 s11, $0x3  }
0x26: {  	s16 =	sand.u32 @!p0 $0x7, s11;
	s15 =	sadd.s32 @!p0 s3, s15;
	s14 =	sshra.s32 @!p0 s14, $0x2  }
0x27: {  	[tilespmem:s14], [sflag:$0x2] =	stream.linear.gather @!p0 [hbm4b:s15+s16], $0x50, $0x38;
	[tilespmem:$0x140] =	vst v63  }
0x28: {  	p0 =	sge.u32 s31, s7  }
.Ltmp2:
0x29: {  	_ = 	snop;
	(pc) =	sbr.rel @p0 .LBB2_5-.Ltmp2, $1  }
0x2a: {  	_ =	sdelay $0x3  }
0x2b: {  	s14 =	sand.u32 $0x1, s12  }
0x2c: {  	_ =	swait.ge [sflag:s6], $0x50;
	p0 =	seq.s32 s14, $0x1;
	s14 =	simm.s32 $0x50  }
0x2d: {  	[sflag:s6] =	ssyncset.done $0x0;
	s14 =	simm.s32 @!p0 $0x0  }
0x2e: {  	[sflag:s6] =	ssyncadd.s32 $0xFFFFFFB0;
	(ifvalue) =	ssetifvalue $0x7FFFFFFF;
	v0 =	vld.msk [tilespmem:s14+$0x0 ss:$0x1], $0xffff;
	_ =	sdelay $0x4  }
0x2f: {  	s15 =	sadd.s32 $0x10, s14;
	vm1 =	vgt.s32 v0, $0x0  }
0x30: {  	v2 =	vld.msk [tilespmem:s15+$0x0 ss:$0x1], $0xffff;
	v1 =	vnsel vm1, $0x0, v0  }
0x31: {  	v1 =	vmin.u32 v1, $0x2FFF;
	_ =	sdelay $0x2  }
0x32: {  	s17 =	simm.s32 $0x20;
	s14 =	sor.u32 $0xA0, s14;
	s16 =	sadd.s32 $0x10, s15  }
0x33: {  	s15 =	sadd.s32 $0x10, s14;
	s18 =	smov.u32 s14;
	v0 =	vld.msk [tilespmem:s16+$0x0 ss:$0x1], $0xffff;
	vm1 =	vgt.s32 v2, $0x0;
	(ifvalue) =	ssetifvalue $0x7FFFFFFF  }
.LBB2_3:
0x34: {  	[tilespmem:s18], [sflag:$0x1] =	stream.indirect_vreg.gather [hbm4b:s2+s10], $0x1, v1, vm0, $0x4038;
	[tilespmem:$0x140] =	vst v63  }
0x35: {  	s17 =	sadd.s32 $0x10, s17  }
0x36: {  	v2 =	vnsel vm1, $0x0, v2;
	p0 =	slt.u32 s17, $0x40  }
.Ltmp3:
0x37: {  	s18 =	smov.u32 s15;
	v1 =	vmin.u32 v2, $0x2FFF;
	(pc) =	sbr.rel @p0 .LBB2_3-.Ltmp3, $3  }
0x38: {  	_ =	sdelay $0x1  }
0x39: {  	s16 =	sadd.s32 $0x10, s16  }
0x3a: {  	vm1 =	vgt.s32 v0, $0x0;
	s15 =	sadd.s32 $0x10, s15;
	v2 =	vmov v0;
	(ifvalue) =	ssetifvalue $0x7FFFFFFF;
	v0 =	vld.msk [tilespmem:s16+$0x0 ss:$0x1], $0xffff  }
.Ltmp4:
0x3b: {  	_ = 	snop;
	(pc) =	sbr.rel .LBB2_4-.Ltmp4, $1  }
0x3c: {  	_ =	sdelay $0x3  }
.LBB2_6:
0x3d: {  	_ =	sfence.sel $0x180000  }
0x3e: {  	s2 =	simm.s32 $0x2;
	[bflag:$0x0] =	sbarrier.arrive $0xFFFF  }
0x3f: {  	s30 =	simm.s32 $0x3;
	[sflag:s2] =	ssyncpa.u1 $0x1  }
0x40: {  	s31 =	simm.s32 $0x1;
	[sflag:s30] =	ssyncpa.u1 $0x1  }
0x41: {  	[sflag:s31] =	ssyncpa.u1 $0x1  }
0x42: {  	p0 =	sne.s32 s1, $0x0;
	_ =	strace $0x90000059  }
0x43: {  	s0 =	sadd.s32 @!p0 $0x100000, s0;
	[bflag:$0x2] =	sbarrier.arrive $0xFFFF  }
0x44: {  	[sflag:s0] =	ssyncadd.tile.s32 @!p0 $0x1;
	_ =	shalt  }
.Lfunc_end2:
_tile_overlayer_lowered:
.L_overlay_start_2:
0x45: {  	(tag) =	ssettag $0x2  }
0x46: {  	s0 =	rddreg [dreg:$0x0];
	s2 =	stileid.u32  }
0x47: {  	s1 =	rddreg [dreg:$0x1];
	p0 =	sne.s32 s2, $0x0  }
0x48: {  	s3 =	rddreg [dreg:$0x2];
	[bflag:$0x3] =	sbarrier.arrive $0xFFFF;
	s2 =	simm.s32 @!p0 $0x1C01  }
0x49: {  	[timem:s3], [sflag:s2] =	dma.local @!p0 [hbm:s0], s1  }
0x4a: {  	s0 =	simm.s32 @!p0 $0x1  }
0x4b: {  	_ =	swait.ge @!p0 [sflag:s0], s1  }
0x4c: {  	s1 =	ssub.s32 @!p0 $0x0, s1;
	[sflag:s0] =	ssyncset.done @!p0 $0x0  }
0x4d: {  	[sflag:s0] =	ssyncadd.s32 @!p0 s1  }
0x4e: {  	[bflag:$0x3] =	sbarrier.arrive $0xFFFF  }
0x4f: {  	_ =	shalt  }

// kernel: gather_offload_async_start
scs
__scs_entry_jumppad:
0x0: {  	(pc) =	sbr.rel $0x88, $3  }
0x1: {  	(tag) =	ssettag $0x0;
	lr =	simm.s32 $0x1  }
0x2: {  	[smem:$0x3F99] =	sst lr;
	_ =	strace $0xD0000000  }
0x3: {  	_ = 	snop  }
0x4: {  	_ = 	snop  }
0x5: {  	_ = 	snop  }
0x6: {  	_ = 	snop  }
0x7: {  	_ = 	snop  }
__scs_overlays_trampoline_lowered:
0x8: {  	[smem:$0x3FA8] =	sst s0  }
0x9: {  	[smem:$0x3FA9] =	sst s1  }
0xa: {  	[smem:$0x3FAA] =	sst s2  }
0xb: {  	[smem:$0x3FAB] =	sst s3  }
0xc: {  	[smem:$0x3FAC] =	sst s4  }
0xd: {  	[smem:$0x3FAD] =	sst s5  }
0xe: {  	[smem:$0x3FAE] =	sst s6  }
0xf: {  	[smem:$0x3FAF] =	sst s7  }
0x10: {  	[smem:$0x3FB0] =	sst s8  }
0x11: {  	[smem:$0x3FB1] =	sst s9;
	s0 =	simm.s32 @!p0 $0x0  }
0x12: {  	s1 =	sld [smem:$0x3F97];
	s0 =	simm.s32 @p0 $0x1  }
0x13: {  	[smem:$0x3FB2] =	sst s0;
	s0 =	simm.s32 @!p1 $0x0  }
0x14: {  	s2 =	sld [smem:$0x3F96];
	s0 =	simm.s32 @p1 $0x1  }
0x15: {  	[smem:$0x3FB3] =	sst s0;
	s0 =	simm.s32 @!p2 $0x0  }
0x16: {  	s3 =	sld [smem:$0x3FDB];
	s0 =	simm.s32 @p2 $0x1  }
0x17: {  	s4 =	simm.s32 $0x1BF5;
	[smem:$0x3FB5] =	sst s0  }
0x18: {  	s0 =	sld [smem:$0x3F98];
	_ =	swait.ge [sflag:s4], $0x0  }
0x19: {  	s7 =	sld [smem:$0x3F99]  }
0x1a: {  	s8 =	sadd.s32 $0xFFFFE003, lr  }
0x1b: {  	s9 =	sadd.s32 $0xFFFFFEF7, lr;
	s5 =	simm.s32 $0xFFFFFFFF;
	p2 =	slt.u32 s8, $0xFFFFF086  }
0x1c: {  	p1 =	slt.u32 s9, $0xF7A;
	s5 =	simm.s32 @!p2 $0x0  }
0x1d: {  	s5 =	simm.s32 @p1 $0x1;
	p0 =	seq.s32 s7, s2  }
0x1e: {  	s7 =	smul.u32 @!p0 $0xF7A, s2;
	p2 =	seq.s32 @!p0 s5, $0x0  }
0x1f: {  	s9 =	smul.u32 $0xF7A, s1;
	s8 =	simm.s32 @!p0 $0x1BF5;
	p2 =	por !p2, p0  }
0x20: {  	[sflag:s8] =	ssyncset.s32 @!p0 $0xFFFFF086;
	s6 =	sadd.s32 @!p0 s3, s7;
	s7 =	simm.s32 @!p0 $0x108  }
0x21: {  	s3 =	sadd.s32 s3, s9;
	s6 =	sadd.s32 @!p0 $0x88, s6;
	s7 =	simm.s32 @p2 $0x1082  }
0x22: {  	[simem:s7], [sflag:s8] =	dma.local @!p0 [hbm:s6], $0xF7A  }
0x23: {  	s9 =	sor.u32 $0xD0000000, s2;
	s6 =	simm.s32 $0x108;
	_ =	swait.ge @!p0 [sflag:s8], $0x0  }
0x24: {  	s3 =	sadd.s32 $0x88, s3;
	s6 =	simm.s32 @!p1 $0x1082;
	[sflag:s4] =	ssyncset.s32 $0xFFFFF086  }
0x25: {  	[simem:s6], [sflag:s4] =	dma.local [hbm:s3], $0xF7A  }
0x26: {  	[smem:$0x3F99] =	sst s1;
	(tag) =	ssettag s2;
	_ =	strace s9  }
0x27: {  	s1 =	sld [smem:$0x3FA9]  }
0x28: {  	s2 =	sld [smem:$0x3FAA]  }
0x29: {  	s4 =	sld [smem:$0x3FAC]  }
0x2a: {  	p0 =	seq.s32 s5, $0x0;
	s5 =	sld [smem:$0x3FAD]  }
0x2b: {  	s6 =	sld [smem:$0x3FAE]  }
0x2c: {  	s7 =	sld [smem:$0x3FAF]  }
0x2d: {  	s3 =	simm.s32 $0x108;
	s8 =	sld [smem:$0x3FB0]  }
0x2e: {  	s3 =	simm.s32 @!p0 $0x1082;
	s9 =	sld [smem:$0x3FB1]  }
0x2f: {  	lr =	sadd.s32 s0, s3;
	s0 =	sld [smem:$0x3FA8]  }
0x30: {  	s3 =	sld [smem:$0x3FAB]  }
0x31: {  	[smem:$0x3FB4] =	sst s10  }
0x32: {  	s10 =	sld [smem:$0x3FB2];
	_ =	sdelay $0x3  }
0x33: {  	p0 =	seq.s32 s10, $0x1;
	s10 =	sld [smem:$0x3FB4];
	_ =	sdelay $0x3  }
0x34: {  	[smem:$0x3FB4] =	sst s10  }
0x35: {  	s10 =	sld [smem:$0x3FB3];
	_ =	sdelay $0x3  }
0x36: {  	p1 =	seq.s32 s10, $0x1;
	s10 =	sld [smem:$0x3FB4];
	_ =	sdelay $0x3  }
0x37: {  	[smem:$0x3FB4] =	sst s10  }
0x38: {  	s10 =	sld [smem:$0x3FB5]  }
0x39: {  	_ = 	snop;
	(pc) =	sbr.ind lr, $3  }
0x3a: {  	_ = 	snop  }
0x3b: {  	_ = 	snop  }
0x3c: {  	p2 =	seq.s32 s10, $0x1;
	s10 =	sld [smem:$0x3FB4]  }
0x3d: {  	_ =	shalt  }
0x3e: {  	_ =	shalt  }
0x3f: {  	_ =	shalt  }
0x40: {  	_ =	shalt  }
0x41: {  	_ =	shalt  }
0x42: {  	_ =	shalt  }
0x43: {  	_ =	shalt  }
0x44: {  	_ =	shalt  }
0x45: {  	_ =	shalt  }
0x46: {  	_ =	shalt  }
0x47: {  	_ =	shalt  }
0x48: {  	_ =	shalt  }
0x49: {  	_ =	shalt  }
0x4a: {  	_ =	shalt  }
0x4b: {  	_ =	shalt  }
0x4c: {  	_ =	shalt  }
0x4d: {  	_ =	shalt  }
0x4e: {  	_ =	shalt  }
0x4f: {  	_ =	shalt  }
0x50: {  	_ =	shalt  }
0x51: {  	_ =	shalt  }
0x52: {  	_ =	shalt  }
0x53: {  	_ =	shalt  }
0x54: {  	_ =	shalt  }
0x55: {  	_ =	shalt  }
0x56: {  	_ =	shalt  }
0x57: {  	_ =	shalt  }
0x58: {  	_ =	shalt  }
0x59: {  	_ =	shalt  }
0x5a: {  	_ =	shalt  }
0x5b: {  	_ =	shalt  }
0x5c: {  	_ =	shalt  }
0x5d: {  	_ =	shalt  }
0x5e: {  	_ =	shalt  }
0x5f: {  	_ =	shalt  }
0x60: {  	_ =	shalt  }
0x61: {  	_ =	shalt  }
0x62: {  	_ =	shalt  }
0x63: {  	_ =	shalt  }
0x64: {  	_ =	shalt  }
0x65: {  	_ =	shalt  }
0x66: {  	_ =	shalt  }
0x67: {  	_ =	shalt  }
0x68: {  	_ =	shalt  }
0x69: {  	_ =	shalt  }
0x6a: {  	_ =	shalt  }
0x6b: {  	_ =	shalt  }
0x6c: {  	_ =	shalt  }
0x6d: {  	_ =	shalt  }
0x6e: {  	_ =	shalt  }
0x6f: {  	_ =	shalt  }
0x70: {  	_ =	shalt  }
0x71: {  	_ =	shalt  }
0x72: {  	_ =	shalt  }
0x73: {  	_ =	shalt  }
0x74: {  	_ =	shalt  }
0x75: {  	_ =	shalt  }
0x76: {  	_ =	shalt  }
0x77: {  	_ =	shalt  }
0x78: {  	_ =	shalt  }
0x79: {  	_ =	shalt  }
0x7a: {  	_ =	shalt  }
0x7b: {  	_ =	shalt  }
0x7c: {  	_ =	shalt  }
0x7d: {  	_ =	shalt  }
0x7e: {  	_ =	shalt  }
0x7f: {  	_ =	shalt  }
0x80: {  	_ =	shalt  }
0x81: {  	_ =	shalt  }
0x82: {  	_ =	shalt  }
0x83: {  	_ =	shalt  }
0x84: {  	_ =	shalt  }
0x85: {  	_ =	shalt  }
0x86: {  	_ =	shalt  }
0x87: {  	_ =	shalt  }
.Lfunc_end0:
.L_simem_size_0:
called_computation.1_lowered:
.L_overlay_start_0:
0x88: {  	s2 =	sld [smem:$0x3FD9]  }
0x89: {  	s3 =	sld [smem:$0x3FFE];
	_ =	sdelay $0x1  }
0x8a: {  	s1 =	srdreg.scid  }
0x8b: {  	s0 =	sand.u32 $0x1, s1  }
0x8c: {  	s17 =	sshll.u32 s0, $0xA;
	s2 =	sadd.s32 s3, s2  }
0x8d: {  	s2 =	sadd.s32 s2, s17  }
0x8e: {  	[smem:$0x3FC0] =	sst s2  }
0x8f: {  	_ = 	snop  }
0x90: {  	(tm) =	ssettm $0x1  }
0x91: {  	s18 =	sld [smem:$0x3FFB];
	_ =	sdelay $0x3  }
0x92: {  	_ =	strace s18  }
0x93: {  	s2 =	sld [smem:$0x3FFC];
	_ =	sdelay $0x3  }
0x94: {  	_ =	strace s2  }
0x95: {  	s2 =	sld [smem:$0x3FFD];
	_ =	sdelay $0x3  }
0x96: {  	_ =	strace s2  }
0x97: {  	_ =	strace $0x8FFFFFFF  }
0x98: {  	s19 =	sld [smem:$0x3FDB];
	_ =	sdelay $0x1  }
0x99: {  	s20 =	simm.s32 $_scs_section_size  }
0x9a: {  	s4 =	simm.s32 $_size__tile_overlayer_lowered;
	s5 =	simm.s32 $_tile_overlayer_lowered  }
0x9b: {  	s6 =	simm.s32 $0x1BFF;
	s21 =	sshll.u32 s5, $0x1;
	s3 =	sadd.s32 s20, s19  }
0x9c: {  	s22 =	simm.s32 $0x0;
	s4 =	sshll.u32 s4, $0x1;
	s5 =	sadd.s32 s21, s3  }
0x9d: {  	[timem:s22], [sflag:s6] =	dma.local [hbm:s5], s4  }
0x9e: {  	_ =	swait.ge [sflag:s6], s4  }
0x9f: {  	s4 =	ssub.s32 $0x0, s4;
	[sflag:s6] =	ssyncset.done $0x0  }
0xa0: {  	[sflag:s6] =	ssyncadd.s32 s4;
	_ =	sdelay $0x1  }
0xa1: {  	s23 =	simm.s32 $0x1B8B  }
0xa2: {  	_ =	swait.ge [sflag:s23], $0x1  }
0xa3: {  	[sflag:s23] =	ssyncset.done $0x0  }
0xa4: {  	[sflag:s23] =	ssyncadd.s32 $0xFFFFFFFF  }
0xa5: {  	s4 =	sld [smem:$0x0]  }
0xa6: {  	s5 =	sand.u32 $0xFFFFFFFE, s1  }
0xa7: {  	p0 =	sne.s32 s1, s5  }
0xa8: {  	s5 =	sshll.u32 @p0 s5, $0xE  }
0xa9: {  	s5 =	sadd.s32 @p0 $0x11B8D, s5;
	s6 =	sshll.u32 @p0 s4, $0x11  }
0xaa: {  	s5 =	sor.u32 @p0 s6, s5  }
0xab: {  	[sflag:s5] =	ssyncadd.remote.s32 @p0 $0x1;
	_ =	sdelay $0x1  }
0xac: {  	s5 =	simm.s32 @p0 $0x1B8D  }
0xad: {  	_ =	swait.eq @p0 [sflag:s5], $0x1  }
0xae: {  	[sflag:s5] =	ssyncadd.s32 @p0 $0xFFFFFFFF  }
0xaf: {  	s6 =	sshll.u32 @!p0 s1, $0xE  }
0xb0: {  	s6 =	sor.u32 @!p0 $0x4000, s6;
	s5 =	simm.s32 @!p0 $0x1B8D  }
0xb1: {  	s4 =	sshll.u32 @!p0 s4, $0x11;
	s6 =	sadd.s32 @!p0 $0x11B8D, s6;
	_ =	swait.eq @!p0 [sflag:s5], $0x1  }
0xb2: {  	s4 =	sor.u32 @!p0 s4, s6;
	[sflag:s5] =	ssyncadd.s32 @!p0 $0xFFFFFFFF  }
0xb3: {  	s25 =	simm.s32 $0x1B8E;
	s24 =	sld [smem:$0x3FFE];
	[sflag:s4] =	ssyncadd.remote.s32 @!p0 $0x1  }
0xb4: {  	s26 =	simm.s32 $execute0_lowered;
	[smem:$0x3FD2] =	sst s25  }
0xb5: {  	s5 =	sshll.u32 s26, $0x1;
	_ =	strace $0x80000049;
	[dreg:$0x1] =	wrdreg $0xFFFFFFFF  }
0xb6: {  	s28 =	simm.s32 $_size_execute0_lowered;
	s3 =	sadd.s32 s3, s5;
	[dreg:$0x0] =	wrdreg $0x0  }
0xb7: {  	s5 =	sshll.u32 s28, $0x1;
	[dreg:$0x2] =	wrdreg s3  }
0xb8: {  	[dreg:$0x3] =	wrdreg s5  }
0xb9: {  	[dreg:$0x4] =	wrdreg $0xC0  }
0xba: {  	_ =	task [dreg:s22], $0x5FFFF  }
0xbb: {  	[dreg:$0x1] =	wrdreg $0xFFFFFFFF  }
0xbc: {  	[dreg:$0x0] =	wrdreg $0x60  }
0xbd: {  	[dreg:$0x2] =	wrdreg s24  }
0xbe: {  	[dreg:$0x3] =	wrdreg $0xA  }
0xbf: {  	_ =	task.clear_ibuf [dreg:s22], $0x4FFFF;
	_ =	strace $0x90000049  }
0xc0: {  	s29 =	simm.s32 $0xA;
	_ =	strace $0x8000004B  }
0xc1: {  	_ =	swait.ge [sflag:s29], $0x1  }
0xc2: {  	[sflag:s29] =	ssyncadd.s32 $0xFFFFFFFF  }
0xc3: {  	_ =	strace $0x9000004B  }
0xc4: {  	_ =	sfence  }
0xc5: {  	s30 =	sld [smem:$0x0];
	_ =	sdelay $0x2  }
0xc6: {  	s31 =	sshll.u32 s1, $0xD;
	s1 =	sshrl.u32 s1, $0x2  }
0xc7: {  	s4 =	sand.u32 $0x4000, s31;
	s1 =	sadd.s32 s1, s30  }
0xc8: {  	s0 =	sor.u32 s4, s0;
	s1 =	sshll.u32 s1, $0x11  }
0xc9: {  	s0 =	sor.u32 s1, s0  }
0xca: {  	s0 =	sadd.s32 $0x8F2B, s0  }
0xcb: {  	[sflag:s0] =	ssyncadd.remote.s32 $0x1  }
0xcc: {  	_ =	sfence.sel $0xFFFF  }
0xcd: {  	[dreg:$0x0] =	wrdreg $0xFFFFFFFF;
	(pc) =	sbr.abs _section_cstart, $3  }
0xce: {  	[dreg:$0x1] =	wrdreg $0xFFFFFFFF  }
0xcf: {  	_ =	task.clear_ibuf [dreg:s22], $0x2FFFF;
	_ =	strace $0x9FFFFFFF  }
0xd0: {  	(tm) =	ssettm $0x7FFFFFFF  }
0xd1: {  	_ =	shalt  }
tec
execute0_lowered:
.L_overlay_start_1:
0x0: {  	(tag) =	ssettag $0x1  }
0x1: {  	s2 =	rddreg [dreg:$0x0]  }
0x2: {  	s0 =	rddreg [dreg:$0x1];
	s1 =	stileid.u32  }
0x3: {  	s3 =	srdreg.scid;
	_ =	strace $0x8000004A;
	s4 =	simm.s32 $0x1  }
0x4: {  	s7 =	simm.s32 $0x1;
	s8 =	simm.s32 $0x1;
	s9 =	simm.s32 $0x3  }
0x5: {  	s10 =	simm.s32 $0x0;
	s5 =	sand.u32 $0x1, s3;
	s6 =	sshll.u32 s1, $0x1  }
0x6: {  	s13 =	simm.s32 $0x0;
	s12 =	simm.s32 $0x0;
	s5 =	sor.u32 s6, s5  }
.Ltmp0:
0x7: {  	[sflag:s4] =	ssyncpa.u1 $0x0;
	p0 =	slt.u32 s5, $0x13;
	(pc) =	sbr.rel .LBB2_1-.Ltmp0, $4  }
0x8: {  	s6 =	simm.s32 $0x2;
	s7 =	simm.s32 @!p0 $0x0;
	p0 =	sne.s32 s5, $0x12  }
0x9: {  	[sflag:s6] =	ssyncpa.u1 $0x0;
	s5 =	smul.u32 $0xF0, s5;
	s8 =	simm.s32 @!p0 $0x0  }
0xa: {  	s3 =	sadd.s32 $0x600, s2;
	[sflag:s9] =	ssyncpa.u1 $0x0;
	s7 =	sadd.s32 s8, s7  }
0xb: {  	vm0 =	vmmov $0xffff;
	s8 =	sadd.s32 $0x3600, s2;
	s11 =	smov.u32 s5;
	s9 =	sadd.s32 $0x1, s7  }
.LBB2_4:
0xc: {  	v2 =	vnsel vm1, $0x0, v2  }
0xd: {  	vm1 =	vgt.s32 v0, $0x0;
	v2 =	vmin.u32 v2, $0x57E3  }
0xe: {  	v0 =	vnsel vm1, $0x0, v0  }
0xf: {  	v0 =	vmin.u32 v0, $0x57E3  }
0x10: {  	[tilespmem:s18], [sflag:$0x1] =	stream.indirect_vreg.gather [hbm4b:s3+s10], $0x1, v1, vm0, $0x4038;
	[tilespmem:$0x3C0] =	vst v63  }
0x11: {  	(ifvalue) =	ssetifvalue $0x7FFFFFFF  }
0x12: {  	[tilespmem:s15], [sflag:$0x1] =	stream.indirect_vreg.gather [hbm4b:s3+s10], $0x1, v2, vm0, $0x4038;
	[tilespmem:$0x3C0] =	vst v63  }
0x13: {  	s29 =	sadd.s32 $0x10, s15;
	(ifvalue) =	ssetifvalue $0x7FFFFFFF  }
0x14: {  	[tilespmem:s29], [sflag:$0x1] =	stream.indirect_vreg.gather [hbm4b:s3+s10], $0x1, v0, vm0, $0x4038;
	[tilespmem:$0x3C0] =	vst v63  }
0x15: {  	_ =	swait.ge [sflag:s4], $0xF0  }
0x16: {  	s30 =	sshrl.u32 s13, $0x3;
	[sflag:s4] =	ssyncset.done $0x0  }
0x17: {  	s31 =	sand.u32 $0x7, s13;
	s15 =	sadd.s32 s8, s30;
	[sflag:s4] =	ssyncadd.s32 $0xFFFFFF10  }
0x18: {  	[hbm4b:s15+s31] =	stream.linear.scatter [tilespmem:s14], [sflag:$0x3], $0xF0, $0x38;
	[tilespmem:$0x3C0] =	vst v63  }
.LBB2_5:
0x19: {  	s15 =	sadd.s32 $0x1E00, s11  }
0x1a: {  	p1 =	sgt.s32 s15, $0x2EDF  }
0x1b: {  	s15 =	smov.u32 @p1 s5;
	p1 =	sne.s32 s12, s9  }
.Ltmp1:
0x1c: {  	p0 =	slt.u32 s12, $0x2;
	(pc) =	sbr.rel @!p1 .LBB2_6-.Ltmp1, $4  }
0x1d: {  	s14 =	simm.s32 @!p0 $0x3  }
0x1e: {  	_ =	swait.ge @!p0 [sflag:s14], $0xF0  }
0x1f: {  	s16 =	sadd.s32 $0x1, s12;
	s13 =	smov.u32 s11;
	[sflag:s14] =	ssyncset.done @!p0 $0x0  }
0x20: {  	s12 =	smov.u32 s16;
	s11 =	smov.u32 s15;
	[sflag:s14] =	ssyncadd.s32 @!p0 $0xFFFFFF10  }
.LBB2_1:
0x21: {  	p0 =	sge.u32 s12, s7  }
0x22: {  	s14 =	sxor.u32 @!p0 $0x1, s12  }
0x23: {  	s14 =	smul.u32 @!p0 $0x3C0, s14  }
0x24: {  	s31 =	sadd.s32 $0xFFFFFFFF, s12;
	s15 =	sshrl.u32 @!p0 s11, $0x3  }
0x25: {  	s16 =	sand.u32 @!p0 $0x7, s11;
	s15 =	sadd.s32 @!p0 s2, s15;
	s14 =	sshra.s32 @!p0 s14, $0x2  }
0x26: {  	[tilespmem:s14], [sflag:$0x2] =	stream.linear.gather @!p0 [hbm4b:s15+s16], $0xF0, $0x38;
	[tilespmem:$0x3C0] =	vst v63  }
0x27: {  	p0 =	sge.u32 s31, s7  }
.Ltmp2:
0x28: {  	_ = 	snop;
	(pc) =	sbr.rel @p0 .LBB2_5-.Ltmp2, $1  }
0x29: {  	_ =	sdelay $0x3  }
0x2a: {  	s14 =	sand.u32 $0x1, s12  }
0x2b: {  	_ =	swait.ge [sflag:s6], $0xF0;
	p0 =	seq.s32 s14, $0x1;
	s14 =	simm.s32 $0xF0  }
0x2c: {  	[sflag:s6] =	ssyncset.done $0x0;
	s14 =	simm.s32 @!p0 $0x0  }
0x2d: {  	[sflag:s6] =	ssyncadd.s32 $0xFFFFFF10;
	(ifvalue) =	ssetifvalue $0x7FFFFFFF;
	v0 =	vld.msk [tilespmem:s14+$0x0 ss:$0x1], $0xffff;
	_ =	sdelay $0x4  }
0x2e: {  	s15 =	sadd.s32 $0x10, s14;
	vm1 =	vgt.s32 v0, $0x0  }
0x2f: {  	v2 =	vld.msk [tilespmem:s15+$0x0 ss:$0x1], $0xffff;
	v1 =	vnsel vm1, $0x0, v0  }
0x30: {  	v1 =	vmin.u32 v1, $0x57E3;
	_ =	sdelay $0x2  }
0x31: {  	s17 =	simm.s32 $0x20;
	s14 =	sadd.s32 $0x1E0, s14;
	s16 =	sadd.s32 $0x10, s15  }
0x32: {  	s15 =	sadd.s32 $0x10, s14;
	s18 =	smov.u32 s14;
	v0 =	vld.msk [tilespmem:s16+$0x0 ss:$0x1], $0xffff;
	vm1 =	vgt.s32 v2, $0x0;
	(ifvalue) =	ssetifvalue $0x7FFFFFFF  }
.LBB2_3:
0x33: {  	[tilespmem:s18], [sflag:$0x1] =	stream.indirect_vreg.gather [hbm4b:s3+s10], $0x1, v1, vm0, $0x4038;
	[tilespmem:$0x3C0] =	vst v63  }
0x34: {  	s17 =	sadd.s32 $0x10, s17  }
0x35: {  	v2 =	vnsel vm1, $0x0, v2;
	p0 =	slt.u32 s17, $0xE0  }
.Ltmp3:
0x36: {  	s18 =	smov.u32 s15;
	v1 =	vmin.u32 v2, $0x57E3;
	(pc) =	sbr.rel @p0 .LBB2_3-.Ltmp3, $3  }
0x37: {  	_ =	sdelay $0x1  }
0x38: {  	s16 =	sadd.s32 $0x10, s16  }
0x39: {  	vm1 =	vgt.s32 v0, $0x0;
	s15 =	sadd.s32 $0x10, s15;
	v2 =	vmov v0;
	(ifvalue) =	ssetifvalue $0x7FFFFFFF;
	v0 =	vld.msk [tilespmem:s16+$0x0 ss:$0x1], $0xffff  }
.Ltmp4:
0x3a: {  	_ = 	snop;
	(pc) =	sbr.rel .LBB2_4-.Ltmp4, $1  }
0x3b: {  	_ =	sdelay $0x3  }
.LBB2_6:
0x3c: {  	_ =	sfence.sel $0x180000  }
0x3d: {  	s2 =	simm.s32 $0x2;
	[bflag:$0x0] =	sbarrier.arrive $0xFFFF  }
0x3e: {  	s30 =	simm.s32 $0x3;
	[sflag:s2] =	ssyncpa.u1 $0x1  }
0x3f: {  	s31 =	simm.s32 $0x1;
	[sflag:s30] =	ssyncpa.u1 $0x1  }
0x40: {  	[sflag:s31] =	ssyncpa.u1 $0x1  }
0x41: {  	p0 =	sne.s32 s1, $0x0;
	_ =	strace $0x9000004A  }
0x42: {  	s0 =	sadd.s32 @!p0 $0x100000, s0;
	[bflag:$0x2] =	sbarrier.arrive $0xFFFF  }
0x43: {  	[sflag:s0] =	ssyncadd.tile.s32 @!p0 $0x1;
	_ =	shalt  }
.Lfunc_end2:
_tile_overlayer_lowered:
.L_overlay_start_2:
0x44: {  	(tag) =	ssettag $0x2  }
0x45: {  	s0 =	rddreg [dreg:$0x0];
	s2 =	stileid.u32  }
0x46: {  	s1 =	rddreg [dreg:$0x1];
	p0 =	sne.s32 s2, $0x0  }
0x47: {  	s3 =	rddreg [dreg:$0x2];
	[bflag:$0x3] =	sbarrier.arrive $0xFFFF;
	s2 =	simm.s32 @!p0 $0x1C01  }
0x48: {  	[timem:s3], [sflag:s2] =	dma.local @!p0 [hbm:s0], s1  }
0x49: {  	s0 =	simm.s32 @!p0 $0x1  }
0x4a: {  	_ =	swait.ge @!p0 [sflag:s0], s1  }
0x4b: {  	s1 =	ssub.s32 @!p0 $0x0, s1;
	[sflag:s0] =	ssyncset.done @!p0 $0x0  }
0x4c: {  	[sflag:s0] =	ssyncadd.s32 @!p0 s1  }
0x4d: {  	[bflag:$0x3] =	sbarrier.arrive $0xFFFF  }
0x4e: {  	_ =	shalt  }

// kernel: scatter_offload_async_start
scs
__scs_entry_jumppad:
0x0: {  	(pc) =	sbr.rel $0x88, $3  }
0x1: {  	(tag) =	ssettag $0x0;
	lr =	simm.s32 $0x1  }
0x2: {  	[smem:$0x3F99] =	sst lr;
	_ =	strace $0xD0000000  }
0x3: {  	_ = 	snop  }
0x4: {  	_ = 	snop  }
0x5: {  	_ = 	snop  }
0x6: {  	_ = 	snop  }
0x7: {  	_ = 	snop  }
__scs_overlays_trampoline_lowered:
0x8: {  	[smem:$0x3FA8] =	sst s0  }
0x9: {  	[smem:$0x3FA9] =	sst s1  }
0xa: {  	[smem:$0x3FAA] =	sst s2  }
0xb: {  	[smem:$0x3FAB] =	sst s3  }
0xc: {  	[smem:$0x3FAC] =	sst s4  }
0xd: {  	[smem:$0x3FAD] =	sst s5  }
0xe: {  	[smem:$0x3FAE] =	sst s6  }
0xf: {  	[smem:$0x3FAF] =	sst s7  }
0x10: {  	[smem:$0x3FB0] =	sst s8  }
0x11: {  	[smem:$0x3FB1] =	sst s9;
	s0 =	simm.s32 @!p0 $0x0  }
0x12: {  	s1 =	sld [smem:$0x3F97];
	s0 =	simm.s32 @p0 $0x1  }
0x13: {  	[smem:$0x3FB2] =	sst s0;
	s0 =	simm.s32 @!p1 $0x0  }
0x14: {  	s2 =	sld [smem:$0x3F96];
	s0 =	simm.s32 @p1 $0x1  }
0x15: {  	[smem:$0x3FB3] =	sst s0;
	s0 =	simm.s32 @!p2 $0x0  }
0x16: {  	s3 =	sld [smem:$0x3FDB];
	s0 =	simm.s32 @p2 $0x1  }
0x17: {  	s4 =	simm.s32 $0x1BF5;
	[smem:$0x3FB5] =	sst s0  }
0x18: {  	s0 =	sld [smem:$0x3F98];
	_ =	swait.ge [sflag:s4], $0x0  }
0x19: {  	s7 =	sld [smem:$0x3F99]  }
0x1a: {  	s8 =	sadd.s32 $0xFFFFE003, lr  }
0x1b: {  	s9 =	sadd.s32 $0xFFFFFEF7, lr;
	s5 =	simm.s32 $0xFFFFFFFF;
	p2 =	slt.u32 s8, $0xFFFFF086  }
0x1c: {  	p1 =	slt.u32 s9, $0xF7A;
	s5 =	simm.s32 @!p2 $0x0  }
0x1d: {  	s5 =	simm.s32 @p1 $0x1;
	p0 =	seq.s32 s7, s2  }
0x1e: {  	s7 =	smul.u32 @!p0 $0xF7A, s2;
	p2 =	seq.s32 @!p0 s5, $0x0  }
0x1f: {  	s9 =	smul.u32 $0xF7A, s1;
	s8 =	simm.s32 @!p0 $0x1BF5;
	p2 =	por !p2, p0  }
0x20: {  	[sflag:s8] =	ssyncset.s32 @!p0 $0xFFFFF086;
	s6 =	sadd.s32 @!p0 s3, s7;
	s7 =	simm.s32 @!p0 $0x108  }
0x21: {  	s3 =	sadd.s32 s3, s9;
	s6 =	sadd.s32 @!p0 $0x88, s6;
	s7 =	simm.s32 @p2 $0x1082  }
0x22: {  	[simem:s7], [sflag:s8] =	dma.local @!p0 [hbm:s6], $0xF7A  }
0x23: {  	s9 =	sor.u32 $0xD0000000, s2;
	s6 =	simm.s32 $0x108;
	_ =	swait.ge @!p0 [sflag:s8], $0x0  }
0x24: {  	s3 =	sadd.s32 $0x88, s3;
	s6 =	simm.s32 @!p1 $0x1082;
	[sflag:s4] =	ssyncset.s32 $0xFFFFF086  }
0x25: {  	[simem:s6], [sflag:s4] =	dma.local [hbm:s3], $0xF7A  }
0x26: {  	[smem:$0x3F99] =	sst s1;
	(tag) =	ssettag s2;
	_ =	strace s9  }
0x27: {  	s1 =	sld [smem:$0x3FA9]  }
0x28: {  	s2 =	sld [smem:$0x3FAA]  }
0x29: {  	s4 =	sld [smem:$0x3FAC]  }
0x2a: {  	p0 =	seq.s32 s5, $0x0;
	s5 =	sld [smem:$0x3FAD]  }
0x2b: {  	s6 =	sld [smem:$0x3FAE]  }
0x2c: {  	s7 =	sld [smem:$0x3FAF]  }
0x2d: {  	s3 =	simm.s32 $0x108;
	s8 =	sld [smem:$0x3FB0]  }
0x2e: {  	s3 =	simm.s32 @!p0 $0x1082;
	s9 =	sld [smem:$0x3FB1]  }
0x2f: {  	lr =	sadd.s32 s0, s3;
	s0 =	sld [smem:$0x3FA8]  }
0x30: {  	s3 =	sld [smem:$0x3FAB]  }
0x31: {  	[smem:$0x3FB4] =	sst s10  }
0x32: {  	s10 =	sld [smem:$0x3FB2];
	_ =	sdelay $0x3  }
0x33: {  	p0 =	seq.s32 s10, $0x1;
	s10 =	sld [smem:$0x3FB4];
	_ =	sdelay $0x3  }
0x34: {  	[smem:$0x3FB4] =	sst s10  }
0x35: {  	s10 =	sld [smem:$0x3FB3];
	_ =	sdelay $0x3  }
0x36: {  	p1 =	seq.s32 s10, $0x1;
	s10 =	sld [smem:$0x3FB4];
	_ =	sdelay $0x3  }
0x37: {  	[smem:$0x3FB4] =	sst s10  }
0x38: {  	s10 =	sld [smem:$0x3FB5]  }
0x39: {  	_ = 	snop;
	(pc) =	sbr.ind lr, $3  }
0x3a: {  	_ = 	snop  }
0x3b: {  	_ = 	snop  }
0x3c: {  	p2 =	seq.s32 s10, $0x1;
	s10 =	sld [smem:$0x3FB4]  }
0x3d: {  	_ =	shalt  }
0x3e: {  	_ =	shalt  }
0x3f: {  	_ =	shalt  }
0x40: {  	_ =	shalt  }
0x41: {  	_ =	shalt  }
0x42: {  	_ =	shalt  }
0x43: {  	_ =	shalt  }
0x44: {  	_ =	shalt  }
0x45: {  	_ =	shalt  }
0x46: {  	_ =	shalt  }
0x47: {  	_ =	shalt  }
0x48: {  	_ =	shalt  }
0x49: {  	_ =	shalt  }
0x4a: {  	_ =	shalt  }
0x4b: {  	_ =	shalt  }
0x4c: {  	_ =	shalt  }
0x4d: {  	_ =	shalt  }
0x4e: {  	_ =	shalt  }
0x4f: {  	_ =	shalt  }
0x50: {  	_ =	shalt  }
0x51: {  	_ =	shalt  }
0x52: {  	_ =	shalt  }
0x53: {  	_ =	shalt  }
0x54: {  	_ =	shalt  }
0x55: {  	_ =	shalt  }
0x56: {  	_ =	shalt  }
0x57: {  	_ =	shalt  }
0x58: {  	_ =	shalt  }
0x59: {  	_ =	shalt  }
0x5a: {  	_ =	shalt  }
0x5b: {  	_ =	shalt  }
0x5c: {  	_ =	shalt  }
0x5d: {  	_ =	shalt  }
0x5e: {  	_ =	shalt  }
0x5f: {  	_ =	shalt  }
0x60: {  	_ =	shalt  }
0x61: {  	_ =	shalt  }
0x62: {  	_ =	shalt  }
0x63: {  	_ =	shalt  }
0x64: {  	_ =	shalt  }
0x65: {  	_ =	shalt  }
0x66: {  	_ =	shalt  }
0x67: {  	_ =	shalt  }
0x68: {  	_ =	shalt  }
0x69: {  	_ =	shalt  }
0x6a: {  	_ =	shalt  }
0x6b: {  	_ =	shalt  }
0x6c: {  	_ =	shalt  }
0x6d: {  	_ =	shalt  }
0x6e: {  	_ =	shalt  }
0x6f: {  	_ =	shalt  }
0x70: {  	_ =	shalt  }
0x71: {  	_ =	shalt  }
0x72: {  	_ =	shalt  }
0x73: {  	_ =	shalt  }
0x74: {  	_ =	shalt  }
0x75: {  	_ =	shalt  }
0x76: {  	_ =	shalt  }
0x77: {  	_ =	shalt  }
0x78: {  	_ =	shalt  }
0x79: {  	_ =	shalt  }
0x7a: {  	_ =	shalt  }
0x7b: {  	_ =	shalt  }
0x7c: {  	_ =	shalt  }
0x7d: {  	_ =	shalt  }
0x7e: {  	_ =	shalt  }
0x7f: {  	_ =	shalt  }
0x80: {  	_ =	shalt  }
0x81: {  	_ =	shalt  }
0x82: {  	_ =	shalt  }
0x83: {  	_ =	shalt  }
0x84: {  	_ =	shalt  }
0x85: {  	_ =	shalt  }
0x86: {  	_ =	shalt  }
0x87: {  	_ =	shalt  }
.Lfunc_end0:
.L_simem_size_0:
called_computation_lowered:
.L_overlay_start_0:
0x88: {  	s0 =	sld [smem:$0x3FD9]  }
0x89: {  	s1 =	sld [smem:$0x3FFE];
	_ =	sdelay $0x3  }
0x8a: {  	s0 =	sadd.s32 s1, s0  }
0x8b: {  	[smem:$0x3FC0] =	sst s0  }
0x8c: {  	_ = 	snop  }
0x8d: {  	s0 =	sld [smem:$0x3FD0];
	_ =	sdelay $0x2  }
0x8e: {  	s2 =	simm.s32 $0xD;
	s12 =	simm.s32 $0x10  }
0x8f: {  	[smem:s12], [sflag:s2] =	dma.local [hbm:s0], $0x1  }
0x90: {  	_ =	swait.eq [sflag:s2], $0x1  }
0x91: {  	[sflag:s2] =	ssyncset.done $0x0  }
0x92: {  	s13 =	sld [smem:$0x12];
	[sflag:s2] =	ssyncadd.s32 $0xFFFFFFFF  }
0x93: {  	s14 =	sld [smem:$0x13];
	(tm) =	ssettm $0x1  }
0x94: {  	s15 =	sld [smem:$0x3FFB];
	_ =	sdelay $0x3  }
0x95: {  	_ =	strace s15  }
0x96: {  	s0 =	sld [smem:$0x3FFC];
	_ =	sdelay $0x3  }
0x97: {  	_ =	strace s0  }
0x98: {  	s0 =	sld [smem:$0x3FFD];
	_ =	sdelay $0x3  }
0x99: {  	_ =	strace s0  }
0x9a: {  	_ =	strace $0x8FFFFFFF  }
0x9b: {  	s16 =	sld [smem:$0x3FDB];
	_ =	sdelay $0x1  }
0x9c: {  	s3 =	simm.s32 $_scs_section_size  }
0x9d: {  	s4 =	simm.s32 $_size__tile_overlayer_lowered;
	s5 =	simm.s32 $_tile_overlayer_lowered  }
0x9e: {  	s6 =	simm.s32 $0x1BFF;
	s17 =	sshll.u32 s5, $0x1;
	s3 =	sadd.s32 s3, s16  }
0x9f: {  	s18 =	simm.s32 $0x0;
	s4 =	sshll.u32 s4, $0x1;
	s5 =	sadd.s32 s17, s3  }
0xa0: {  	[timem:s18], [sflag:s6] =	dma.local [hbm:s5], s4  }
0xa1: {  	_ =	swait.ge [sflag:s6], s4  }
0xa2: {  	s4 =	ssub.s32 $0x0, s4;
	[sflag:s6] =	ssyncset.done $0x0  }
0xa3: {  	[sflag:s6] =	ssyncadd.s32 s4;
	_ =	sdelay $0x1  }
0xa4: {  	s19 =	simm.s32 $0x1B8B  }
0xa5: {  	_ =	swait.ge [sflag:s19], $0x1  }
0xa6: {  	[sflag:s19] =	ssyncset.done $0x0  }
0xa7: {  	s21 =	simm.s32 $0x1B8E;
	s20 =	sld [smem:$0x3FFE];
	[sflag:s19] =	ssyncadd.s32 $0xFFFFFFFF  }
0xa8: {  	s22 =	simm.s32 $execute0_lowered;
	[smem:$0x3FD2] =	sst s21  }
0xa9: {  	s5 =	sshll.u32 s22, $0x1;
	_ =	strace $0x80000052;
	[dreg:$0x1] =	wrdreg $0xFFFFFFFF  }
0xaa: {  	s23 =	simm.s32 $_size_execute0_lowered;
	s5 =	sadd.s32 s3, s5;
	[dreg:$0x0] =	wrdreg $0x0  }
0xab: {  	s6 =	sshll.u32 s23, $0x1;
	[dreg:$0x2] =	wrdreg s5  }
0xac: {  	[dreg:$0x3] =	wrdreg s6  }
0xad: {  	[dreg:$0x4] =	wrdreg $0xC0  }
0xae: {  	s24 =	simm.s32 $execute1_lowered;
	_ =	task [dreg:s18], $0x5FFFF  }
0xaf: {  	s5 =	sshll.u32 s24, $0x1;
	[dreg:$0x1] =	wrdreg $0xFFFFFFFF  }
0xb0: {  	s3 =	sadd.s32 s3, s5;
	[dreg:$0x0] =	wrdreg $0x60  }
0xb1: {  	[dreg:$0x2] =	wrdreg s3  }
0xb2: {  	[dreg:$0x3] =	wrdreg s14  }
0xb3: {  	[dreg:$0x4] =	wrdreg s13  }
0xb4: {  	[dreg:$0x5] =	wrdreg $0x9  }
0xb5: {  	_ =	task.clear_ibuf [dreg:s18], $0x6FFFF;
	_ =	strace $0x90000052  }
0xb6: {  	s25 =	simm.s32 $0x9;
	_ =	strace $0x80000054  }
0xb7: {  	_ =	swait.ge [sflag:s25], $0x1  }
0xb8: {  	[sflag:s25] =	ssyncadd.s32 $0xFFFFFFFF  }
0xb9: {  	_ =	strace $0x90000054  }
0xba: {  	_ =	strace $0x80000055;
	[dreg:$0x1] =	wrdreg $0xFFFFFFFF  }
0xbb: {  	[dreg:$0x0] =	wrdreg $0x2030  }
0xbc: {  	[dreg:$0x2] =	wrdreg s13  }
0xbd: {  	[dreg:$0x3] =	wrdreg s20  }
0xbe: {  	[dreg:$0x4] =	wrdreg $0xA  }
0xbf: {  	_ =	task.clear_ibuf [dreg:s18], $0x5FFFF;
	_ =	strace $0x90000055  }
0xc0: {  	s26 =	simm.s32 $0xA;
	_ =	strace $0x80000057  }
0xc1: {  	_ =	swait.ge [sflag:s26], $0x1  }
0xc2: {  	[sflag:s26] =	ssyncadd.s32 $0xFFFFFFFF  }
0xc3: {  	_ =	strace $0x90000057  }
0xc4: {  	_ =	sfence  }
0xc5: {  	s28 =	sld [smem:$0x0];
	_ =	sdelay $0x1  }
0xc6: {  	s29 =	srdreg.scid  }
0xc7: {  	s30 =	sshll.u32 s29, $0xD;
	s31 =	sshrl.u32 s29, $0x2  }
0xc8: {  	s2 =	sand.u32 $0x1, s29;
	s3 =	sand.u32 $0x4000, s30;
	s1 =	sadd.s32 s31, s28  }
0xc9: {  	s2 =	sor.u32 s3, s2;
	s1 =	sshll.u32 s1, $0x11  }
0xca: {  	s1 =	sor.u32 s1, s2  }
0xcb: {  	s1 =	sadd.s32 $0x8F2B, s1  }
0xcc: {  	[sflag:s1] =	ssyncadd.remote.s32 $0x1  }
0xcd: {  	_ =	sfence.sel $0xFFFF  }
0xce: {  	[dreg:$0x0] =	wrdreg $0xFFFFFFFF;
	(pc) =	sbr.abs _section_cstart, $3  }
0xcf: {  	[dreg:$0x1] =	wrdreg $0xFFFFFFFF  }
0xd0: {  	_ =	task.clear_ibuf [dreg:s18], $0x2FFFF;
	_ =	strace $0x9FFFFFFF  }
0xd1: {  	(tm) =	ssettm $0x7FFFFFFF  }
tec
execute0_lowered:
.L_overlay_start_1:
0x0: {  	(tag) =	ssettag $0x1  }
0x1: {  	s0 =	rddreg [dreg:$0x0]  }
0x2: {  	s1 =	rddreg [dreg:$0x1]  }
0x3: {  	s2 =	rddreg [dreg:$0x2]  }
0x4: {  	s3 =	rddreg [dreg:$0x3];
	s4 =	stileid.u32  }
0x5: {  	[bflag:$0x3] =	sbarrier.arrive $0xFFFF;
	s5 =	simm.s32 $_size_execute1_lowered;
	p0 =	sne.s32 s4, $0x0  }
0x6: {  	s5 =	sshll.u32 s5, $0x1;
	s6 =	simm.s32 @!p0 $0x1C3F;
	s7 =	simm.s32 @!p0 $0x4060  }
0x7: {  	[timem:s7], [sflag:s6] =	dma.local @!p0 [hbm:s0], s5  }
0x8: {  	s26 =	simm.s32 $0x1;
	s28 =	simm.s32 $0x2;
	_ =	strace $0x80000053  }
0x9: {  	s29 =	simm.s32 $0x0;
	s4 =	sshll.u32 s4, $0x4;
	[sflag:s26] =	ssyncpa.u1 $0x0  }
0xa: {  	s8 =	simm.s32 $0x80;
	s1 =	sadd.s32 s4, s1;
	[sflag:s28] =	ssyncpa.u1 $0x0  }
0xb: {  	[tilespmem:s8], [sflag:$0x1] =	stream.linear.gather [hbm4b:s1+s29], $0x80, $0x38;
	[tilespmem:$0x200] =	vst v63  }
0xc: {  	_ =	swait.ge [sflag:s26], $0x80  }
0xd: {  	[sflag:s26] =	ssyncset.done $0x0  }
0xe: {  	[sflag:s26] =	ssyncadd.s32 $0xFFFFFF80  }
0xf: {  	v0 =	vld [tilespmem:$0x80]  }
0x10: {  	v1 =	vld [tilespmem:$0x90]  }
0x11: {  	v2 =	vld [tilespmem:$0xA0]  }
0x12: {  	v3 =	vld [tilespmem:$0xB0]  }
0x13: {  	v4 =	vld [tilespmem:$0xC0]  }
0x14: {  	v61 =	vld [tilespmem:$0xD0];
	[tilespmem:$0x180] =	vst v0  }
0x15: {  	v62 =	vld [tilespmem:$0xE0];
	[tilespmem:$0x190] =	vst v1  }
0x16: {  	v63 =	vld [tilespmem:$0xF0];
	[tilespmem:$0x1A0] =	vst v2  }
0x17: {  	[tilespmem:$0x1B0] =	vst v3  }
0x18: {  	[tilespmem:$0x1C0] =	vst v4  }
0x19: {  	[tilespmem:$0x1D0] =	vst v61  }
0x1a: {  	[tilespmem:$0x1E0] =	vst v62  }
0x1b: {  	s31 =	simm.s32 $0x180;
	s30 =	sadd.s32 s2, s4;
	[tilespmem:$0x1F0] =	vst v63  }
0x1c: {  	[hbm4b:s30+s29] =	stream.linear.scatter [tilespmem:s31], [sflag:$0x2], $0x80, $0x38;
	[tilespmem:$0x200] =	vst v63  }
0x1d: {  	_ =	swait.ge [sflag:s28], $0x80  }
0x1e: {  	[sflag:s28] =	ssyncset.done $0x0  }
0x1f: {  	[sflag:s28] =	ssyncadd.s32 $0xFFFFFF80  }
0x20: {  	_ =	sfence.sel $0x180000  }
0x21: {  	[bflag:$0x0] =	sbarrier.arrive $0xFFFF  }
0x22: {  	[sflag:s26] =	ssyncpa.u1 $0x1  }
0x23: {  	[sflag:s28] =	ssyncpa.u1 $0x1  }
0x24: {  	_ =	strace $0x90000053  }
0x25: {  	s0 =	sadd.s32 @!p0 $0x100000, s3;
	[bflag:$0x2] =	sbarrier.arrive $0xFFFF  }
0x26: {  	[sflag:s0] =	ssyncadd.tile.s32 @!p0 $0x1;
	s0 =	simm.s32 @!p0 $0x3F  }
0x27: {  	_ =	swait.ge @!p0 [sflag:s0], s5  }
0x28: {  	s1 =	ssub.s32 @!p0 $0x0, s5;
	[sflag:s0] =	ssyncset.done @!p0 $0x0  }
0x29: {  	[sflag:s0] =	ssyncadd.s32 @!p0 s1  }
0x2a: {  	[bflag:$0x3] =	sbarrier.arrive $0xFFFF  }
0x2b: {  	_ =	shalt  }
.Lfunc_end2:
execute1_lowered:
.L_overlay_start_2:
0x2c: {  	(tag) =	ssettag $0x2  }
0x2d: {  	s1 =	rddreg [dreg:$0x0]  }
0x2e: {  	s2 =	rddreg [dreg:$0x1]  }
0x2f: {  	s0 =	rddreg [dreg:$0x2];
	s3 =	stileid.u32  }
0x30: {  	_ =	strace $0x80000056;
	s4 =	simm.s32 $0x3E;
	p0 =	sne.s32 s3, $0x0  }
0x31: {  	[sflag:s4] =	ssyncpa.u1 $0x0;
	s5 =	simm.s32 @!p0 $0x1C3E;
	s6 =	simm.s32 @!p0 $0x0  }
0x32: {  	[spmem:s6], [sflag:s5] =	dma.local @!p0 [hbm:s1], $0x100  }
0x33: {  	s5 =	simm.s32 @!p0 $0x3E  }
0x34: {  	_ =	swait.ge @!p0 [sflag:s5], $0x100  }
0x35: {  	[sflag:s5] =	ssyncset.done @!p0 $0x0  }
0x36: {  	s26 =	simm.s32 $0x1;
	[sflag:s5] =	ssyncadd.s32 @!p0 $0xFFFFFF00  }
0x37: {  	s28 =	simm.s32 $0x2;
	s7 =	simm.s32 $0x380;
	[bflag:$0x0] =	sbarrier.arrive $0xFFFF  }
0x38: {  	s3 =	smul.u32 $0x60, s3;
	s29 =	sadd.s32 $0xC00, s2;
	[sflag:s4] =	ssyncpa.u1 $0x1  }
0x39: {  	s30 =	sadd.s32 $0x1200, s2;
	s2 =	simm.s32 $0x0;
	[sflag:s26] =	ssyncpa.u1 $0x0  }
0x3a: {  	s5 =	sadd.s32 s29, s3;
	(ifvalue) =	ssetifvalue $0x800;
	[sflag:s28] =	ssyncpa.u1 $0x0  }
0x3b: {  	[tilespmem:s7], [sflag:$0x2] =	stream.linear.gather [hbm4b:s5+s2], $0x300, $0x38;
	[tilespmem:$0xC80] =	vst v63  }
0x3c: {  	s31 =	sadd.s32 s30, s3;
	s3 =	simm.s32 $0x980  }
0x3d: {  	[tilespmem:s3], [sflag:$0x2] =	stream.linear.gather [hbm4b:s31+s2], $0x300, $0x38;
	[tilespmem:$0xC80] =	vst v63  }
0x3e: {  	_ =	swait.ge [sflag:s28], $0x600  }
0x3f: {  	[sflag:s28] =	ssyncset.done $0x0  }
0x40: {  	[sflag:s28] =	ssyncadd.s32 $0xFFFFFA00  }
0x41: {  	v0 =	vld.msk [tilespmem:s7+$0x0 ss:$0x1], $0xffff;
	_ =	sdelay $0x4  }
0x42: {  	v0 =	vmin.u32 v0, $0x800;
	_ =	sdelay $0x3  }
0x43: {  	vm0 =	vmmov $0xffff;
	s4 =	simm.s32 $0x0;
	s5 =	simm.s32 $0x390  }
0x44: {  	[spmem:s2] =	stream.indirect_vreg.scatter.add.s32 [tilespmem:s3], [sflag:$0x1], $0x1, v0, vm0, $0x4038;
	[tilespmem:$0xC80] =	vst v63  }
.LBB3_1:
0x45: {  	v0 =	vld.msk [tilespmem:s5+$0x0 ss:$0x1], $0xffff;
	s4 =	sadd.s32 $0x10, s4  }
0x46: {  	p1 =	slt.u32 s4, $0x2F0;
	_ =	sdelay $0x4  }
0x47: {  	v0 =	vmin.u32 v0, $0x800  }
.Ltmp0:
0x48: {  	(pc) =	sbr.rel @p1 .LBB3_1-.Ltmp0, $3  }
0x49: {  	_ =	sdelay $0x1  }
0x4a: {  	s5 =	sadd.s32 $0x10, s5;
	s3 =	sadd.s32 $0x10, s3  }
0x4b: {  	[spmem:s2] =	stream.indirect_vreg.scatter.add.s32 [tilespmem:s3], [sflag:$0x1], $0x1, v0, vm0, $0x4038;
	[tilespmem:$0xC80] =	vst v63  }
0x4c: {  	s2 =	simm.s32 $0x1  }
0x4d: {  	_ =	swait.ge [sflag:s2], $0x300  }
0x4e: {  	[sflag:s2] =	ssyncset.done $0x0  }
0x4f: {  	[sflag:s2] =	ssyncadd.s32 $0xFFFFFD00  }
0x50: {  	_ =	sfence.sel $0x180000  }
0x51: {  	s3 =	simm.s32 $0x2;
	[bflag:$0x0] =	sbarrier.arrive $0xFFFF  }
0x52: {  	[sflag:s3] =	ssyncpa.u1 $0x1  }
0x53: {  	[sflag:s2] =	ssyncpa.u1 $0x1  }
0x54: {  	_ =	sfence.stream.spmem  }
0x55: {  	s31 =	simm.s32 $0x3D;
	[bflag:$0x0] =	sbarrier.arrive $0xFFFF  }
0x56: {  	s2 =	simm.s32 @p0 $0x3D;
	[sflag:s31] =	ssyncpa.u1 $0x0  }
0x57: {  	[sflag:s2] =	ssyncpa.u1 @p0 $0x1  }
0x58: {  	[bflag:$0x0] =	sbarrier.arrive @p0 $0xFFFF  }
0x59: {  	_ =	strace @p0 $0x90000056  }
0x5a: {  	s3 =	simm.s32 @!p0 $0x1C3D;
	s2 =	simm.s32 @!p0 $0x0;
	[bflag:$0x2] =	sbarrier.arrive @p0 $0xFFFF  }
0x5b: {  	[hbm:s1], [sflag:s3] =	dma.local @!p0 [spmem:s2], $0x100  }
0x5c: {  	s1 =	simm.s32 @!p0 $0x3D  }
0x5d: {  	_ =	swait.ge @!p0 [sflag:s1], $0x100  }
0x5e: {  	[sflag:s1] =	ssyncset.done @!p0 $0x0  }
0x5f: {  	[sflag:s1] =	ssyncadd.s32 @!p0 $0xFFFFFF00  }
0x60: {  	[sflag:s1] =	ssyncpa.u1 @!p0 $0x1  }
0x61: {  	[bflag:$0x0] =	sbarrier.arrive @!p0 $0xFFFF  }
0x62: {  	_ =	strace @!p0 $0x90000056  }
0x63: {  	s0 =	sadd.s32 @!p0 $0x100000, s0;
	[bflag:$0x2] =	sbarrier.arrive @!p0 $0xFFFF  }
0x64: {  	[sflag:s0] =	ssyncadd.tile.s32 @!p0 $0x1;
	_ =	shalt  }
.Lfunc_end3:
_tile_overlayer_lowered:
.L_overlay_start_3:
0x65: {  	(tag) =	ssettag $0x3  }
0x66: {  	s0 =	rddreg [dreg:$0x0];
	s2 =	stileid.u32  }
0x67: {  	s1 =	rddreg [dreg:$0x1];
	p0 =	sne.s32 s2, $0x0  }
0x68: {  	s3 =	rddreg [dreg:$0x2];
	[bflag:$0x3] =	sbarrier.arrive $0xFFFF;
	s2 =	simm.s32 @!p0 $0x1C01  }
0x69: {  	[timem:s3], [sflag:s2] =	dma.local @!p0 [hbm:s0], s1  }
0x6a: {  	s0 =	simm.s32 @!p0 $0x1  }
0x6b: {  	_ =	swait.ge @!p0 [sflag:s0], s1  }
0x6c: {  	s1 =	ssub.s32 @!p0 $0x0, s1;
	[sflag:s0] =	ssyncset.done @!p0 $0x0  }
0x6d: {  	[sflag:s0] =	ssyncadd.s32 @!p0 s1  }
0x6e: {  	[bflag:$0x3] =	sbarrier.arrive $0xFFFF  }
0x6f: {  	_ =	shalt  }

</sc_bundles>
